<compile_context>
chip_gen: v7x
topology: tpu7x:2x2x1
jax: 0.10.2.dev20260603
libtpu: 0.0.44.dev20260713+nightly
codegen_flags: <defaults>
</compile_context>

<pallas_src>
import functools

import jax
import jax.numpy as jnp
from jax import lax
from jax.experimental import pallas as pl
from jax.experimental.pallas import tpu as pltpu
from jax.experimental.pallas import tpu_sc as plsc

_D = 64
_B = 4096
_S = 200
_NW = 32
_RPW = _B // _NW
_NCH = _RPW * 2
_NBUF = 8
_PRE = 4
_SPLIT = ((0, 128), (128, 72))


def _emb_body(idx_hbm, table_hbm, out_hbm, idx_v, rows_v, gsem, wsem):
    nc = plsc.get_sparse_core_info().num_cores
    wid = lax.axis_index("s") * nc + lax.axis_index("c")
    r0 = wid * _RPW

    pltpu.sync_copy(idx_hbm.at[pl.ds(r0, _RPW)], idx_v)

    def gather(c, b):
        s0, n = _SPLIT[b % 2]
        pltpu.async_copy(
            table_hbm.at[idx_v.at[c // 2, pl.ds(s0, n)]],
            rows_v.at[b, pl.ds(0, n)],
            gsem.at[b],
        )

    def write(c, b):
        s0, n = _SPLIT[b % 2]
        pltpu.async_copy(
            rows_v.at[b, pl.ds(0, n)],
            out_hbm.at[r0 + c // 2, pl.ds(s0, n), pl.ds(0, _D)],
            wsem.at[b],
        )

    def wait_g(b):
        n = _SPLIT[b % 2][1]
        pltpu.make_async_copy(
            table_hbm.at[pl.ds(0, n)], rows_v.at[b, pl.ds(0, n)], gsem.at[b]
        ).wait()

    def wait_w(b):
        n = _SPLIT[b % 2][1]
        pltpu.make_async_copy(
            rows_v.at[b, pl.ds(0, n)],
            out_hbm.at[0, pl.ds(0, n), pl.ds(0, _D)],
            wsem.at[b],
        ).wait()

    for g in range(_PRE):
        gather(g, g)

    for c in range(_NBUF - _PRE):
        wait_g(c)
        write(c, c)
        gather(c + _PRE, c + _PRE)

    def outer(i, carry):
        base = (_NBUF - _PRE) + i * _NBUF
        for j in range(_NBUF):
            c = base + j
            b = (_NBUF - _PRE + j) % _NBUF
            bg = j
            wait_g(b)
            write(c, b)
            wait_w(bg)
            gather(c + _PRE, bg)
        return carry

    lax.fori_loop(0, (_NCH - _NBUF) // _NBUF, outer, 0)

    for j in range(_PRE):
        c = _NCH - _PRE + j
        wait_g(c % _NBUF)
        write(c, c % _NBUF)

    for j in range(_NBUF):
        wait_w((_NCH - _NBUF + j) % _NBUF)


_emb = functools.partial(
    pl.kernel,
    mesh=plsc.VectorSubcoreMesh(core_axis_name="c", subcore_axis_name="s"),
    out_type=jax.ShapeDtypeStruct((_B, _S, 2 * _D), jnp.float32),
    scratch_types=[
        pltpu.VMEM((_RPW, _S), jnp.int32),
        pltpu.VMEM((_NBUF, 128, _D), jnp.float32),
        pltpu.SemaphoreType.DMA((_NBUF,)),
        pltpu.SemaphoreType.DMA((_NBUF,)),
    ],
    compiler_params=pltpu.CompilerParams(use_tc_tiling_on_sc=False),
)(_emb_body)


def kernel(token_ids, embedding_matrix):
    out = _emb(token_ids.astype(jnp.int32), embedding_matrix)
    return out[:, :, :_D]

# --- scband reference (transcript-rebuilt; emitter-appended) ---
"""Pipeline reference for scband-embedding-52561809768867 (READ-ONLY COPY).

The authoritative reference and input builder live on the scoring server;
editing this copy changes nothing except your own understanding.
"""

import jax, jax.numpy as jnp
import numpy as np

NUM_EMBEDDINGS = 1000000
EMBEDDING_DIM = 64
BATCH = 4096
SEQ = 200

def setup_inputs(seed: int = 0) -> dict:
    key = jax.random.key(seed)
    k_idx, k_emb = jax.random.split(key)
    token_ids = jax.random.randint(k_idx, (BATCH, SEQ), 0, NUM_EMBEDDINGS, dtype=jnp.int64 if jax.config.jax_enable_x64 else jnp.int32)
    # trunc_normal_(mean=0, std=1, a=-3, b=3) approximated via truncated normal
    embedding_matrix = jax.random.truncated_normal(k_emb, -3.0, 3.0, (NUM_EMBEDDINGS, EMBEDDING_DIM), dtype=jnp.float32)
    return {"token_ids": token_ids, "embedding_matrix": embedding_matrix}

def reference(token_ids, embedding_matrix):
    # Faithful to the torch module: per-token row gather from embedding_matrix,
    # stacked over sequence then batch == a single vectorized gather.
    return jnp.take(embedding_matrix, token_ids, axis=0)

if __name__ == "__main__":
    import jax
    _d = setup_inputs()
    print(jax.jit(kernel)(*tuple(_d.values())))

</pallas_src>

<mosaic_0001>
#map = affine_map<(d0, d1) -> (0, 0)>
#map1 = affine_map<(d0, d1) -> (0, 0, 0)>
module attributes {stable_mosaic.version = 14 : i64} {
  func.func @_emb_body(%arg0: i32, %arg1: i32, %arg2: memref<4096x200xi32, #tpu.memory_space<hbm>>, %arg3: memref<1000000x64xf32, #tpu.memory_space<hbm>>, %arg4: memref<4096x200x128xf32, #tpu.memory_space<hbm>>, %arg5: memref<128x200xi32, #tpu.memory_space<vmem>>, %arg6: memref<8x128x64xf32, #tpu.memory_space<vmem>>, %arg7: memref<8x!tpu.dma_semaphore, #tpu.memory_space<semaphore_mem>>, %arg8: memref<8x!tpu.dma_semaphore, #tpu.memory_space<semaphore_mem>>) attributes {dimension_semantics = [#tpu.dimension_semantics<core_parallel>, #tpu.dimension_semantics<subcore_parallel>], iteration_bounds = array<i64: 2, 16>, scalar_prefetch = 0 : i64, scratch_operands = 4 : i64, tpu.core_type = #tpu.core_type<sc_vector_subcore>, window_params = [{transform_indices = #map}, {transform_indices = #map}, {transform_indices = #map1}]} {
    %mul3A = arith.constant 2 : i32
    %mul3A_0 = arith.muli %arg1, %mul3A : i32
    %add3A = arith.addi %mul3A_0, %arg0 : i32
    %mul3A_1 = arith.constant 128 : i32
    %mul3A_2 = arith.muli %add3A, %mul3A_1 : i32
    "tpu.region"() ({
      %run_scoped3A = tpu.sem_alloc : memref<!tpu.dma_semaphore, #tpu.memory_space<semaphore_mem>>
      %dma_start3A_614 = arith.constant 0 : i32
      %dma_start3A_615 = tpu.memref_slice %arg2[%mul3A_2, %dma_start3A_614] : memref<4096x200xi32, #tpu.memory_space<hbm>> -> memref<128x200xi32, #tpu.memory_space<hbm>>
      %dma_start3A_616 = arith.constant 0 : i32
      %dma_start3A_617 = tpu.memref_slice %arg2[%mul3A_2, %dma_start3A_616] : memref<4096x200xi32, #tpu.memory_space<hbm>> -> memref<128x200xi32, #tpu.memory_space<hbm>>
      tpu.enqueue_dma source(%dma_start3A_617 : memref<128x200xi32, #tpu.memory_space<hbm>>) target(%arg5 : memref<128x200xi32, #tpu.memory_space<vmem>>) target_semaphore(%run_scoped3A : memref<!tpu.dma_semaphore, #tpu.memory_space<semaphore_mem>>)
      %dma_wait3A_618 = arith.constant 0 : i32
      %dma_wait3A_619 = tpu.memref_slice %arg2[%mul3A_2, %dma_wait3A_618] : memref<4096x200xi32, #tpu.memory_space<hbm>> -> memref<128x200xi32, #tpu.memory_space<hbm>>
      %dma_wait3A_620 = arith.constant 0 : i32
      %dma_wait3A_621 = tpu.memref_slice %arg2[%mul3A_2, %dma_wait3A_620] : memref<4096x200xi32, #tpu.memory_space<hbm>> -> memref<128x200xi32, #tpu.memory_space<hbm>>
      tpu.wait_dma2 semaphore(%run_scoped3A : memref<!tpu.dma_semaphore, #tpu.memory_space<semaphore_mem>>) src(%dma_wait3A_621 : memref<128x200xi32, #tpu.memory_space<hbm>>) dst(%arg5 : memref<128x200xi32, #tpu.memory_space<vmem>>)
      tpu.yield
    }) : () -> ()
    %dma_start3A = arith.constant 0 : i32
    %dma_start3A_3 = arith.constant 0 : i32
    %dma_start3A_4 = arith.constant 0 : i32
    %dma_start3A_5 = arith.constant 0 : i32
    %dma_start3A_6 = arith.constant 0 : i32
    %dma_start3A_7 = tpu.memref_slice %arg6[%dma_start3A_3, %dma_start3A_5, %dma_start3A_6] : memref<8x128x64xf32, #tpu.memory_space<vmem>> -> memref<1x128x64xf32, #tpu.memory_space<vmem>>
    %dma_start3A_8 = tpu.memref_squeeze %dma_start3A_7 : memref<1x128x64xf32, #tpu.memory_space<vmem>> -> memref<128x64xf32, #tpu.memory_space<vmem>>
    %dma_start3A_9 = arith.constant 0 : i32
    %dma_start3A_10 = tpu.memref_slice %arg5[%dma_start3A, %dma_start3A_9] : memref<128x200xi32, #tpu.memory_space<vmem>> -> memref<1x128xi32, #tpu.memory_space<vmem>>
    %dma_start3A_11 = tpu.memref_squeeze %dma_start3A_10 : memref<1x128xi32, #tpu.memory_space<vmem>> -> memref<128xi32, #tpu.memory_space<vmem>>
    %dma_start3A_12 = arith.constant 0 : i32
    %dma_start3A_13 = arith.constant 0 : i32
    %dma_start3A_14 = tpu.memref_slice %arg3[%dma_start3A_12, %dma_start3A_13] : memref<1000000x64xf32, #tpu.memory_space<hbm>> -> memref<1000000x64xf32, #tpu.memory_space<hbm>>
    %dma_start3A_15 = tpu.memref_slice %arg7[%dma_start3A_4] : memref<8x!tpu.dma_semaphore, #tpu.memory_space<semaphore_mem>> -> memref<1x!tpu.dma_semaphore, #tpu.memory_space<semaphore_mem>>
    %dma_start3A_16 = tpu.memref_squeeze %dma_start3A_15 : memref<1x!tpu.dma_semaphore, #tpu.memory_space<semaphore_mem>> -> memref<!tpu.dma_semaphore, #tpu.memory_space<semaphore_mem>>
    tpu.enqueue_indirect_dma source(%dma_start3A_14 : memref<1000000x64xf32, #tpu.memory_space<hbm>>) target(%dma_start3A_8 : memref<128x64xf32, #tpu.memory_space<vmem>>) offsets(%dma_start3A_11 : memref<128xi32, #tpu.memory_space<vmem>>) semaphore(%dma_start3A_16 : memref<!tpu.dma_semaphore, #tpu.memory_space<semaphore_mem>>)
    %dma_start3A_17 = arith.constant 0 : i32
    %dma_start3A_18 = arith.constant 1 : i32
    %dma_start3A_19 = arith.constant 1 : i32
    %dma_start3A_20 = arith.constant 0 : i32
    %dma_start3A_21 = arith.constant 0 : i32
    %dma_start3A_22 = tpu.memref_slice %arg6[%dma_start3A_18, %dma_start3A_20, %dma_start3A_21] : memref<8x128x64xf32, #tpu.memory_space<vmem>> -> memref<1x72x64xf32, #tpu.memory_space<vmem>>
    %dma_start3A_23 = tpu.memref_squeeze %dma_start3A_22 : memref<1x72x64xf32, #tpu.memory_space<vmem>> -> memref<72x64xf32, #tpu.memory_space<vmem>>
    %dma_start3A_24 = arith.constant 128 : i32
    %dma_start3A_25 = tpu.memref_slice %arg5[%dma_start3A_17, %dma_start3A_24] : memref<128x200xi32, #tpu.memory_space<vmem>> -> memref<1x72xi32, #tpu.memory_space<vmem>>
    %dma_start3A_26 = tpu.memref_squeeze %dma_start3A_25 : memref<1x72xi32, #tpu.memory_space<vmem>> -> memref<72xi32, #tpu.memory_space<vmem>>
    %dma_start3A_27 = arith.constant 0 : i32
    %dma_start3A_28 = arith.constant 0 : i32
    %dma_start3A_29 = tpu.memref_slice %arg3[%dma_start3A_27, %dma_start3A_28] : memref<1000000x64xf32, #tpu.memory_space<hbm>> -> memref<1000000x64xf32, #tpu.memory_space<hbm>>
    %dma_start3A_30 = tpu.memref_slice %arg7[%dma_start3A_19] : memref<8x!tpu.dma_semaphore, #tpu.memory_space<semaphore_mem>> -> memref<1x!tpu.dma_semaphore, #tpu.memory_space<semaphore_mem>>
    %dma_start3A_31 = tpu.memref_squeeze %dma_start3A_30 : memref<1x!tpu.dma_semaphore, #tpu.memory_space<semaphore_mem>> -> memref<!tpu.dma_semaphore, #tpu.memory_space<semaphore_mem>>
    tpu.enqueue_indirect_dma source(%dma_start3A_29 : memref<1000000x64xf32, #tpu.memory_space<hbm>>) target(%dma_start3A_23 : memref<72x64xf32, #tpu.memory_space<vmem>>) offsets(%dma_start3A_26 : memref<72xi32, #tpu.memory_space<vmem>>) semaphore(%dma_start3A_31 : memref<!tpu.dma_semaphore, #tpu.memory_space<semaphore_mem>>)
    %dma_start3A_32 = arith.constant 1 : i32
    %dma_start3A_33 = arith.constant 2 : i32
    %dma_start3A_34 = arith.constant 2 : i32
    %dma_start3A_35 = arith.constant 0 : i32
    %dma_start3A_36 = arith.constant 0 : i32
    %dma_start3A_37 = tpu.memref_slice %arg6[%dma_start3A_33, %dma_start3A_35, %dma_start3A_36] : memref<8x128x64xf32, #tpu.memory_space<vmem>> -> memref<1x128x64xf32, #tpu.memory_space<vmem>>
    %dma_start3A_38 = tpu.memref_squeeze %dma_start3A_37 : memref<1x128x64xf32, #tpu.memory_space<vmem>> -> memref<128x64xf32, #tpu.memory_space<vmem>>
    %dma_start3A_39 = arith.constant 0 : i32
    %dma_start3A_40 = tpu.memref_slice %arg5[%dma_start3A_32, %dma_start3A_39] : memref<128x200xi32, #tpu.memory_space<vmem>> -> memref<1x128xi32, #tpu.memory_space<vmem>>
    %dma_start3A_41 = tpu.memref_squeeze %dma_start3A_40 : memref<1x128xi32, #tpu.memory_space<vmem>> -> memref<128xi32, #tpu.memory_space<vmem>>
    %dma_start3A_42 = arith.constant 0 : i32
    %dma_start3A_43 = arith.constant 0 : i32
    %dma_start3A_44 = tpu.memref_slice %arg3[%dma_start3A_42, %dma_start3A_43] : memref<1000000x64xf32, #tpu.memory_space<hbm>> -> memref<1000000x64xf32, #tpu.memory_space<hbm>>
    %dma_start3A_45 = tpu.memref_slice %arg7[%dma_start3A_34] : memref<8x!tpu.dma_semaphore, #tpu.memory_space<semaphore_mem>> -> memref<1x!tpu.dma_semaphore, #tpu.memory_space<semaphore_mem>>
    %dma_start3A_46 = tpu.memref_squeeze %dma_start3A_45 : memref<1x!tpu.dma_semaphore, #tpu.memory_space<semaphore_mem>> -> memref<!tpu.dma_semaphore, #tpu.memory_space<semaphore_mem>>
    tpu.enqueue_indirect_dma source(%dma_start3A_44 : memref<1000000x64xf32, #tpu.memory_space<hbm>>) target(%dma_start3A_38 : memref<128x64xf32, #tpu.memory_space<vmem>>) offsets(%dma_start3A_41 : memref<128xi32, #tpu.memory_space<vmem>>) semaphore(%dma_start3A_46 : memref<!tpu.dma_semaphore, #tpu.memory_space<semaphore_mem>>)
    %dma_start3A_47 = arith.constant 1 : i32
    %dma_start3A_48 = arith.constant 3 : i32
    %dma_start3A_49 = arith.constant 3 : i32
    %dma_start3A_50 = arith.constant 0 : i32
    %dma_start3A_51 = arith.constant 0 : i32
    %dma_start3A_52 = tpu.memref_slice %arg6[%dma_start3A_48, %dma_start3A_50, %dma_start3A_51] : memref<8x128x64xf32, #tpu.memory_space<vmem>> -> memref<1x72x64xf32, #tpu.memory_space<vmem>>
    %dma_start3A_53 = tpu.memref_squeeze %dma_start3A_52 : memref<1x72x64xf32, #tpu.memory_space<vmem>> -> memref<72x64xf32, #tpu.memory_space<vmem>>
    %dma_start3A_54 = arith.constant 128 : i32
    %dma_start3A_55 = tpu.memref_slice %arg5[%dma_start3A_47, %dma_start3A_54] : memref<128x200xi32, #tpu.memory_space<vmem>> -> memref<1x72xi32, #tpu.memory_space<vmem>>
    %dma_start3A_56 = tpu.memref_squeeze %dma_start3A_55 : memref<1x72xi32, #tpu.memory_space<vmem>> -> memref<72xi32, #tpu.memory_space<vmem>>
    %dma_start3A_57 = arith.constant 0 : i32
    %dma_start3A_58 = arith.constant 0 : i32
    %dma_start3A_59 = tpu.memref_slice %arg3[%dma_start3A_57, %dma_start3A_58] : memref<1000000x64xf32, #tpu.memory_space<hbm>> -> memref<1000000x64xf32, #tpu.memory_space<hbm>>
    %dma_start3A_60 = tpu.memref_slice %arg7[%dma_start3A_49] : memref<8x!tpu.dma_semaphore, #tpu.memory_space<semaphore_mem>> -> memref<1x!tpu.dma_semaphore, #tpu.memory_space<semaphore_mem>>
    %dma_start3A_61 = tpu.memref_squeeze %dma_start3A_60 : memref<1x!tpu.dma_semaphore, #tpu.memory_space<semaphore_mem>> -> memref<!tpu.dma_semaphore, #tpu.memory_space<semaphore_mem>>
    tpu.enqueue_indirect_dma source(%dma_start3A_59 : memref<1000000x64xf32, #tpu.memory_space<hbm>>) target(%dma_start3A_53 : memref<72x64xf32, #tpu.memory_space<vmem>>) offsets(%dma_start3A_56 : memref<72xi32, #tpu.memory_space<vmem>>) semaphore(%dma_start3A_61 : memref<!tpu.dma_semaphore, #tpu.memory_space<semaphore_mem>>)
    %dma_wait3A = arith.constant 0 : i32
    %dma_wait3A_62 = arith.constant 0 : i32
    %dma_wait3A_63 = arith.constant 0 : i32
    %dma_wait3A_64 = arith.constant 0 : i32
    %dma_wait3A_65 = tpu.memref_slice %arg6[%dma_wait3A, %dma_wait3A_63, %dma_wait3A_64] : memref<8x128x64xf32, #tpu.memory_space<vmem>> -> memref<1x128x64xf32, #tpu.memory_space<vmem>>
    %dma_wait3A_66 = tpu.memref_squeeze %dma_wait3A_65 : memref<1x128x64xf32, #tpu.memory_space<vmem>> -> memref<128x64xf32, #tpu.memory_space<vmem>>
    %dma_wait3A_67 = arith.constant 0 : i32
    %dma_wait3A_68 = arith.constant 0 : i32
    %dma_wait3A_69 = tpu.memref_slice %arg3[%dma_wait3A_67, %dma_wait3A_68] : memref<1000000x64xf32, #tpu.memory_space<hbm>> -> memref<128x64xf32, #tpu.memory_space<hbm>>
    %dma_wait3A_70 = tpu.memref_slice %arg7[%dma_wait3A_62] : memref<8x!tpu.dma_semaphore, #tpu.memory_space<semaphore_mem>> -> memref<1x!tpu.dma_semaphore, #tpu.memory_space<semaphore_mem>>
    %dma_wait3A_71 = tpu.memref_squeeze %dma_wait3A_70 : memref<1x!tpu.dma_semaphore, #tpu.memory_space<semaphore_mem>> -> memref<!tpu.dma_semaphore, #tpu.memory_space<semaphore_mem>>
    %dma_wait3A_72 = arith.constant 0 : i32
    %dma_wait3A_73 = arith.constant 0 : i32
    %dma_wait3A_74 = tpu.memref_slice %arg6[%dma_wait3A, %dma_wait3A_72, %dma_wait3A_73] : memref<8x128x64xf32, #tpu.memory_space<vmem>> -> memref<1x128x64xf32, #tpu.memory_space<vmem>>
    %dma_wait3A_75 = tpu.memref_squeeze %dma_wait3A_74 : memref<1x128x64xf32, #tpu.memory_space<vmem>> -> memref<128x64xf32, #tpu.memory_space<vmem>>
    %dma_wait3A_76 = arith.constant 0 : i32
    %dma_wait3A_77 = arith.constant 0 : i32
    %dma_wait3A_78 = tpu.memref_slice %arg3[%dma_wait3A_76, %dma_wait3A_77] : memref<1000000x64xf32, #tpu.memory_space<hbm>> -> memref<128x64xf32, #tpu.memory_space<hbm>>
    tpu.wait_dma2 semaphore(%dma_wait3A_71 : memref<!tpu.dma_semaphore, #tpu.memory_space<semaphore_mem>>) src(%dma_wait3A_78 : memref<128x64xf32, #tpu.memory_space<hbm>>) dst(%dma_wait3A_75 : memref<128x64xf32, #tpu.memory_space<vmem>>)
    %add3A_79 = arith.constant 0 : i32
    %add3A_80 = arith.addi %mul3A_2, %add3A_79 : i32
    %dma_start3A_81 = arith.constant 0 : i32
    %dma_start3A_82 = arith.constant 0 : i32
    %dma_start3A_83 = arith.constant 0 : i32
    %dma_start3A_84 = arith.constant 0 : i32
    %dma_start3A_85 = tpu.memref_slice %arg6[%dma_start3A_81, %dma_start3A_83, %dma_start3A_84] : memref<8x128x64xf32, #tpu.memory_space<vmem>> -> memref<1x128x64xf32, #tpu.memory_space<vmem>>
    %dma_start3A_86 = tpu.memref_squeeze %dma_start3A_85 : memref<1x128x64xf32, #tpu.memory_space<vmem>> -> memref<128x64xf32, #tpu.memory_space<vmem>>
    %dma_start3A_87 = arith.constant 0 : i32
    %dma_start3A_88 = arith.constant 0 : i32
    %dma_start3A_89 = tpu.memref_slice %arg4[%add3A_80, %dma_start3A_87, %dma_start3A_88] : memref<4096x200x128xf32, #tpu.memory_space<hbm>> -> memref<1x128x64xf32, #tpu.memory_space<hbm>>
    %dma_start3A_90 = tpu.memref_squeeze %dma_start3A_89 : memref<1x128x64xf32, #tpu.memory_space<hbm>> -> memref<128x64xf32, #tpu.memory_space<hbm>>
    %dma_start3A_91 = tpu.memref_slice %arg8[%dma_start3A_82] : memref<8x!tpu.dma_semaphore, #tpu.memory_space<semaphore_mem>> -> memref<1x!tpu.dma_semaphore, #tpu.memory_space<semaphore_mem>>
    %dma_start3A_92 = tpu.memref_squeeze %dma_start3A_91 : memref<1x!tpu.dma_semaphore, #tpu.memory_space<semaphore_mem>> -> memref<!tpu.dma_semaphore, #tpu.memory_space<semaphore_mem>>
    %dma_start3A_93 = arith.constant 0 : i32
    %dma_start3A_94 = arith.constant 0 : i32
    %dma_start3A_95 = tpu.memref_slice %arg4[%add3A_80, %dma_start3A_93, %dma_start3A_94] : memref<4096x200x128xf32, #tpu.memory_space<hbm>> -> memref<1x128x64xf32, #tpu.memory_space<hbm>>
    %dma_start3A_96 = tpu.memref_squeeze %dma_start3A_95 : memref<1x128x64xf32, #tpu.memory_space<hbm>> -> memref<128x64xf32, #tpu.memory_space<hbm>>
    %dma_start3A_97 = arith.constant 0 : i32
    %dma_start3A_98 = arith.constant 0 : i32
    %dma_start3A_99 = tpu.memref_slice %arg6[%dma_start3A_81, %dma_start3A_97, %dma_start3A_98] : memref<8x128x64xf32, #tpu.memory_space<vmem>> -> memref<1x128x64xf32, #tpu.memory_space<vmem>>
    %dma_start3A_100 = tpu.memref_squeeze %dma_start3A_99 : memref<1x128x64xf32, #tpu.memory_space<vmem>> -> memref<128x64xf32, #tpu.memory_space<vmem>>
    tpu.enqueue_dma source(%dma_start3A_100 : memref<128x64xf32, #tpu.memory_space<vmem>>) target(%dma_start3A_96 : memref<128x64xf32, #tpu.memory_space<hbm>>) target_semaphore(%dma_start3A_92 : memref<!tpu.dma_semaphore, #tpu.memory_space<semaphore_mem>>)
    %dma_start3A_101 = arith.constant 2 : i32
    %dma_start3A_102 = arith.constant 4 : i32
    %dma_start3A_103 = arith.constant 4 : i32
    %dma_start3A_104 = arith.constant 0 : i32
    %dma_start3A_105 = arith.constant 0 : i32
    %dma_start3A_106 = tpu.memref_slice %arg6[%dma_start3A_102, %dma_start3A_104, %dma_start3A_105] : memref<8x128x64xf32, #tpu.memory_space<vmem>> -> memref<1x128x64xf32, #tpu.memory_space<vmem>>
    %dma_start3A_107 = tpu.memref_squeeze %dma_start3A_106 : memref<1x128x64xf32, #tpu.memory_space<vmem>> -> memref<128x64xf32, #tpu.memory_space<vmem>>
    %dma_start3A_108 = arith.constant 0 : i32
    %dma_start3A_109 = tpu.memref_slice %arg5[%dma_start3A_101, %dma_start3A_108] : memref<128x200xi32, #tpu.memory_space<vmem>> -> memref<1x128xi32, #tpu.memory_space<vmem>>
    %dma_start3A_110 = tpu.memref_squeeze %dma_start3A_109 : memref<1x128xi32, #tpu.memory_space<vmem>> -> memref<128xi32, #tpu.memory_space<vmem>>
    %dma_start3A_111 = arith.constant 0 : i32
    %dma_start3A_112 = arith.constant 0 : i32
    %dma_start3A_113 = tpu.memref_slice %arg3[%dma_start3A_111, %dma_start3A_112] : memref<1000000x64xf32, #tpu.memory_space<hbm>> -> memref<1000000x64xf32, #tpu.memory_space<hbm>>
    %dma_start3A_114 = tpu.memref_slice %arg7[%dma_start3A_103] : memref<8x!tpu.dma_semaphore, #tpu.memory_space<semaphore_mem>> -> memref<1x!tpu.dma_semaphore, #tpu.memory_space<semaphore_mem>>
    %dma_start3A_115 = tpu.memref_squeeze %dma_start3A_114 : memref<1x!tpu.dma_semaphore, #tpu.memory_space<semaphore_mem>> -> memref<!tpu.dma_semaphore, #tpu.memory_space<semaphore_mem>>
    tpu.enqueue_indirect_dma source(%dma_start3A_113 : memref<1000000x64xf32, #tpu.memory_space<hbm>>) target(%dma_start3A_107 : memref<128x64xf32, #tpu.memory_space<vmem>>) offsets(%dma_start3A_110 : memref<128xi32, #tpu.memory_space<vmem>>) semaphore(%dma_start3A_115 : memref<!tpu.dma_semaphore, #tpu.memory_space<semaphore_mem>>)
    %dma_wait3A_116 = arith.constant 1 : i32
    %dma_wait3A_117 = arith.constant 1 : i32
    %dma_wait3A_118 = arith.constant 0 : i32
    %dma_wait3A_119 = arith.constant 0 : i32
    %dma_wait3A_120 = tpu.memref_slice %arg6[%dma_wait3A_116, %dma_wait3A_118, %dma_wait3A_119] : memref<8x128x64xf32, #tpu.memory_space<vmem>> -> memref<1x72x64xf32, #tpu.memory_space<vmem>>
    %dma_wait3A_121 = tpu.memref_squeeze %dma_wait3A_120 : memref<1x72x64xf32, #tpu.memory_space<vmem>> -> memref<72x64xf32, #tpu.memory_space<vmem>>
    %dma_wait3A_122 = arith.constant 0 : i32
    %dma_wait3A_123 = arith.constant 0 : i32
    %dma_wait3A_124 = tpu.memref_slice %arg3[%dma_wait3A_122, %dma_wait3A_123] : memref<1000000x64xf32, #tpu.memory_space<hbm>> -> memref<72x64xf32, #tpu.memory_space<hbm>>
    %dma_wait3A_125 = tpu.memref_slice %arg7[%dma_wait3A_117] : memref<8x!tpu.dma_semaphore, #tpu.memory_space<semaphore_mem>> -> memref<1x!tpu.dma_semaphore, #tpu.memory_space<semaphore_mem>>
    %dma_wait3A_126 = tpu.memref_squeeze %dma_wait3A_125 : memref<1x!tpu.dma_semaphore, #tpu.memory_space<semaphore_mem>> -> memref<!tpu.dma_semaphore, #tpu.memory_space<semaphore_mem>>
    %dma_wait3A_127 = arith.constant 0 : i32
    %dma_wait3A_128 = arith.constant 0 : i32
    %dma_wait3A_129 = tpu.memref_slice %arg6[%dma_wait3A_116, %dma_wait3A_127, %dma_wait3A_128] : memref<8x128x64xf32, #tpu.memory_space<vmem>> -> memref<1x72x64xf32, #tpu.memory_space<vmem>>
    %dma_wait3A_130 = tpu.memref_squeeze %dma_wait3A_129 : memref<1x72x64xf32, #tpu.memory_space<vmem>> -> memref<72x64xf32, #tpu.memory_space<vmem>>
    %dma_wait3A_131 = arith.constant 0 : i32
    %dma_wait3A_132 = arith.constant 0 : i32
    %dma_wait3A_133 = tpu.memref_slice %arg3[%dma_wait3A_131, %dma_wait3A_132] : memref<1000000x64xf32, #tpu.memory_space<hbm>> -> memref<72x64xf32, #tpu.memory_space<hbm>>
    tpu.wait_dma2 semaphore(%dma_wait3A_126 : memref<!tpu.dma_semaphore, #tpu.memory_space<semaphore_mem>>) src(%dma_wait3A_133 : memref<72x64xf32, #tpu.memory_space<hbm>>) dst(%dma_wait3A_130 : memref<72x64xf32, #tpu.memory_space<vmem>>)
    %add3A_134 = arith.constant 0 : i32
    %add3A_135 = arith.addi %mul3A_2, %add3A_134 : i32
    %dma_start3A_136 = arith.constant 1 : i32
    %dma_start3A_137 = arith.constant 1 : i32
    %dma_start3A_138 = arith.constant 0 : i32
    %dma_start3A_139 = arith.constant 0 : i32
    %dma_start3A_140 = tpu.memref_slice %arg6[%dma_start3A_136, %dma_start3A_138, %dma_start3A_139] : memref<8x128x64xf32, #tpu.memory_space<vmem>> -> memref<1x72x64xf32, #tpu.memory_space<vmem>>
    %dma_start3A_141 = tpu.memref_squeeze %dma_start3A_140 : memref<1x72x64xf32, #tpu.memory_space<vmem>> -> memref<72x64xf32, #tpu.memory_space<vmem>>
    %dma_start3A_142 = arith.constant 128 : i32
    %dma_start3A_143 = arith.constant 0 : i32
    %dma_start3A_144 = tpu.memref_slice %arg4[%add3A_135, %dma_start3A_142, %dma_start3A_143] : memref<4096x200x128xf32, #tpu.memory_space<hbm>> -> memref<1x72x64xf32, #tpu.memory_space<hbm>>
    %dma_start3A_145 = tpu.memref_squeeze %dma_start3A_144 : memref<1x72x64xf32, #tpu.memory_space<hbm>> -> memref<72x64xf32, #tpu.memory_space<hbm>>
    %dma_start3A_146 = tpu.memref_slice %arg8[%dma_start3A_137] : memref<8x!tpu.dma_semaphore, #tpu.memory_space<semaphore_mem>> -> memref<1x!tpu.dma_semaphore, #tpu.memory_space<semaphore_mem>>
    %dma_start3A_147 = tpu.memref_squeeze %dma_start3A_146 : memref<1x!tpu.dma_semaphore, #tpu.memory_space<semaphore_mem>> -> memref<!tpu.dma_semaphore, #tpu.memory_space<semaphore_mem>>
    %dma_start3A_148 = arith.constant 128 : i32
    %dma_start3A_149 = arith.constant 0 : i32
    %dma_start3A_150 = tpu.memref_slice %arg4[%add3A_135, %dma_start3A_148, %dma_start3A_149] : memref<4096x200x128xf32, #tpu.memory_space<hbm>> -> memref<1x72x64xf32, #tpu.memory_space<hbm>>
    %dma_start3A_151 = tpu.memref_squeeze %dma_start3A_150 : memref<1x72x64xf32, #tpu.memory_space<hbm>> -> memref<72x64xf32, #tpu.memory_space<hbm>>
    %dma_start3A_152 = arith.constant 0 : i32
    %dma_start3A_153 = arith.constant 0 : i32
    %dma_start3A_154 = tpu.memref_slice %arg6[%dma_start3A_136, %dma_start3A_152, %dma_start3A_153] : memref<8x128x64xf32, #tpu.memory_space<vmem>> -> memref<1x72x64xf32, #tpu.memory_space<vmem>>
    %dma_start3A_155 = tpu.memref_squeeze %dma_start3A_154 : memref<1x72x64xf32, #tpu.memory_space<vmem>> -> memref<72x64xf32, #tpu.memory_space<vmem>>
    tpu.enqueue_dma source(%dma_start3A_155 : memref<72x64xf32, #tpu.memory_space<vmem>>) target(%dma_start3A_151 : memref<72x64xf32, #tpu.memory_space<hbm>>) target_semaphore(%dma_start3A_147 : memref<!tpu.dma_semaphore, #tpu.memory_space<semaphore_mem>>)
    %dma_start3A_156 = arith.constant 2 : i32
    %dma_start3A_157 = arith.constant 5 : i32
    %dma_start3A_158 = arith.constant 5 : i32
    %dma_start3A_159 = arith.constant 0 : i32
    %dma_start3A_160 = arith.constant 0 : i32
    %dma_start3A_161 = tpu.memref_slice %arg6[%dma_start3A_157, %dma_start3A_159, %dma_start3A_160] : memref<8x128x64xf32, #tpu.memory_space<vmem>> -> memref<1x72x64xf32, #tpu.memory_space<vmem>>
    %dma_start3A_162 = tpu.memref_squeeze %dma_start3A_161 : memref<1x72x64xf32, #tpu.memory_space<vmem>> -> memref<72x64xf32, #tpu.memory_space<vmem>>
    %dma_start3A_163 = arith.constant 128 : i32
    %dma_start3A_164 = tpu.memref_slice %arg5[%dma_start3A_156, %dma_start3A_163] : memref<128x200xi32, #tpu.memory_space<vmem>> -> memref<1x72xi32, #tpu.memory_space<vmem>>
    %dma_start3A_165 = tpu.memref_squeeze %dma_start3A_164 : memref<1x72xi32, #tpu.memory_space<vmem>> -> memref<72xi32, #tpu.memory_space<vmem>>
    %dma_start3A_166 = arith.constant 0 : i32
    %dma_start3A_167 = arith.constant 0 : i32
    %dma_start3A_168 = tpu.memref_slice %arg3[%dma_start3A_166, %dma_start3A_167] : memref<1000000x64xf32, #tpu.memory_space<hbm>> -> memref<1000000x64xf32, #tpu.memory_space<hbm>>
    %dma_start3A_169 = tpu.memref_slice %arg7[%dma_start3A_158] : memref<8x!tpu.dma_semaphore, #tpu.memory_space<semaphore_mem>> -> memref<1x!tpu.dma_semaphore, #tpu.memory_space<semaphore_mem>>
    %dma_start3A_170 = tpu.memref_squeeze %dma_start3A_169 : memref<1x!tpu.dma_semaphore, #tpu.memory_space<semaphore_mem>> -> memref<!tpu.dma_semaphore, #tpu.memory_space<semaphore_mem>>
    tpu.enqueue_indirect_dma source(%dma_start3A_168 : memref<1000000x64xf32, #tpu.memory_space<hbm>>) target(%dma_start3A_162 : memref<72x64xf32, #tpu.memory_space<vmem>>) offsets(%dma_start3A_165 : memref<72xi32, #tpu.memory_space<vmem>>) semaphore(%dma_start3A_170 : memref<!tpu.dma_semaphore, #tpu.memory_space<semaphore_mem>>)
    %dma_wait3A_171 = arith.constant 2 : i32
    %dma_wait3A_172 = arith.constant 2 : i32
    %dma_wait3A_173 = arith.constant 0 : i32
    %dma_wait3A_174 = arith.constant 0 : i32
    %dma_wait3A_175 = tpu.memref_slice %arg6[%dma_wait3A_171, %dma_wait3A_173, %dma_wait3A_174] : memref<8x128x64xf32, #tpu.memory_space<vmem>> -> memref<1x128x64xf32, #tpu.memory_space<vmem>>
    %dma_wait3A_176 = tpu.memref_squeeze %dma_wait3A_175 : memref<1x128x64xf32, #tpu.memory_space<vmem>> -> memref<128x64xf32, #tpu.memory_space<vmem>>
    %dma_wait3A_177 = arith.constant 0 : i32
    %dma_wait3A_178 = arith.constant 0 : i32
    %dma_wait3A_179 = tpu.memref_slice %arg3[%dma_wait3A_177, %dma_wait3A_178] : memref<1000000x64xf32, #tpu.memory_space<hbm>> -> memref<128x64xf32, #tpu.memory_space<hbm>>
    %dma_wait3A_180 = tpu.memref_slice %arg7[%dma_wait3A_172] : memref<8x!tpu.dma_semaphore, #tpu.memory_space<semaphore_mem>> -> memref<1x!tpu.dma_semaphore, #tpu.memory_space<semaphore_mem>>
    %dma_wait3A_181 = tpu.memref_squeeze %dma_wait3A_180 : memref<1x!tpu.dma_semaphore, #tpu.memory_space<semaphore_mem>> -> memref<!tpu.dma_semaphore, #tpu.memory_space<semaphore_mem>>
    %dma_wait3A_182 = arith.constant 0 : i32
    %dma_wait3A_183 = arith.constant 0 : i32
    %dma_wait3A_184 = tpu.memref_slice %arg6[%dma_wait3A_171, %dma_wait3A_182, %dma_wait3A_183] : memref<8x128x64xf32, #tpu.memory_space<vmem>> -> memref<1x128x64xf32, #tpu.memory_space<vmem>>
    %dma_wait3A_185 = tpu.memref_squeeze %dma_wait3A_184 : memref<1x128x64xf32, #tpu.memory_space<vmem>> -> memref<128x64xf32, #tpu.memory_space<vmem>>
    %dma_wait3A_186 = arith.constant 0 : i32
    %dma_wait3A_187 = arith.constant 0 : i32
    %dma_wait3A_188 = tpu.memref_slice %arg3[%dma_wait3A_186, %dma_wait3A_187] : memref<1000000x64xf32, #tpu.memory_space<hbm>> -> memref<128x64xf32, #tpu.memory_space<hbm>>
    tpu.wait_dma2 semaphore(%dma_wait3A_181 : memref<!tpu.dma_semaphore, #tpu.memory_space<semaphore_mem>>) src(%dma_wait3A_188 : memref<128x64xf32, #tpu.memory_space<hbm>>) dst(%dma_wait3A_185 : memref<128x64xf32, #tpu.memory_space<vmem>>)
    %add3A_189 = arith.constant 1 : i32
    %add3A_190 = arith.addi %mul3A_2, %add3A_189 : i32
    %dma_start3A_191 = arith.constant 2 : i32
    %dma_start3A_192 = arith.constant 2 : i32
    %dma_start3A_193 = arith.constant 0 : i32
    %dma_start3A_194 = arith.constant 0 : i32
    %dma_start3A_195 = tpu.memref_slice %arg6[%dma_start3A_191, %dma_start3A_193, %dma_start3A_194] : memref<8x128x64xf32, #tpu.memory_space<vmem>> -> memref<1x128x64xf32, #tpu.memory_space<vmem>>
    %dma_start3A_196 = tpu.memref_squeeze %dma_start3A_195 : memref<1x128x64xf32, #tpu.memory_space<vmem>> -> memref<128x64xf32, #tpu.memory_space<vmem>>
    %dma_start3A_197 = arith.constant 0 : i32
    %dma_start3A_198 = arith.constant 0 : i32
    %dma_start3A_199 = tpu.memref_slice %arg4[%add3A_190, %dma_start3A_197, %dma_start3A_198] : memref<4096x200x128xf32, #tpu.memory_space<hbm>> -> memref<1x128x64xf32, #tpu.memory_space<hbm>>
    %dma_start3A_200 = tpu.memref_squeeze %dma_start3A_199 : memref<1x128x64xf32, #tpu.memory_space<hbm>> -> memref<128x64xf32, #tpu.memory_space<hbm>>
    %dma_start3A_201 = tpu.memref_slice %arg8[%dma_start3A_192] : memref<8x!tpu.dma_semaphore, #tpu.memory_space<semaphore_mem>> -> memref<1x!tpu.dma_semaphore, #tpu.memory_space<semaphore_mem>>
    %dma_start3A_202 = tpu.memref_squeeze %dma_start3A_201 : memref<1x!tpu.dma_semaphore, #tpu.memory_space<semaphore_mem>> -> memref<!tpu.dma_semaphore, #tpu.memory_space<semaphore_mem>>
    %dma_start3A_203 = arith.constant 0 : i32
    %dma_start3A_204 = arith.constant 0 : i32
    %dma_start3A_205 = tpu.memref_slice %arg4[%add3A_190, %dma_start3A_203, %dma_start3A_204] : memref<4096x200x128xf32, #tpu.memory_space<hbm>> -> memref<1x128x64xf32, #tpu.memory_space<hbm>>
    %dma_start3A_206 = tpu.memref_squeeze %dma_start3A_205 : memref<1x128x64xf32, #tpu.memory_space<hbm>> -> memref<128x64xf32, #tpu.memory_space<hbm>>
    %dma_start3A_207 = arith.constant 0 : i32
    %dma_start3A_208 = arith.constant 0 : i32
    %dma_start3A_209 = tpu.memref_slice %arg6[%dma_start3A_191, %dma_start3A_207, %dma_start3A_208] : memref<8x128x64xf32, #tpu.memory_space<vmem>> -> memref<1x128x64xf32, #tpu.memory_space<vmem>>
    %dma_start3A_210 = tpu.memref_squeeze %dma_start3A_209 : memref<1x128x64xf32, #tpu.memory_space<vmem>> -> memref<128x64xf32, #tpu.memory_space<vmem>>
    tpu.enqueue_dma source(%dma_start3A_210 : memref<128x64xf32, #tpu.memory_space<vmem>>) target(%dma_start3A_206 : memref<128x64xf32, #tpu.memory_space<hbm>>) target_semaphore(%dma_start3A_202 : memref<!tpu.dma_semaphore, #tpu.memory_space<semaphore_mem>>)
    %dma_start3A_211 = arith.constant 3 : i32
    %dma_start3A_212 = arith.constant 6 : i32
    %dma_start3A_213 = arith.constant 6 : i32
    %dma_start3A_214 = arith.constant 0 : i32
    %dma_start3A_215 = arith.constant 0 : i32
    %dma_start3A_216 = tpu.memref_slice %arg6[%dma_start3A_212, %dma_start3A_214, %dma_start3A_215] : memref<8x128x64xf32, #tpu.memory_space<vmem>> -> memref<1x128x64xf32, #tpu.memory_space<vmem>>
    %dma_start3A_217 = tpu.memref_squeeze %dma_start3A_216 : memref<1x128x64xf32, #tpu.memory_space<vmem>> -> memref<128x64xf32, #tpu.memory_space<vmem>>
    %dma_start3A_218 = arith.constant 0 : i32
    %dma_start3A_219 = tpu.memref_slice %arg5[%dma_start3A_211, %dma_start3A_218] : memref<128x200xi32, #tpu.memory_space<vmem>> -> memref<1x128xi32, #tpu.memory_space<vmem>>
    %dma_start3A_220 = tpu.memref_squeeze %dma_start3A_219 : memref<1x128xi32, #tpu.memory_space<vmem>> -> memref<128xi32, #tpu.memory_space<vmem>>
    %dma_start3A_221 = arith.constant 0 : i32
    %dma_start3A_222 = arith.constant 0 : i32
    %dma_start3A_223 = tpu.memref_slice %arg3[%dma_start3A_221, %dma_start3A_222] : memref<1000000x64xf32, #tpu.memory_space<hbm>> -> memref<1000000x64xf32, #tpu.memory_space<hbm>>
    %dma_start3A_224 = tpu.memref_slice %arg7[%dma_start3A_213] : memref<8x!tpu.dma_semaphore, #tpu.memory_space<semaphore_mem>> -> memref<1x!tpu.dma_semaphore, #tpu.memory_space<semaphore_mem>>
    %dma_start3A_225 = tpu.memref_squeeze %dma_start3A_224 : memref<1x!tpu.dma_semaphore, #tpu.memory_space<semaphore_mem>> -> memref<!tpu.dma_semaphore, #tpu.memory_space<semaphore_mem>>
    tpu.enqueue_indirect_dma source(%dma_start3A_223 : memref<1000000x64xf32, #tpu.memory_space<hbm>>) target(%dma_start3A_217 : memref<128x64xf32, #tpu.memory_space<vmem>>) offsets(%dma_start3A_220 : memref<128xi32, #tpu.memory_space<vmem>>) semaphore(%dma_start3A_225 : memref<!tpu.dma_semaphore, #tpu.memory_space<semaphore_mem>>)
    %dma_wait3A_226 = arith.constant 3 : i32
    %dma_wait3A_227 = arith.constant 3 : i32
    %dma_wait3A_228 = arith.constant 0 : i32
    %dma_wait3A_229 = arith.constant 0 : i32
    %dma_wait3A_230 = tpu.memref_slice %arg6[%dma_wait3A_226, %dma_wait3A_228, %dma_wait3A_229] : memref<8x128x64xf32, #tpu.memory_space<vmem>> -> memref<1x72x64xf32, #tpu.memory_space<vmem>>
    %dma_wait3A_231 = tpu.memref_squeeze %dma_wait3A_230 : memref<1x72x64xf32, #tpu.memory_space<vmem>> -> memref<72x64xf32, #tpu.memory_space<vmem>>
    %dma_wait3A_232 = arith.constant 0 : i32
    %dma_wait3A_233 = arith.constant 0 : i32
    %dma_wait3A_234 = tpu.memref_slice %arg3[%dma_wait3A_232, %dma_wait3A_233] : memref<1000000x64xf32, #tpu.memory_space<hbm>> -> memref<72x64xf32, #tpu.memory_space<hbm>>
    %dma_wait3A_235 = tpu.memref_slice %arg7[%dma_wait3A_227] : memref<8x!tpu.dma_semaphore, #tpu.memory_space<semaphore_mem>> -> memref<1x!tpu.dma_semaphore, #tpu.memory_space<semaphore_mem>>
    %dma_wait3A_236 = tpu.memref_squeeze %dma_wait3A_235 : memref<1x!tpu.dma_semaphore, #tpu.memory_space<semaphore_mem>> -> memref<!tpu.dma_semaphore, #tpu.memory_space<semaphore_mem>>
    %dma_wait3A_237 = arith.constant 0 : i32
    %dma_wait3A_238 = arith.constant 0 : i32
    %dma_wait3A_239 = tpu.memref_slice %arg6[%dma_wait3A_226, %dma_wait3A_237, %dma_wait3A_238] : memref<8x128x64xf32, #tpu.memory_space<vmem>> -> memref<1x72x64xf32, #tpu.memory_space<vmem>>
    %dma_wait3A_240 = tpu.memref_squeeze %dma_wait3A_239 : memref<1x72x64xf32, #tpu.memory_space<vmem>> -> memref<72x64xf32, #tpu.memory_space<vmem>>
    %dma_wait3A_241 = arith.constant 0 : i32
    %dma_wait3A_242 = arith.constant 0 : i32
    %dma_wait3A_243 = tpu.memref_slice %arg3[%dma_wait3A_241, %dma_wait3A_242] : memref<1000000x64xf32, #tpu.memory_space<hbm>> -> memref<72x64xf32, #tpu.memory_space<hbm>>
    tpu.wait_dma2 semaphore(%dma_wait3A_236 : memref<!tpu.dma_semaphore, #tpu.memory_space<semaphore_mem>>) src(%dma_wait3A_243 : memref<72x64xf32, #tpu.memory_space<hbm>>) dst(%dma_wait3A_240 : memref<72x64xf32, #tpu.memory_space<vmem>>)
    %add3A_244 = arith.constant 1 : i32
    %add3A_245 = arith.addi %mul3A_2, %add3A_244 : i32
    %dma_start3A_246 = arith.constant 3 : i32
    %dma_start3A_247 = arith.constant 3 : i32
    %dma_start3A_248 = arith.constant 0 : i32
    %dma_start3A_249 = arith.constant 0 : i32
    %dma_start3A_250 = tpu.memref_slice %arg6[%dma_start3A_246, %dma_start3A_248, %dma_start3A_249] : memref<8x128x64xf32, #tpu.memory_space<vmem>> -> memref<1x72x64xf32, #tpu.memory_space<vmem>>
    %dma_start3A_251 = tpu.memref_squeeze %dma_start3A_250 : memref<1x72x64xf32, #tpu.memory_space<vmem>> -> memref<72x64xf32, #tpu.memory_space<vmem>>
    %dma_start3A_252 = arith.constant 128 : i32
    %dma_start3A_253 = arith.constant 0 : i32
    %dma_start3A_254 = tpu.memref_slice %arg4[%add3A_245, %dma_start3A_252, %dma_start3A_253] : memref<4096x200x128xf32, #tpu.memory_space<hbm>> -> memref<1x72x64xf32, #tpu.memory_space<hbm>>
    %dma_start3A_255 = tpu.memref_squeeze %dma_start3A_254 : memref<1x72x64xf32, #tpu.memory_space<hbm>> -> memref<72x64xf32, #tpu.memory_space<hbm>>
    %dma_start3A_256 = tpu.memref_slice %arg8[%dma_start3A_247] : memref<8x!tpu.dma_semaphore, #tpu.memory_space<semaphore_mem>> -> memref<1x!tpu.dma_semaphore, #tpu.memory_space<semaphore_mem>>
    %dma_start3A_257 = tpu.memref_squeeze %dma_start3A_256 : memref<1x!tpu.dma_semaphore, #tpu.memory_space<semaphore_mem>> -> memref<!tpu.dma_semaphore, #tpu.memory_space<semaphore_mem>>
    %dma_start3A_258 = arith.constant 128 : i32
    %dma_start3A_259 = arith.constant 0 : i32
    %dma_start3A_260 = tpu.memref_slice %arg4[%add3A_245, %dma_start3A_258, %dma_start3A_259] : memref<4096x200x128xf32, #tpu.memory_space<hbm>> -> memref<1x72x64xf32, #tpu.memory_space<hbm>>
    %dma_start3A_261 = tpu.memref_squeeze %dma_start3A_260 : memref<1x72x64xf32, #tpu.memory_space<hbm>> -> memref<72x64xf32, #tpu.memory_space<hbm>>
    %dma_start3A_262 = arith.constant 0 : i32
    %dma_start3A_263 = arith.constant 0 : i32
    %dma_start3A_264 = tpu.memref_slice %arg6[%dma_start3A_246, %dma_start3A_262, %dma_start3A_263] : memref<8x128x64xf32, #tpu.memory_space<vmem>> -> memref<1x72x64xf32, #tpu.memory_space<vmem>>
    %dma_start3A_265 = tpu.memref_squeeze %dma_start3A_264 : memref<1x72x64xf32, #tpu.memory_space<vmem>> -> memref<72x64xf32, #tpu.memory_space<vmem>>
    tpu.enqueue_dma source(%dma_start3A_265 : memref<72x64xf32, #tpu.memory_space<vmem>>) target(%dma_start3A_261 : memref<72x64xf32, #tpu.memory_space<hbm>>) target_semaphore(%dma_start3A_257 : memref<!tpu.dma_semaphore, #tpu.memory_space<semaphore_mem>>)
    %dma_start3A_266 = arith.constant 3 : i32
    %dma_start3A_267 = arith.constant 7 : i32
    %dma_start3A_268 = arith.constant 7 : i32
    %dma_start3A_269 = arith.constant 0 : i32
    %dma_start3A_270 = arith.constant 0 : i32
    %dma_start3A_271 = tpu.memref_slice %arg6[%dma_start3A_267, %dma_start3A_269, %dma_start3A_270] : memref<8x128x64xf32, #tpu.memory_space<vmem>> -> memref<1x72x64xf32, #tpu.memory_space<vmem>>
    %dma_start3A_272 = tpu.memref_squeeze %dma_start3A_271 : memref<1x72x64xf32, #tpu.memory_space<vmem>> -> memref<72x64xf32, #tpu.memory_space<vmem>>
    %dma_start3A_273 = arith.constant 128 : i32
    %dma_start3A_274 = tpu.memref_slice %arg5[%dma_start3A_266, %dma_start3A_273] : memref<128x200xi32, #tpu.memory_space<vmem>> -> memref<1x72xi32, #tpu.memory_space<vmem>>
    %dma_start3A_275 = tpu.memref_squeeze %dma_start3A_274 : memref<1x72xi32, #tpu.memory_space<vmem>> -> memref<72xi32, #tpu.memory_space<vmem>>
    %dma_start3A_276 = arith.constant 0 : i32
    %dma_start3A_277 = arith.constant 0 : i32
    %dma_start3A_278 = tpu.memref_slice %arg3[%dma_start3A_276, %dma_start3A_277] : memref<1000000x64xf32, #tpu.memory_space<hbm>> -> memref<1000000x64xf32, #tpu.memory_space<hbm>>
    %dma_start3A_279 = tpu.memref_slice %arg7[%dma_start3A_268] : memref<8x!tpu.dma_semaphore, #tpu.memory_space<semaphore_mem>> -> memref<1x!tpu.dma_semaphore, #tpu.memory_space<semaphore_mem>>
    %dma_start3A_280 = tpu.memref_squeeze %dma_start3A_279 : memref<1x!tpu.dma_semaphore, #tpu.memory_space<semaphore_mem>> -> memref<!tpu.dma_semaphore, #tpu.memory_space<semaphore_mem>>
    tpu.enqueue_indirect_dma source(%dma_start3A_278 : memref<1000000x64xf32, #tpu.memory_space<hbm>>) target(%dma_start3A_272 : memref<72x64xf32, #tpu.memory_space<vmem>>) offsets(%dma_start3A_275 : memref<72xi32, #tpu.memory_space<vmem>>) semaphore(%dma_start3A_280 : memref<!tpu.dma_semaphore, #tpu.memory_space<semaphore_mem>>)
    %scan3A = arith.constant 0 : i32
    %scan3A_281 = arith.constant 0 : i32
    %scan3A_282 = arith.constant 31 : i32
    %scan3A_283 = arith.addi %scan3A_281, %scan3A_282 : i32
    %scan3A_284 = arith.constant 1 : i32
    scf.for %scan3A_614 = %scan3A_281 to %scan3A_283 step %scan3A_284  : i32 {
      %mul3A_615 = arith.constant 8 : i32
      %mul3A_616 = arith.muli %scan3A_614, %mul3A_615 : i32
      %add3A_617 = arith.constant 4 : i32
      %add3A_618 = arith.addi %add3A_617, %mul3A_616 : i32
      %add3A_619 = arith.constant 0 : i32
      %add3A_620 = arith.addi %add3A_618, %add3A_619 : i32
      %dma_wait3A_621 = arith.constant 4 : i32
      %dma_wait3A_622 = arith.constant 4 : i32
      %dma_wait3A_623 = arith.constant 0 : i32
      %dma_wait3A_624 = arith.constant 0 : i32
      %dma_wait3A_625 = tpu.memref_slice %arg6[%dma_wait3A_621, %dma_wait3A_623, %dma_wait3A_624] : memref<8x128x64xf32, #tpu.memory_space<vmem>> -> memref<1x128x64xf32, #tpu.memory_space<vmem>>
      %dma_wait3A_626 = tpu.memref_squeeze %dma_wait3A_625 : memref<1x128x64xf32, #tpu.memory_space<vmem>> -> memref<128x64xf32, #tpu.memory_space<vmem>>
      %dma_wait3A_627 = arith.constant 0 : i32
      %dma_wait3A_628 = arith.constant 0 : i32
      %dma_wait3A_629 = tpu.memref_slice %arg3[%dma_wait3A_627, %dma_wait3A_628] : memref<1000000x64xf32, #tpu.memory_space<hbm>> -> memref<128x64xf32, #tpu.memory_space<hbm>>
      %dma_wait3A_630 = tpu.memref_slice %arg7[%dma_wait3A_622] : memref<8x!tpu.dma_semaphore, #tpu.memory_space<semaphore_mem>> -> memref<1x!tpu.dma_semaphore, #tpu.memory_space<semaphore_mem>>
      %dma_wait3A_631 = tpu.memref_squeeze %dma_wait3A_630 : memref<1x!tpu.dma_semaphore, #tpu.memory_space<semaphore_mem>> -> memref<!tpu.dma_semaphore, #tpu.memory_space<semaphore_mem>>
      %dma_wait3A_632 = arith.constant 0 : i32
      %dma_wait3A_633 = arith.constant 0 : i32
      %dma_wait3A_634 = tpu.memref_slice %arg6[%dma_wait3A_621, %dma_wait3A_632, %dma_wait3A_633] : memref<8x128x64xf32, #tpu.memory_space<vmem>> -> memref<1x128x64xf32, #tpu.memory_space<vmem>>
      %dma_wait3A_635 = tpu.memref_squeeze %dma_wait3A_634 : memref<1x128x64xf32, #tpu.memory_space<vmem>> -> memref<128x64xf32, #tpu.memory_space<vmem>>
      %dma_wait3A_636 = arith.constant 0 : i32
      %dma_wait3A_637 = arith.constant 0 : i32
      %dma_wait3A_638 = tpu.memref_slice %arg3[%dma_wait3A_636, %dma_wait3A_637] : memref<1000000x64xf32, #tpu.memory_space<hbm>> -> memref<128x64xf32, #tpu.memory_space<hbm>>
      tpu.wait_dma2 semaphore(%dma_wait3A_631 : memref<!tpu.dma_semaphore, #tpu.memory_space<semaphore_mem>>) src(%dma_wait3A_638 : memref<128x64xf32, #tpu.memory_space<hbm>>) dst(%dma_wait3A_635 : memref<128x64xf32, #tpu.memory_space<vmem>>)
      %jit3A = arith.constant 2 : i32
      %div3A = arith.divsi %add3A_620, %jit3A : i32
      %sign3A = arith.constant 0 : i32
      %sign3A_639 = arith.cmpi sgt, %add3A_620, %sign3A : i32
      %sign3A_640 = arith.extui %sign3A_639 : i1 to i32
      %sign3A_641 = arith.constant 0 : i32
      %sign3A_642 = arith.cmpi slt, %add3A_620, %sign3A_641 : i32
      %sign3A_643 = arith.extui %sign3A_642 : i1 to i32
      %sign3A_644 = arith.subi %sign3A_640, %sign3A_643 : i32
      %sign3A_645 = arith.constant 0 : i32
      %sign3A_646 = arith.cmpi sgt, %jit3A, %sign3A_645 : i32
      %sign3A_647 = arith.extui %sign3A_646 : i1 to i32
      %sign3A_648 = arith.constant 0 : i32
      %sign3A_649 = arith.cmpi slt, %jit3A, %sign3A_648 : i32
      %sign3A_650 = arith.extui %sign3A_649 : i1 to i32
      %sign3A_651 = arith.subi %sign3A_647, %sign3A_650 : i32
      %ne3A = arith.cmpi ne, %sign3A_644, %sign3A_651 : i32
      %rem3A = arith.remsi %add3A_620, %jit3A : i32
      %ne3A_652 = arith.constant 0 : i32
      %ne3A_653 = arith.cmpi ne, %rem3A, %ne3A_652 : i32
      %and3A = arith.andi %ne3A, %ne3A_653 : i1
      %sub3A = arith.constant 1 : i32
      %sub3A_654 = arith.subi %div3A, %sub3A : i32
      %select_n3A = arith.select %and3A, %sub3A_654, %div3A : i32
      %add3A_655 = arith.addi %mul3A_2, %select_n3A : i32
      %dma_start3A_656 = arith.constant 4 : i32
      %dma_start3A_657 = arith.constant 4 : i32
      %dma_start3A_658 = arith.constant 0 : i32
      %dma_start3A_659 = arith.constant 0 : i32
      %dma_start3A_660 = tpu.memref_slice %arg6[%dma_start3A_656, %dma_start3A_658, %dma_start3A_659] : memref<8x128x64xf32, #tpu.memory_space<vmem>> -> memref<1x128x64xf32, #tpu.memory_space<vmem>>
      %dma_start3A_661 = tpu.memref_squeeze %dma_start3A_660 : memref<1x128x64xf32, #tpu.memory_space<vmem>> -> memref<128x64xf32, #tpu.memory_space<vmem>>
      %dma_start3A_662 = arith.constant 0 : i32
      %dma_start3A_663 = arith.constant 0 : i32
      %dma_start3A_664 = tpu.memref_slice %arg4[%add3A_655, %dma_start3A_662, %dma_start3A_663] : memref<4096x200x128xf32, #tpu.memory_space<hbm>> -> memref<1x128x64xf32, #tpu.memory_space<hbm>>
      %dma_start3A_665 = tpu.memref_squeeze %dma_start3A_664 : memref<1x128x64xf32, #tpu.memory_space<hbm>> -> memref<128x64xf32, #tpu.memory_space<hbm>>
      %dma_start3A_666 = tpu.memref_slice %arg8[%dma_start3A_657] : memref<8x!tpu.dma_semaphore, #tpu.memory_space<semaphore_mem>> -> memref<1x!tpu.dma_semaphore, #tpu.memory_space<semaphore_mem>>
      %dma_start3A_667 = tpu.memref_squeeze %dma_start3A_666 : memref<1x!tpu.dma_semaphore, #tpu.memory_space<semaphore_mem>> -> memref<!tpu.dma_semaphore, #tpu.memory_space<semaphore_mem>>
      %dma_start3A_668 = arith.constant 0 : i32
      %dma_start3A_669 = arith.constant 0 : i32
      %dma_start3A_670 = tpu.memref_slice %arg4[%add3A_655, %dma_start3A_668, %dma_start3A_669] : memref<4096x200x128xf32, #tpu.memory_space<hbm>> -> memref<1x128x64xf32, #tpu.memory_space<hbm>>
      %dma_start3A_671 = tpu.memref_squeeze %dma_start3A_670 : memref<1x128x64xf32, #tpu.memory_space<hbm>> -> memref<128x64xf32, #tpu.memory_space<hbm>>
      %dma_start3A_672 = arith.constant 0 : i32
      %dma_start3A_673 = arith.constant 0 : i32
      %dma_start3A_674 = tpu.memref_slice %arg6[%dma_start3A_656, %dma_start3A_672, %dma_start3A_673] : memref<8x128x64xf32, #tpu.memory_space<vmem>> -> memref<1x128x64xf32, #tpu.memory_space<vmem>>
      %dma_start3A_675 = tpu.memref_squeeze %dma_start3A_674 : memref<1x128x64xf32, #tpu.memory_space<vmem>> -> memref<128x64xf32, #tpu.memory_space<vmem>>
      tpu.enqueue_dma source(%dma_start3A_675 : memref<128x64xf32, #tpu.memory_space<vmem>>) target(%dma_start3A_671 : memref<128x64xf32, #tpu.memory_space<hbm>>) target_semaphore(%dma_start3A_667 : memref<!tpu.dma_semaphore, #tpu.memory_space<semaphore_mem>>)
      %dma_wait3A_676 = arith.constant 0 : i32
      %dma_wait3A_677 = arith.constant 0 : i32
      %dma_wait3A_678 = arith.constant 0 : i32
      %dma_wait3A_679 = arith.constant 0 : i32
      %dma_wait3A_680 = arith.constant 0 : i32
      %dma_wait3A_681 = tpu.memref_slice %arg6[%dma_wait3A_676, %dma_wait3A_679, %dma_wait3A_680] : memref<8x128x64xf32, #tpu.memory_space<vmem>> -> memref<1x128x64xf32, #tpu.memory_space<vmem>>
      %dma_wait3A_682 = tpu.memref_squeeze %dma_wait3A_681 : memref<1x128x64xf32, #tpu.memory_space<vmem>> -> memref<128x64xf32, #tpu.memory_space<vmem>>
      %dma_wait3A_683 = arith.constant 0 : i32
      %dma_wait3A_684 = arith.constant 0 : i32
      %dma_wait3A_685 = tpu.memref_slice %arg4[%dma_wait3A_677, %dma_wait3A_683, %dma_wait3A_684] : memref<4096x200x128xf32, #tpu.memory_space<hbm>> -> memref<1x128x64xf32, #tpu.memory_space<hbm>>
      %dma_wait3A_686 = tpu.memref_squeeze %dma_wait3A_685 : memref<1x128x64xf32, #tpu.memory_space<hbm>> -> memref<128x64xf32, #tpu.memory_space<hbm>>
      %dma_wait3A_687 = tpu.memref_slice %arg8[%dma_wait3A_678] : memref<8x!tpu.dma_semaphore, #tpu.memory_space<semaphore_mem>> -> memref<1x!tpu.dma_semaphore, #tpu.memory_space<semaphore_mem>>
      %dma_wait3A_688 = tpu.memref_squeeze %dma_wait3A_687 : memref<1x!tpu.dma_semaphore, #tpu.memory_space<semaphore_mem>> -> memref<!tpu.dma_semaphore, #tpu.memory_space<semaphore_mem>>
      %dma_wait3A_689 = arith.constant 0 : i32
      %dma_wait3A_690 = arith.constant 0 : i32
      %dma_wait3A_691 = tpu.memref_slice %arg4[%dma_wait3A_677, %dma_wait3A_689, %dma_wait3A_690] : memref<4096x200x128xf32, #tpu.memory_space<hbm>> -> memref<1x128x64xf32, #tpu.memory_space<hbm>>
      %dma_wait3A_692 = tpu.memref_squeeze %dma_wait3A_691 : memref<1x128x64xf32, #tpu.memory_space<hbm>> -> memref<128x64xf32, #tpu.memory_space<hbm>>
      %dma_wait3A_693 = arith.constant 0 : i32
      %dma_wait3A_694 = arith.constant 0 : i32
      %dma_wait3A_695 = tpu.memref_slice %arg6[%dma_wait3A_676, %dma_wait3A_693, %dma_wait3A_694] : memref<8x128x64xf32, #tpu.memory_space<vmem>> -> memref<1x128x64xf32, #tpu.memory_space<vmem>>
      %dma_wait3A_696 = tpu.memref_squeeze %dma_wait3A_695 : memref<1x128x64xf32, #tpu.memory_space<vmem>> -> memref<128x64xf32, #tpu.memory_space<vmem>>
      tpu.wait_dma2 semaphore(%dma_wait3A_688 : memref<!tpu.dma_semaphore, #tpu.memory_space<semaphore_mem>>) src(%dma_wait3A_696 : memref<128x64xf32, #tpu.memory_space<vmem>>) dst(%dma_wait3A_692 : memref<128x64xf32, #tpu.memory_space<hbm>>)
      %add3A_697 = arith.constant 4 : i32
      %add3A_698 = arith.addi %add3A_620, %add3A_697 : i32
      %jit3A_699 = arith.constant 2 : i32
      %div3A_700 = arith.divsi %add3A_698, %jit3A_699 : i32
      %sign3A_701 = arith.constant 0 : i32
      %sign3A_702 = arith.cmpi sgt, %add3A_698, %sign3A_701 : i32
      %sign3A_703 = arith.extui %sign3A_702 : i1 to i32
      %sign3A_704 = arith.constant 0 : i32
      %sign3A_705 = arith.cmpi slt, %add3A_698, %sign3A_704 : i32
      %sign3A_706 = arith.extui %sign3A_705 : i1 to i32
      %sign3A_707 = arith.subi %sign3A_703, %sign3A_706 : i32
      %sign3A_708 = arith.constant 0 : i32
      %sign3A_709 = arith.cmpi sgt, %jit3A_699, %sign3A_708 : i32
      %sign3A_710 = arith.extui %sign3A_709 : i1 to i32
      %sign3A_711 = arith.constant 0 : i32
      %sign3A_712 = arith.cmpi slt, %jit3A_699, %sign3A_711 : i32
      %sign3A_713 = arith.extui %sign3A_712 : i1 to i32
      %sign3A_714 = arith.subi %sign3A_710, %sign3A_713 : i32
      %ne3A_715 = arith.cmpi ne, %sign3A_707, %sign3A_714 : i32
      %rem3A_716 = arith.remsi %add3A_698, %jit3A_699 : i32
      %ne3A_717 = arith.constant 0 : i32
      %ne3A_718 = arith.cmpi ne, %rem3A_716, %ne3A_717 : i32
      %and3A_719 = arith.andi %ne3A_715, %ne3A_718 : i1
      %sub3A_720 = arith.constant 1 : i32
      %sub3A_721 = arith.subi %div3A_700, %sub3A_720 : i32
      %select_n3A_722 = arith.select %and3A_719, %sub3A_721, %div3A_700 : i32
      %dma_start3A_723 = arith.constant 0 : i32
      %dma_start3A_724 = arith.constant 0 : i32
      %dma_start3A_725 = arith.constant 0 : i32
      %dma_start3A_726 = arith.constant 0 : i32
      %dma_start3A_727 = tpu.memref_slice %arg6[%dma_start3A_723, %dma_start3A_725, %dma_start3A_726] : memref<8x128x64xf32, #tpu.memory_space<vmem>> -> memref<1x128x64xf32, #tpu.memory_space<vmem>>
      %dma_start3A_728 = tpu.memref_squeeze %dma_start3A_727 : memref<1x128x64xf32, #tpu.memory_space<vmem>> -> memref<128x64xf32, #tpu.memory_space<vmem>>
      %dma_start3A_729 = arith.constant 0 : i32
      %dma_start3A_730 = tpu.memref_slice %arg5[%select_n3A_722, %dma_start3A_729] : memref<128x200xi32, #tpu.memory_space<vmem>> -> memref<1x128xi32, #tpu.memory_space<vmem>>
      %dma_start3A_731 = tpu.memref_squeeze %dma_start3A_730 : memref<1x128xi32, #tpu.memory_space<vmem>> -> memref<128xi32, #tpu.memory_space<vmem>>
      %dma_start3A_732 = arith.constant 0 : i32
      %dma_start3A_733 = arith.constant 0 : i32
      %dma_start3A_734 = tpu.memref_slice %arg3[%dma_start3A_732, %dma_start3A_733] : memref<1000000x64xf32, #tpu.memory_space<hbm>> -> memref<1000000x64xf32, #tpu.memory_space<hbm>>
      %dma_start3A_735 = tpu.memref_slice %arg7[%dma_start3A_724] : memref<8x!tpu.dma_semaphore, #tpu.memory_space<semaphore_mem>> -> memref<1x!tpu.dma_semaphore, #tpu.memory_space<semaphore_mem>>
      %dma_start3A_736 = tpu.memref_squeeze %dma_start3A_735 : memref<1x!tpu.dma_semaphore, #tpu.memory_space<semaphore_mem>> -> memref<!tpu.dma_semaphore, #tpu.memory_space<semaphore_mem>>
      tpu.enqueue_indirect_dma source(%dma_start3A_734 : memref<1000000x64xf32, #tpu.memory_space<hbm>>) target(%dma_start3A_728 : memref<128x64xf32, #tpu.memory_space<vmem>>) offsets(%dma_start3A_731 : memref<128xi32, #tpu.memory_space<vmem>>) semaphore(%dma_start3A_736 : memref<!tpu.dma_semaphore, #tpu.memory_space<semaphore_mem>>)
      %add3A_737 = arith.constant 1 : i32
      %add3A_738 = arith.addi %add3A_618, %add3A_737 : i32
      %dma_wait3A_739 = arith.constant 5 : i32
      %dma_wait3A_740 = arith.constant 5 : i32
      %dma_wait3A_741 = arith.constant 0 : i32
      %dma_wait3A_742 = arith.constant 0 : i32
      %dma_wait3A_743 = tpu.memref_slice %arg6[%dma_wait3A_739, %dma_wait3A_741, %dma_wait3A_742] : memref<8x128x64xf32, #tpu.memory_space<vmem>> -> memref<1x72x64xf32, #tpu.memory_space<vmem>>
      %dma_wait3A_744 = tpu.memref_squeeze %dma_wait3A_743 : memref<1x72x64xf32, #tpu.memory_space<vmem>> -> memref<72x64xf32, #tpu.memory_space<vmem>>
      %dma_wait3A_745 = arith.constant 0 : i32
      %dma_wait3A_746 = arith.constant 0 : i32
      %dma_wait3A_747 = tpu.memref_slice %arg3[%dma_wait3A_745, %dma_wait3A_746] : memref<1000000x64xf32, #tpu.memory_space<hbm>> -> memref<72x64xf32, #tpu.memory_space<hbm>>
      %dma_wait3A_748 = tpu.memref_slice %arg7[%dma_wait3A_740] : memref<8x!tpu.dma_semaphore, #tpu.memory_space<semaphore_mem>> -> memref<1x!tpu.dma_semaphore, #tpu.memory_space<semaphore_mem>>
      %dma_wait3A_749 = tpu.memref_squeeze %dma_wait3A_748 : memref<1x!tpu.dma_semaphore, #tpu.memory_space<semaphore_mem>> -> memref<!tpu.dma_semaphore, #tpu.memory_space<semaphore_mem>>
      %dma_wait3A_750 = arith.constant 0 : i32
      %dma_wait3A_751 = arith.constant 0 : i32
      %dma_wait3A_752 = tpu.memref_slice %arg6[%dma_wait3A_739, %dma_wait3A_750, %dma_wait3A_751] : memref<8x128x64xf32, #tpu.memory_space<vmem>> -> memref<1x72x64xf32, #tpu.memory_space<vmem>>
      %dma_wait3A_753 = tpu.memref_squeeze %dma_wait3A_752 : memref<1x72x64xf32, #tpu.memory_space<vmem>> -> memref<72x64xf32, #tpu.memory_space<vmem>>
      %dma_wait3A_754 = arith.constant 0 : i32
      %dma_wait3A_755 = arith.constant 0 : i32
      %dma_wait3A_756 = tpu.memref_slice %arg3[%dma_wait3A_754, %dma_wait3A_755] : memref<1000000x64xf32, #tpu.memory_space<hbm>> -> memref<72x64xf32, #tpu.memory_space<hbm>>
      tpu.wait_dma2 semaphore(%dma_wait3A_749 : memref<!tpu.dma_semaphore, #tpu.memory_space<semaphore_mem>>) src(%dma_wait3A_756 : memref<72x64xf32, #tpu.memory_space<hbm>>) dst(%dma_wait3A_753 : memref<72x64xf32, #tpu.memory_space<vmem>>)
      %jit3A_757 = arith.constant 2 : i32
      %div3A_758 = arith.divsi %add3A_738, %jit3A_757 : i32
      %sign3A_759 = arith.constant 0 : i32
      %sign3A_760 = arith.cmpi sgt, %add3A_738, %sign3A_759 : i32
      %sign3A_761 = arith.extui %sign3A_760 : i1 to i32
      %sign3A_762 = arith.constant 0 : i32
      %sign3A_763 = arith.cmpi slt, %add3A_738, %sign3A_762 : i32
      %sign3A_764 = arith.extui %sign3A_763 : i1 to i32
      %sign3A_765 = arith.subi %sign3A_761, %sign3A_764 : i32
      %sign3A_766 = arith.constant 0 : i32
      %sign3A_767 = arith.cmpi sgt, %jit3A_757, %sign3A_766 : i32
      %sign3A_768 = arith.extui %sign3A_767 : i1 to i32
      %sign3A_769 = arith.constant 0 : i32
      %sign3A_770 = arith.cmpi slt, %jit3A_757, %sign3A_769 : i32
      %sign3A_771 = arith.extui %sign3A_770 : i1 to i32
      %sign3A_772 = arith.subi %sign3A_768, %sign3A_771 : i32
      %ne3A_773 = arith.cmpi ne, %sign3A_765, %sign3A_772 : i32
      %rem3A_774 = arith.remsi %add3A_738, %jit3A_757 : i32
      %ne3A_775 = arith.constant 0 : i32
      %ne3A_776 = arith.cmpi ne, %rem3A_774, %ne3A_775 : i32
      %and3A_777 = arith.andi %ne3A_773, %ne3A_776 : i1
      %sub3A_778 = arith.constant 1 : i32
      %sub3A_779 = arith.subi %div3A_758, %sub3A_778 : i32
      %select_n3A_780 = arith.select %and3A_777, %sub3A_779, %div3A_758 : i32
      %add3A_781 = arith.addi %mul3A_2, %select_n3A_780 : i32
      %dma_start3A_782 = arith.constant 5 : i32
      %dma_start3A_783 = arith.constant 5 : i32
      %dma_start3A_784 = arith.constant 0 : i32
      %dma_start3A_785 = arith.constant 0 : i32
      %dma_start3A_786 = tpu.memref_slice %arg6[%dma_start3A_782, %dma_start3A_784, %dma_start3A_785] : memref<8x128x64xf32, #tpu.memory_space<vmem>> -> memref<1x72x64xf32, #tpu.memory_space<vmem>>
      %dma_start3A_787 = tpu.memref_squeeze %dma_start3A_786 : memref<1x72x64xf32, #tpu.memory_space<vmem>> -> memref<72x64xf32, #tpu.memory_space<vmem>>
      %dma_start3A_788 = arith.constant 128 : i32
      %dma_start3A_789 = arith.constant 0 : i32
      %dma_start3A_790 = tpu.memref_slice %arg4[%add3A_781, %dma_start3A_788, %dma_start3A_789] : memref<4096x200x128xf32, #tpu.memory_space<hbm>> -> memref<1x72x64xf32, #tpu.memory_space<hbm>>
      %dma_start3A_791 = tpu.memref_squeeze %dma_start3A_790 : memref<1x72x64xf32, #tpu.memory_space<hbm>> -> memref<72x64xf32, #tpu.memory_space<hbm>>
      %dma_start3A_792 = tpu.memref_slice %arg8[%dma_start3A_783] : memref<8x!tpu.dma_semaphore, #tpu.memory_space<semaphore_mem>> -> memref<1x!tpu.dma_semaphore, #tpu.memory_space<semaphore_mem>>
      %dma_start3A_793 = tpu.memref_squeeze %dma_start3A_792 : memref<1x!tpu.dma_semaphore, #tpu.memory_space<semaphore_mem>> -> memref<!tpu.dma_semaphore, #tpu.memory_space<semaphore_mem>>
      %dma_start3A_794 = arith.constant 128 : i32
      %dma_start3A_795 = arith.constant 0 : i32
      %dma_start3A_796 = tpu.memref_slice %arg4[%add3A_781, %dma_start3A_794, %dma_start3A_795] : memref<4096x200x128xf32, #tpu.memory_space<hbm>> -> memref<1x72x64xf32, #tpu.memory_space<hbm>>
      %dma_start3A_797 = tpu.memref_squeeze %dma_start3A_796 : memref<1x72x64xf32, #tpu.memory_space<hbm>> -> memref<72x64xf32, #tpu.memory_space<hbm>>
      %dma_start3A_798 = arith.constant 0 : i32
      %dma_start3A_799 = arith.constant 0 : i32
      %dma_start3A_800 = tpu.memref_slice %arg6[%dma_start3A_782, %dma_start3A_798, %dma_start3A_799] : memref<8x128x64xf32, #tpu.memory_space<vmem>> -> memref<1x72x64xf32, #tpu.memory_space<vmem>>
      %dma_start3A_801 = tpu.memref_squeeze %dma_start3A_800 : memref<1x72x64xf32, #tpu.memory_space<vmem>> -> memref<72x64xf32, #tpu.memory_space<vmem>>
      tpu.enqueue_dma source(%dma_start3A_801 : memref<72x64xf32, #tpu.memory_space<vmem>>) target(%dma_start3A_797 : memref<72x64xf32, #tpu.memory_space<hbm>>) target_semaphore(%dma_start3A_793 : memref<!tpu.dma_semaphore, #tpu.memory_space<semaphore_mem>>)
      %dma_wait3A_802 = arith.constant 1 : i32
      %dma_wait3A_803 = arith.constant 0 : i32
      %dma_wait3A_804 = arith.constant 1 : i32
      %dma_wait3A_805 = arith.constant 0 : i32
      %dma_wait3A_806 = arith.constant 0 : i32
      %dma_wait3A_807 = tpu.memref_slice %arg6[%dma_wait3A_802, %dma_wait3A_805, %dma_wait3A_806] : memref<8x128x64xf32, #tpu.memory_space<vmem>> -> memref<1x72x64xf32, #tpu.memory_space<vmem>>
      %dma_wait3A_808 = tpu.memref_squeeze %dma_wait3A_807 : memref<1x72x64xf32, #tpu.memory_space<vmem>> -> memref<72x64xf32, #tpu.memory_space<vmem>>
      %dma_wait3A_809 = arith.constant 0 : i32
      %dma_wait3A_810 = arith.constant 0 : i32
      %dma_wait3A_811 = tpu.memref_slice %arg4[%dma_wait3A_803, %dma_wait3A_809, %dma_wait3A_810] : memref<4096x200x128xf32, #tpu.memory_space<hbm>> -> memref<1x72x64xf32, #tpu.memory_space<hbm>>
      %dma_wait3A_812 = tpu.memref_squeeze %dma_wait3A_811 : memref<1x72x64xf32, #tpu.memory_space<hbm>> -> memref<72x64xf32, #tpu.memory_space<hbm>>
      %dma_wait3A_813 = tpu.memref_slice %arg8[%dma_wait3A_804] : memref<8x!tpu.dma_semaphore, #tpu.memory_space<semaphore_mem>> -> memref<1x!tpu.dma_semaphore, #tpu.memory_space<semaphore_mem>>
      %dma_wait3A_814 = tpu.memref_squeeze %dma_wait3A_813 : memref<1x!tpu.dma_semaphore, #tpu.memory_space<semaphore_mem>> -> memref<!tpu.dma_semaphore, #tpu.memory_space<semaphore_mem>>
      %dma_wait3A_815 = arith.constant 0 : i32
      %dma_wait3A_816 = arith.constant 0 : i32
      %dma_wait3A_817 = tpu.memref_slice %arg4[%dma_wait3A_803, %dma_wait3A_815, %dma_wait3A_816] : memref<4096x200x128xf32, #tpu.memory_space<hbm>> -> memref<1x72x64xf32, #tpu.memory_space<hbm>>
      %dma_wait3A_818 = tpu.memref_squeeze %dma_wait3A_817 : memref<1x72x64xf32, #tpu.memory_space<hbm>> -> memref<72x64xf32, #tpu.memory_space<hbm>>
      %dma_wait3A_819 = arith.constant 0 : i32
      %dma_wait3A_820 = arith.constant 0 : i32
      %dma_wait3A_821 = tpu.memref_slice %arg6[%dma_wait3A_802, %dma_wait3A_819, %dma_wait3A_820] : memref<8x128x64xf32, #tpu.memory_space<vmem>> -> memref<1x72x64xf32, #tpu.memory_space<vmem>>
      %dma_wait3A_822 = tpu.memref_squeeze %dma_wait3A_821 : memref<1x72x64xf32, #tpu.memory_space<vmem>> -> memref<72x64xf32, #tpu.memory_space<vmem>>
      tpu.wait_dma2 semaphore(%dma_wait3A_814 : memref<!tpu.dma_semaphore, #tpu.memory_space<semaphore_mem>>) src(%dma_wait3A_822 : memref<72x64xf32, #tpu.memory_space<vmem>>) dst(%dma_wait3A_818 : memref<72x64xf32, #tpu.memory_space<hbm>>)
      %add3A_823 = arith.constant 4 : i32
      %add3A_824 = arith.addi %add3A_738, %add3A_823 : i32
      %jit3A_825 = arith.constant 2 : i32
      %div3A_826 = arith.divsi %add3A_824, %jit3A_825 : i32
      %sign3A_827 = arith.constant 0 : i32
      %sign3A_828 = arith.cmpi sgt, %add3A_824, %sign3A_827 : i32
      %sign3A_829 = arith.extui %sign3A_828 : i1 to i32
      %sign3A_830 = arith.constant 0 : i32
      %sign3A_831 = arith.cmpi slt, %add3A_824, %sign3A_830 : i32
      %sign3A_832 = arith.extui %sign3A_831 : i1 to i32
      %sign3A_833 = arith.subi %sign3A_829, %sign3A_832 : i32
      %sign3A_834 = arith.constant 0 : i32
      %sign3A_835 = arith.cmpi sgt, %jit3A_825, %sign3A_834 : i32
      %sign3A_836 = arith.extui %sign3A_835 : i1 to i32
      %sign3A_837 = arith.constant 0 : i32
      %sign3A_838 = arith.cmpi slt, %jit3A_825, %sign3A_837 : i32
      %sign3A_839 = arith.extui %sign3A_838 : i1 to i32
      %sign3A_840 = arith.subi %sign3A_836, %sign3A_839 : i32
      %ne3A_841 = arith.cmpi ne, %sign3A_833, %sign3A_840 : i32
      %rem3A_842 = arith.remsi %add3A_824, %jit3A_825 : i32
      %ne3A_843 = arith.constant 0 : i32
      %ne3A_844 = arith.cmpi ne, %rem3A_842, %ne3A_843 : i32
      %and3A_845 = arith.andi %ne3A_841, %ne3A_844 : i1
      %sub3A_846 = arith.constant 1 : i32
      %sub3A_847 = arith.subi %div3A_826, %sub3A_846 : i32
      %select_n3A_848 = arith.select %and3A_845, %sub3A_847, %div3A_826 : i32
      %dma_start3A_849 = arith.constant 1 : i32
      %dma_start3A_850 = arith.constant 1 : i32
      %dma_start3A_851 = arith.constant 0 : i32
      %dma_start3A_852 = arith.constant 0 : i32
      %dma_start3A_853 = tpu.memref_slice %arg6[%dma_start3A_849, %dma_start3A_851, %dma_start3A_852] : memref<8x128x64xf32, #tpu.memory_space<vmem>> -> memref<1x72x64xf32, #tpu.memory_space<vmem>>
      %dma_start3A_854 = tpu.memref_squeeze %dma_start3A_853 : memref<1x72x64xf32, #tpu.memory_space<vmem>> -> memref<72x64xf32, #tpu.memory_space<vmem>>
      %dma_start3A_855 = arith.constant 128 : i32
      %dma_start3A_856 = tpu.memref_slice %arg5[%select_n3A_848, %dma_start3A_855] : memref<128x200xi32, #tpu.memory_space<vmem>> -> memref<1x72xi32, #tpu.memory_space<vmem>>
      %dma_start3A_857 = tpu.memref_squeeze %dma_start3A_856 : memref<1x72xi32, #tpu.memory_space<vmem>> -> memref<72xi32, #tpu.memory_space<vmem>>
      %dma_start3A_858 = arith.constant 0 : i32
      %dma_start3A_859 = arith.constant 0 : i32
      %dma_start3A_860 = tpu.memref_slice %arg3[%dma_start3A_858, %dma_start3A_859] : memref<1000000x64xf32, #tpu.memory_space<hbm>> -> memref<1000000x64xf32, #tpu.memory_space<hbm>>
      %dma_start3A_861 = tpu.memref_slice %arg7[%dma_start3A_850] : memref<8x!tpu.dma_semaphore, #tpu.memory_space<semaphore_mem>> -> memref<1x!tpu.dma_semaphore, #tpu.memory_space<semaphore_mem>>
      %dma_start3A_862 = tpu.memref_squeeze %dma_start3A_861 : memref<1x!tpu.dma_semaphore, #tpu.memory_space<semaphore_mem>> -> memref<!tpu.dma_semaphore, #tpu.memory_space<semaphore_mem>>
      tpu.enqueue_indirect_dma source(%dma_start3A_860 : memref<1000000x64xf32, #tpu.memory_space<hbm>>) target(%dma_start3A_854 : memref<72x64xf32, #tpu.memory_space<vmem>>) offsets(%dma_start3A_857 : memref<72xi32, #tpu.memory_space<vmem>>) semaphore(%dma_start3A_862 : memref<!tpu.dma_semaphore, #tpu.memory_space<semaphore_mem>>)
      %add3A_863 = arith.constant 2 : i32
      %add3A_864 = arith.addi %add3A_618, %add3A_863 : i32
      %dma_wait3A_865 = arith.constant 6 : i32
      %dma_wait3A_866 = arith.constant 6 : i32
      %dma_wait3A_867 = arith.constant 0 : i32
      %dma_wait3A_868 = arith.constant 0 : i32
      %dma_wait3A_869 = tpu.memref_slice %arg6[%dma_wait3A_865, %dma_wait3A_867, %dma_wait3A_868] : memref<8x128x64xf32, #tpu.memory_space<vmem>> -> memref<1x128x64xf32, #tpu.memory_space<vmem>>
      %dma_wait3A_870 = tpu.memref_squeeze %dma_wait3A_869 : memref<1x128x64xf32, #tpu.memory_space<vmem>> -> memref<128x64xf32, #tpu.memory_space<vmem>>
      %dma_wait3A_871 = arith.constant 0 : i32
      %dma_wait3A_872 = arith.constant 0 : i32
      %dma_wait3A_873 = tpu.memref_slice %arg3[%dma_wait3A_871, %dma_wait3A_872] : memref<1000000x64xf32, #tpu.memory_space<hbm>> -> memref<128x64xf32, #tpu.memory_space<hbm>>
      %dma_wait3A_874 = tpu.memref_slice %arg7[%dma_wait3A_866] : memref<8x!tpu.dma_semaphore, #tpu.memory_space<semaphore_mem>> -> memref<1x!tpu.dma_semaphore, #tpu.memory_space<semaphore_mem>>
      %dma_wait3A_875 = tpu.memref_squeeze %dma_wait3A_874 : memref<1x!tpu.dma_semaphore, #tpu.memory_space<semaphore_mem>> -> memref<!tpu.dma_semaphore, #tpu.memory_space<semaphore_mem>>
      %dma_wait3A_876 = arith.constant 0 : i32
      %dma_wait3A_877 = arith.constant 0 : i32
      %dma_wait3A_878 = tpu.memref_slice %arg6[%dma_wait3A_865, %dma_wait3A_876, %dma_wait3A_877] : memref<8x128x64xf32, #tpu.memory_space<vmem>> -> memref<1x128x64xf32, #tpu.memory_space<vmem>>
      %dma_wait3A_879 = tpu.memref_squeeze %dma_wait3A_878 : memref<1x128x64xf32, #tpu.memory_space<vmem>> -> memref<128x64xf32, #tpu.memory_space<vmem>>
      %dma_wait3A_880 = arith.constant 0 : i32
      %dma_wait3A_881 = arith.constant 0 : i32
      %dma_wait3A_882 = tpu.memref_slice %arg3[%dma_wait3A_880, %dma_wait3A_881] : memref<1000000x64xf32, #tpu.memory_space<hbm>> -> memref<128x64xf32, #tpu.memory_space<hbm>>
      tpu.wait_dma2 semaphore(%dma_wait3A_875 : memref<!tpu.dma_semaphore, #tpu.memory_space<semaphore_mem>>) src(%dma_wait3A_882 : memref<128x64xf32, #tpu.memory_space<hbm>>) dst(%dma_wait3A_879 : memref<128x64xf32, #tpu.memory_space<vmem>>)
      %jit3A_883 = arith.constant 2 : i32
      %div3A_884 = arith.divsi %add3A_864, %jit3A_883 : i32
      %sign3A_885 = arith.constant 0 : i32
      %sign3A_886 = arith.cmpi sgt, %add3A_864, %sign3A_885 : i32
      %sign3A_887 = arith.extui %sign3A_886 : i1 to i32
      %sign3A_888 = arith.constant 0 : i32
      %sign3A_889 = arith.cmpi slt, %add3A_864, %sign3A_888 : i32
      %sign3A_890 = arith.extui %sign3A_889 : i1 to i32
      %sign3A_891 = arith.subi %sign3A_887, %sign3A_890 : i32
      %sign3A_892 = arith.constant 0 : i32
      %sign3A_893 = arith.cmpi sgt, %jit3A_883, %sign3A_892 : i32
      %sign3A_894 = arith.extui %sign3A_893 : i1 to i32
      %sign3A_895 = arith.constant 0 : i32
      %sign3A_896 = arith.cmpi slt, %jit3A_883, %sign3A_895 : i32
      %sign3A_897 = arith.extui %sign3A_896 : i1 to i32
      %sign3A_898 = arith.subi %sign3A_894, %sign3A_897 : i32
      %ne3A_899 = arith.cmpi ne, %sign3A_891, %sign3A_898 : i32
      %rem3A_900 = arith.remsi %add3A_864, %jit3A_883 : i32
      %ne3A_901 = arith.constant 0 : i32
      %ne3A_902 = arith.cmpi ne, %rem3A_900, %ne3A_901 : i32
      %and3A_903 = arith.andi %ne3A_899, %ne3A_902 : i1
      %sub3A_904 = arith.constant 1 : i32
      %sub3A_905 = arith.subi %div3A_884, %sub3A_904 : i32
      %select_n3A_906 = arith.select %and3A_903, %sub3A_905, %div3A_884 : i32
      %add3A_907 = arith.addi %mul3A_2, %select_n3A_906 : i32
      %dma_start3A_908 = arith.constant 6 : i32
      %dma_start3A_909 = arith.constant 6 : i32
      %dma_start3A_910 = arith.constant 0 : i32
      %dma_start3A_911 = arith.constant 0 : i32
      %dma_start3A_912 = tpu.memref_slice %arg6[%dma_start3A_908, %dma_start3A_910, %dma_start3A_911] : memref<8x128x64xf32, #tpu.memory_space<vmem>> -> memref<1x128x64xf32, #tpu.memory_space<vmem>>
      %dma_start3A_913 = tpu.memref_squeeze %dma_start3A_912 : memref<1x128x64xf32, #tpu.memory_space<vmem>> -> memref<128x64xf32, #tpu.memory_space<vmem>>
      %dma_start3A_914 = arith.constant 0 : i32
      %dma_start3A_915 = arith.constant 0 : i32
      %dma_start3A_916 = tpu.memref_slice %arg4[%add3A_907, %dma_start3A_914, %dma_start3A_915] : memref<4096x200x128xf32, #tpu.memory_space<hbm>> -> memref<1x128x64xf32, #tpu.memory_space<hbm>>
      %dma_start3A_917 = tpu.memref_squeeze %dma_start3A_916 : memref<1x128x64xf32, #tpu.memory_space<hbm>> -> memref<128x64xf32, #tpu.memory_space<hbm>>
      %dma_start3A_918 = tpu.memref_slice %arg8[%dma_start3A_909] : memref<8x!tpu.dma_semaphore, #tpu.memory_space<semaphore_mem>> -> memref<1x!tpu.dma_semaphore, #tpu.memory_space<semaphore_mem>>
      %dma_start3A_919 = tpu.memref_squeeze %dma_start3A_918 : memref<1x!tpu.dma_semaphore, #tpu.memory_space<semaphore_mem>> -> memref<!tpu.dma_semaphore, #tpu.memory_space<semaphore_mem>>
      %dma_start3A_920 = arith.constant 0 : i32
      %dma_start3A_921 = arith.constant 0 : i32
      %dma_start3A_922 = tpu.memref_slice %arg4[%add3A_907, %dma_start3A_920, %dma_start3A_921] : memref<4096x200x128xf32, #tpu.memory_space<hbm>> -> memref<1x128x64xf32, #tpu.memory_space<hbm>>
      %dma_start3A_923 = tpu.memref_squeeze %dma_start3A_922 : memref<1x128x64xf32, #tpu.memory_space<hbm>> -> memref<128x64xf32, #tpu.memory_space<hbm>>
      %dma_start3A_924 = arith.constant 0 : i32
      %dma_start3A_925 = arith.constant 0 : i32
      %dma_start3A_926 = tpu.memref_slice %arg6[%dma_start3A_908, %dma_start3A_924, %dma_start3A_925] : memref<8x128x64xf32, #tpu.memory_space<vmem>> -> memref<1x128x64xf32, #tpu.memory_space<vmem>>
      %dma_start3A_927 = tpu.memref_squeeze %dma_start3A_926 : memref<1x128x64xf32, #tpu.memory_space<vmem>> -> memref<128x64xf32, #tpu.memory_space<vmem>>
      tpu.enqueue_dma source(%dma_start3A_927 : memref<128x64xf32, #tpu.memory_space<vmem>>) target(%dma_start3A_923 : memref<128x64xf32, #tpu.memory_space<hbm>>) target_semaphore(%dma_start3A_919 : memref<!tpu.dma_semaphore, #tpu.memory_space<semaphore_mem>>)
      %dma_wait3A_928 = arith.constant 2 : i32
      %dma_wait3A_929 = arith.constant 0 : i32
      %dma_wait3A_930 = arith.constant 2 : i32
      %dma_wait3A_931 = arith.constant 0 : i32
      %dma_wait3A_932 = arith.constant 0 : i32
      %dma_wait3A_933 = tpu.memref_slice %arg6[%dma_wait3A_928, %dma_wait3A_931, %dma_wait3A_932] : memref<8x128x64xf32, #tpu.memory_space<vmem>> -> memref<1x128x64xf32, #tpu.memory_space<vmem>>
      %dma_wait3A_934 = tpu.memref_squeeze %dma_wait3A_933 : memref<1x128x64xf32, #tpu.memory_space<vmem>> -> memref<128x64xf32, #tpu.memory_space<vmem>>
      %dma_wait3A_935 = arith.constant 0 : i32
      %dma_wait3A_936 = arith.constant 0 : i32
      %dma_wait3A_937 = tpu.memref_slice %arg4[%dma_wait3A_929, %dma_wait3A_935, %dma_wait3A_936] : memref<4096x200x128xf32, #tpu.memory_space<hbm>> -> memref<1x128x64xf32, #tpu.memory_space<hbm>>
      %dma_wait3A_938 = tpu.memref_squeeze %dma_wait3A_937 : memref<1x128x64xf32, #tpu.memory_space<hbm>> -> memref<128x64xf32, #tpu.memory_space<hbm>>
      %dma_wait3A_939 = tpu.memref_slice %arg8[%dma_wait3A_930] : memref<8x!tpu.dma_semaphore, #tpu.memory_space<semaphore_mem>> -> memref<1x!tpu.dma_semaphore, #tpu.memory_space<semaphore_mem>>
      %dma_wait3A_940 = tpu.memref_squeeze %dma_wait3A_939 : memref<1x!tpu.dma_semaphore, #tpu.memory_space<semaphore_mem>> -> memref<!tpu.dma_semaphore, #tpu.memory_space<semaphore_mem>>
      %dma_wait3A_941 = arith.constant 0 : i32
      %dma_wait3A_942 = arith.constant 0 : i32
      %dma_wait3A_943 = tpu.memref_slice %arg4[%dma_wait3A_929, %dma_wait3A_941, %dma_wait3A_942] : memref<4096x200x128xf32, #tpu.memory_space<hbm>> -> memref<1x128x64xf32, #tpu.memory_space<hbm>>
      %dma_wait3A_944 = tpu.memref_squeeze %dma_wait3A_943 : memref<1x128x64xf32, #tpu.memory_space<hbm>> -> memref<128x64xf32, #tpu.memory_space<hbm>>
      %dma_wait3A_945 = arith.constant 0 : i32
      %dma_wait3A_946 = arith.constant 0 : i32
      %dma_wait3A_947 = tpu.memref_slice %arg6[%dma_wait3A_928, %dma_wait3A_945, %dma_wait3A_946] : memref<8x128x64xf32, #tpu.memory_space<vmem>> -> memref<1x128x64xf32, #tpu.memory_space<vmem>>
      %dma_wait3A_948 = tpu.memref_squeeze %dma_wait3A_947 : memref<1x128x64xf32, #tpu.memory_space<vmem>> -> memref<128x64xf32, #tpu.memory_space<vmem>>
      tpu.wait_dma2 semaphore(%dma_wait3A_940 : memref<!tpu.dma_semaphore, #tpu.memory_space<semaphore_mem>>) src(%dma_wait3A_948 : memref<128x64xf32, #tpu.memory_space<vmem>>) dst(%dma_wait3A_944 : memref<128x64xf32, #tpu.memory_space<hbm>>)
      %add3A_949 = arith.constant 4 : i32
      %add3A_950 = arith.addi %add3A_864, %add3A_949 : i32
      %jit3A_951 = arith.constant 2 : i32
      %div3A_952 = arith.divsi %add3A_950, %jit3A_951 : i32
      %sign3A_953 = arith.constant 0 : i32
      %sign3A_954 = arith.cmpi sgt, %add3A_950, %sign3A_953 : i32
      %sign3A_955 = arith.extui %sign3A_954 : i1 to i32
      %sign3A_956 = arith.constant 0 : i32
      %sign3A_957 = arith.cmpi slt, %add3A_950, %sign3A_956 : i32
      %sign3A_958 = arith.extui %sign3A_957 : i1 to i32
      %sign3A_959 = arith.subi %sign3A_955, %sign3A_958 : i32
      %sign3A_960 = arith.constant 0 : i32
      %sign3A_961 = arith.cmpi sgt, %jit3A_951, %sign3A_960 : i32
      %sign3A_962 = arith.extui %sign3A_961 : i1 to i32
      %sign3A_963 = arith.constant 0 : i32
      %sign3A_964 = arith.cmpi slt, %jit3A_951, %sign3A_963 : i32
      %sign3A_965 = arith.extui %sign3A_964 : i1 to i32
      %sign3A_966 = arith.subi %sign3A_962, %sign3A_965 : i32
      %ne3A_967 = arith.cmpi ne, %sign3A_959, %sign3A_966 : i32
      %rem3A_968 = arith.remsi %add3A_950, %jit3A_951 : i32
      %ne3A_969 = arith.constant 0 : i32
      %ne3A_970 = arith.cmpi ne, %rem3A_968, %ne3A_969 : i32
      %and3A_971 = arith.andi %ne3A_967, %ne3A_970 : i1
      %sub3A_972 = arith.constant 1 : i32
      %sub3A_973 = arith.subi %div3A_952, %sub3A_972 : i32
      %select_n3A_974 = arith.select %and3A_971, %sub3A_973, %div3A_952 : i32
      %dma_start3A_975 = arith.constant 2 : i32
      %dma_start3A_976 = arith.constant 2 : i32
      %dma_start3A_977 = arith.constant 0 : i32
      %dma_start3A_978 = arith.constant 0 : i32
      %dma_start3A_979 = tpu.memref_slice %arg6[%dma_start3A_975, %dma_start3A_977, %dma_start3A_978] : memref<8x128x64xf32, #tpu.memory_space<vmem>> -> memref<1x128x64xf32, #tpu.memory_space<vmem>>
      %dma_start3A_980 = tpu.memref_squeeze %dma_start3A_979 : memref<1x128x64xf32, #tpu.memory_space<vmem>> -> memref<128x64xf32, #tpu.memory_space<vmem>>
      %dma_start3A_981 = arith.constant 0 : i32
      %dma_start3A_982 = tpu.memref_slice %arg5[%select_n3A_974, %dma_start3A_981] : memref<128x200xi32, #tpu.memory_space<vmem>> -> memref<1x128xi32, #tpu.memory_space<vmem>>
      %dma_start3A_983 = tpu.memref_squeeze %dma_start3A_982 : memref<1x128xi32, #tpu.memory_space<vmem>> -> memref<128xi32, #tpu.memory_space<vmem>>
      %dma_start3A_984 = arith.constant 0 : i32
      %dma_start3A_985 = arith.constant 0 : i32
      %dma_start3A_986 = tpu.memref_slice %arg3[%dma_start3A_984, %dma_start3A_985] : memref<1000000x64xf32, #tpu.memory_space<hbm>> -> memref<1000000x64xf32, #tpu.memory_space<hbm>>
      %dma_start3A_987 = tpu.memref_slice %arg7[%dma_start3A_976] : memref<8x!tpu.dma_semaphore, #tpu.memory_space<semaphore_mem>> -> memref<1x!tpu.dma_semaphore, #tpu.memory_space<semaphore_mem>>
      %dma_start3A_988 = tpu.memref_squeeze %dma_start3A_987 : memref<1x!tpu.dma_semaphore, #tpu.memory_space<semaphore_mem>> -> memref<!tpu.dma_semaphore, #tpu.memory_space<semaphore_mem>>
      tpu.enqueue_indirect_dma source(%dma_start3A_986 : memref<1000000x64xf32, #tpu.memory_space<hbm>>) target(%dma_start3A_980 : memref<128x64xf32, #tpu.memory_space<vmem>>) offsets(%dma_start3A_983 : memref<128xi32, #tpu.memory_space<vmem>>) semaphore(%dma_start3A_988 : memref<!tpu.dma_semaphore, #tpu.memory_space<semaphore_mem>>)
      %add3A_989 = arith.constant 3 : i32
      %add3A_990 = arith.addi %add3A_618, %add3A_989 : i32
      %dma_wait3A_991 = arith.constant 7 : i32
      %dma_wait3A_992 = arith.constant 7 : i32
      %dma_wait3A_993 = arith.constant 0 : i32
      %dma_wait3A_994 = arith.constant 0 : i32
      %dma_wait3A_995 = tpu.memref_slice %arg6[%dma_wait3A_991, %dma_wait3A_993, %dma_wait3A_994] : memref<8x128x64xf32, #tpu.memory_space<vmem>> -> memref<1x72x64xf32, #tpu.memory_space<vmem>>
      %dma_wait3A_996 = tpu.memref_squeeze %dma_wait3A_995 : memref<1x72x64xf32, #tpu.memory_space<vmem>> -> memref<72x64xf32, #tpu.memory_space<vmem>>
      %dma_wait3A_997 = arith.constant 0 : i32
      %dma_wait3A_998 = arith.constant 0 : i32
      %dma_wait3A_999 = tpu.memref_slice %arg3[%dma_wait3A_997, %dma_wait3A_998] : memref<1000000x64xf32, #tpu.memory_space<hbm>> -> memref<72x64xf32, #tpu.memory_space<hbm>>
      %dma_wait3A_1000 = tpu.memref_slice %arg7[%dma_wait3A_992] : memref<8x!tpu.dma_semaphore, #tpu.memory_space<semaphore_mem>> -> memref<1x!tpu.dma_semaphore, #tpu.memory_space<semaphore_mem>>
      %dma_wait3A_1001 = tpu.memref_squeeze %dma_wait3A_1000 : memref<1x!tpu.dma_semaphore, #tpu.memory_space<semaphore_mem>> -> memref<!tpu.dma_semaphore, #tpu.memory_space<semaphore_mem>>
      %dma_wait3A_1002 = arith.constant 0 : i32
      %dma_wait3A_1003 = arith.constant 0 : i32
      %dma_wait3A_1004 = tpu.memref_slice %arg6[%dma_wait3A_991, %dma_wait3A_1002, %dma_wait3A_1003] : memref<8x128x64xf32, #tpu.memory_space<vmem>> -> memref<1x72x64xf32, #tpu.memory_space<vmem>>
      %dma_wait3A_1005 = tpu.memref_squeeze %dma_wait3A_1004 : memref<1x72x64xf32, #tpu.memory_space<vmem>> -> memref<72x64xf32, #tpu.memory_space<vmem>>
      %dma_wait3A_1006 = arith.constant 0 : i32
      %dma_wait3A_1007 = arith.constant 0 : i32
      %dma_wait3A_1008 = tpu.memref_slice %arg3[%dma_wait3A_1006, %dma_wait3A_1007] : memref<1000000x64xf32, #tpu.memory_space<hbm>> -> memref<72x64xf32, #tpu.memory_space<hbm>>
      tpu.wait_dma2 semaphore(%dma_wait3A_1001 : memref<!tpu.dma_semaphore, #tpu.memory_space<semaphore_mem>>) src(%dma_wait3A_1008 : memref<72x64xf32, #tpu.memory_space<hbm>>) dst(%dma_wait3A_1005 : memref<72x64xf32, #tpu.memory_space<vmem>>)
      %jit3A_1009 = arith.constant 2 : i32
      %div3A_1010 = arith.divsi %add3A_990, %jit3A_1009 : i32
      %sign3A_1011 = arith.constant 0 : i32
      %sign3A_1012 = arith.cmpi sgt, %add3A_990, %sign3A_1011 : i32
      %sign3A_1013 = arith.extui %sign3A_1012 : i1 to i32
      %sign3A_1014 = arith.constant 0 : i32
      %sign3A_1015 = arith.cmpi slt, %add3A_990, %sign3A_1014 : i32
      %sign3A_1016 = arith.extui %sign3A_1015 : i1 to i32
      %sign3A_1017 = arith.subi %sign3A_1013, %sign3A_1016 : i32
      %sign3A_1018 = arith.constant 0 : i32
      %sign3A_1019 = arith.cmpi sgt, %jit3A_1009, %sign3A_1018 : i32
      %sign3A_1020 = arith.extui %sign3A_1019 : i1 to i32
      %sign3A_1021 = arith.constant 0 : i32
      %sign3A_1022 = arith.cmpi slt, %jit3A_1009, %sign3A_1021 : i32
      %sign3A_1023 = arith.extui %sign3A_1022 : i1 to i32
      %sign3A_1024 = arith.subi %sign3A_1020, %sign3A_1023 : i32
      %ne3A_1025 = arith.cmpi ne, %sign3A_1017, %sign3A_1024 : i32
      %rem3A_1026 = arith.remsi %add3A_990, %jit3A_1009 : i32
      %ne3A_1027 = arith.constant 0 : i32
      %ne3A_1028 = arith.cmpi ne, %rem3A_1026, %ne3A_1027 : i32
      %and3A_1029 = arith.andi %ne3A_1025, %ne3A_1028 : i1
      %sub3A_1030 = arith.constant 1 : i32
      %sub3A_1031 = arith.subi %div3A_1010, %sub3A_1030 : i32
      %select_n3A_1032 = arith.select %and3A_1029, %sub3A_1031, %div3A_1010 : i32
      %add3A_1033 = arith.addi %mul3A_2, %select_n3A_1032 : i32
      %dma_start3A_1034 = arith.constant 7 : i32
      %dma_start3A_1035 = arith.constant 7 : i32
      %dma_start3A_1036 = arith.constant 0 : i32
      %dma_start3A_1037 = arith.constant 0 : i32
      %dma_start3A_1038 = tpu.memref_slice %arg6[%dma_start3A_1034, %dma_start3A_1036, %dma_start3A_1037] : memref<8x128x64xf32, #tpu.memory_space<vmem>> -> memref<1x72x64xf32, #tpu.memory_space<vmem>>
      %dma_start3A_1039 = tpu.memref_squeeze %dma_start3A_1038 : memref<1x72x64xf32, #tpu.memory_space<vmem>> -> memref<72x64xf32, #tpu.memory_space<vmem>>
      %dma_start3A_1040 = arith.constant 128 : i32
      %dma_start3A_1041 = arith.constant 0 : i32
      %dma_start3A_1042 = tpu.memref_slice %arg4[%add3A_1033, %dma_start3A_1040, %dma_start3A_1041] : memref<4096x200x128xf32, #tpu.memory_space<hbm>> -> memref<1x72x64xf32, #tpu.memory_space<hbm>>
      %dma_start3A_1043 = tpu.memref_squeeze %dma_start3A_1042 : memref<1x72x64xf32, #tpu.memory_space<hbm>> -> memref<72x64xf32, #tpu.memory_space<hbm>>
      %dma_start3A_1044 = tpu.memref_slice %arg8[%dma_start3A_1035] : memref<8x!tpu.dma_semaphore, #tpu.memory_space<semaphore_mem>> -> memref<1x!tpu.dma_semaphore, #tpu.memory_space<semaphore_mem>>
      %dma_start3A_1045 = tpu.memref_squeeze %dma_start3A_1044 : memref<1x!tpu.dma_semaphore, #tpu.memory_space<semaphore_mem>> -> memref<!tpu.dma_semaphore, #tpu.memory_space<semaphore_mem>>
      %dma_start3A_1046 = arith.constant 128 : i32
      %dma_start3A_1047 = arith.constant 0 : i32
      %dma_start3A_1048 = tpu.memref_slice %arg4[%add3A_1033, %dma_start3A_1046, %dma_start3A_1047] : memref<4096x200x128xf32, #tpu.memory_space<hbm>> -> memref<1x72x64xf32, #tpu.memory_space<hbm>>
      %dma_start3A_1049 = tpu.memref_squeeze %dma_start3A_1048 : memref<1x72x64xf32, #tpu.memory_space<hbm>> -> memref<72x64xf32, #tpu.memory_space<hbm>>
      %dma_start3A_1050 = arith.constant 0 : i32
      %dma_start3A_1051 = arith.constant 0 : i32
      %dma_start3A_1052 = tpu.memref_slice %arg6[%dma_start3A_1034, %dma_start3A_1050, %dma_start3A_1051] : memref<8x128x64xf32, #tpu.memory_space<vmem>> -> memref<1x72x64xf32, #tpu.memory_space<vmem>>
      %dma_start3A_1053 = tpu.memref_squeeze %dma_start3A_1052 : memref<1x72x64xf32, #tpu.memory_space<vmem>> -> memref<72x64xf32, #tpu.memory_space<vmem>>
      tpu.enqueue_dma source(%dma_start3A_1053 : memref<72x64xf32, #tpu.memory_space<vmem>>) target(%dma_start3A_1049 : memref<72x64xf32, #tpu.memory_space<hbm>>) target_semaphore(%dma_start3A_1045 : memref<!tpu.dma_semaphore, #tpu.memory_space<semaphore_mem>>)
      %dma_wait3A_1054 = arith.constant 3 : i32
      %dma_wait3A_1055 = arith.constant 0 : i32
      %dma_wait3A_1056 = arith.constant 3 : i32
      %dma_wait3A_1057 = arith.constant 0 : i32
      %dma_wait3A_1058 = arith.constant 0 : i32
      %dma_wait3A_1059 = tpu.memref_slice %arg6[%dma_wait3A_1054, %dma_wait3A_1057, %dma_wait3A_1058] : memref<8x128x64xf32, #tpu.memory_space<vmem>> -> memref<1x72x64xf32, #tpu.memory_space<vmem>>
      %dma_wait3A_1060 = tpu.memref_squeeze %dma_wait3A_1059 : memref<1x72x64xf32, #tpu.memory_space<vmem>> -> memref<72x64xf32, #tpu.memory_space<vmem>>
      %dma_wait3A_1061 = arith.constant 0 : i32
      %dma_wait3A_1062 = arith.constant 0 : i32
      %dma_wait3A_1063 = tpu.memref_slice %arg4[%dma_wait3A_1055, %dma_wait3A_1061, %dma_wait3A_1062] : memref<4096x200x128xf32, #tpu.memory_space<hbm>> -> memref<1x72x64xf32, #tpu.memory_space<hbm>>
      %dma_wait3A_1064 = tpu.memref_squeeze %dma_wait3A_1063 : memref<1x72x64xf32, #tpu.memory_space<hbm>> -> memref<72x64xf32, #tpu.memory_space<hbm>>
      %dma_wait3A_1065 = tpu.memref_slice %arg8[%dma_wait3A_1056] : memref<8x!tpu.dma_semaphore, #tpu.memory_space<semaphore_mem>> -> memref<1x!tpu.dma_semaphore, #tpu.memory_space<semaphore_mem>>
      %dma_wait3A_1066 = tpu.memref_squeeze %dma_wait3A_1065 : memref<1x!tpu.dma_semaphore, #tpu.memory_space<semaphore_mem>> -> memref<!tpu.dma_semaphore, #tpu.memory_space<semaphore_mem>>
      %dma_wait3A_1067 = arith.constant 0 : i32
      %dma_wait3A_1068 = arith.constant 0 : i32
      %dma_wait3A_1069 = tpu.memref_slice %arg4[%dma_wait3A_1055, %dma_wait3A_1067, %dma_wait3A_1068] : memref<4096x200x128xf32, #tpu.memory_space<hbm>> -> memref<1x72x64xf32, #tpu.memory_space<hbm>>
      %dma_wait3A_1070 = tpu.memref_squeeze %dma_wait3A_1069 : memref<1x72x64xf32, #tpu.memory_space<hbm>> -> memref<72x64xf32, #tpu.memory_space<hbm>>
      %dma_wait3A_1071 = arith.constant 0 : i32
      %dma_wait3A_1072 = arith.constant 0 : i32
      %dma_wait3A_1073 = tpu.memref_slice %arg6[%dma_wait3A_1054, %dma_wait3A_1071, %dma_wait3A_1072] : memref<8x128x64xf32, #tpu.memory_space<vmem>> -> memref<1x72x64xf32, #tpu.memory_space<vmem>>
      %dma_wait3A_1074 = tpu.memref_squeeze %dma_wait3A_1073 : memref<1x72x64xf32, #tpu.memory_space<vmem>> -> memref<72x64xf32, #tpu.memory_space<vmem>>
      tpu.wait_dma2 semaphore(%dma_wait3A_1066 : memref<!tpu.dma_semaphore, #tpu.memory_space<semaphore_mem>>) src(%dma_wait3A_1074 : memref<72x64xf32, #tpu.memory_space<vmem>>) dst(%dma_wait3A_1070 : memref<72x64xf32, #tpu.memory_space<hbm>>)
      %add3A_1075 = arith.constant 4 : i32
      %add3A_1076 = arith.addi %add3A_990, %add3A_1075 : i32
      %jit3A_1077 = arith.constant 2 : i32
      %div3A_1078 = arith.divsi %add3A_1076, %jit3A_1077 : i32
      %sign3A_1079 = arith.constant 0 : i32
      %sign3A_1080 = arith.cmpi sgt, %add3A_1076, %sign3A_1079 : i32
      %sign3A_1081 = arith.extui %sign3A_1080 : i1 to i32
      %sign3A_1082 = arith.constant 0 : i32
      %sign3A_1083 = arith.cmpi slt, %add3A_1076, %sign3A_1082 : i32
      %sign3A_1084 = arith.extui %sign3A_1083 : i1 to i32
      %sign3A_1085 = arith.subi %sign3A_1081, %sign3A_1084 : i32
      %sign3A_1086 = arith.constant 0 : i32
      %sign3A_1087 = arith.cmpi sgt, %jit3A_1077, %sign3A_1086 : i32
      %sign3A_1088 = arith.extui %sign3A_1087 : i1 to i32
      %sign3A_1089 = arith.constant 0 : i32
      %sign3A_1090 = arith.cmpi slt, %jit3A_1077, %sign3A_1089 : i32
      %sign3A_1091 = arith.extui %sign3A_1090 : i1 to i32
      %sign3A_1092 = arith.subi %sign3A_1088, %sign3A_1091 : i32
      %ne3A_1093 = arith.cmpi ne, %sign3A_1085, %sign3A_1092 : i32
      %rem3A_1094 = arith.remsi %add3A_1076, %jit3A_1077 : i32
      %ne3A_1095 = arith.constant 0 : i32
      %ne3A_1096 = arith.cmpi ne, %rem3A_1094, %ne3A_1095 : i32
      %and3A_1097 = arith.andi %ne3A_1093, %ne3A_1096 : i1
      %sub3A_1098 = arith.constant 1 : i32
      %sub3A_1099 = arith.subi %div3A_1078, %sub3A_1098 : i32
      %select_n3A_1100 = arith.select %and3A_1097, %sub3A_1099, %div3A_1078 : i32
      %dma_start3A_1101 = arith.constant 3 : i32
      %dma_start3A_1102 = arith.constant 3 : i32
      %dma_start3A_1103 = arith.constant 0 : i32
      %dma_start3A_1104 = arith.constant 0 : i32
      %dma_start3A_1105 = tpu.memref_slice %arg6[%dma_start3A_1101, %dma_start3A_1103, %dma_start3A_1104] : memref<8x128x64xf32, #tpu.memory_space<vmem>> -> memref<1x72x64xf32, #tpu.memory_space<vmem>>
      %dma_start3A_1106 = tpu.memref_squeeze %dma_start3A_1105 : memref<1x72x64xf32, #tpu.memory_space<vmem>> -> memref<72x64xf32, #tpu.memory_space<vmem>>
      %dma_start3A_1107 = arith.constant 128 : i32
      %dma_start3A_1108 = tpu.memref_slice %arg5[%select_n3A_1100, %dma_start3A_1107] : memref<128x200xi32, #tpu.memory_space<vmem>> -> memref<1x72xi32, #tpu.memory_space<vmem>>
      %dma_start3A_1109 = tpu.memref_squeeze %dma_start3A_1108 : memref<1x72xi32, #tpu.memory_space<vmem>> -> memref<72xi32, #tpu.memory_space<vmem>>
      %dma_start3A_1110 = arith.constant 0 : i32
      %dma_start3A_1111 = arith.constant 0 : i32
      %dma_start3A_1112 = tpu.memref_slice %arg3[%dma_start3A_1110, %dma_start3A_1111] : memref<1000000x64xf32, #tpu.memory_space<hbm>> -> memref<1000000x64xf32, #tpu.memory_space<hbm>>
      %dma_start3A_1113 = tpu.memref_slice %arg7[%dma_start3A_1102] : memref<8x!tpu.dma_semaphore, #tpu.memory_space<semaphore_mem>> -> memref<1x!tpu.dma_semaphore, #tpu.memory_space<semaphore_mem>>
      %dma_start3A_1114 = tpu.memref_squeeze %dma_start3A_1113 : memref<1x!tpu.dma_semaphore, #tpu.memory_space<semaphore_mem>> -> memref<!tpu.dma_semaphore, #tpu.memory_space<semaphore_mem>>
      tpu.enqueue_indirect_dma source(%dma_start3A_1112 : memref<1000000x64xf32, #tpu.memory_space<hbm>>) target(%dma_start3A_1106 : memref<72x64xf32, #tpu.memory_space<vmem>>) offsets(%dma_start3A_1109 : memref<72xi32, #tpu.memory_space<vmem>>) semaphore(%dma_start3A_1114 : memref<!tpu.dma_semaphore, #tpu.memory_space<semaphore_mem>>)
      %add3A_1115 = arith.constant 4 : i32
      %add3A_1116 = arith.addi %add3A_618, %add3A_1115 : i32
      %dma_wait3A_1117 = arith.constant 0 : i32
      %dma_wait3A_1118 = arith.constant 0 : i32
      %dma_wait3A_1119 = arith.constant 0 : i32
      %dma_wait3A_1120 = arith.constant 0 : i32
      %dma_wait3A_1121 = tpu.memref_slice %arg6[%dma_wait3A_1117, %dma_wait3A_1119, %dma_wait3A_1120] : memref<8x128x64xf32, #tpu.memory_space<vmem>> -> memref<1x128x64xf32, #tpu.memory_space<vmem>>
      %dma_wait3A_1122 = tpu.memref_squeeze %dma_wait3A_1121 : memref<1x128x64xf32, #tpu.memory_space<vmem>> -> memref<128x64xf32, #tpu.memory_space<vmem>>
      %dma_wait3A_1123 = arith.constant 0 : i32
      %dma_wait3A_1124 = arith.constant 0 : i32
      %dma_wait3A_1125 = tpu.memref_slice %arg3[%dma_wait3A_1123, %dma_wait3A_1124] : memref<1000000x64xf32, #tpu.memory_space<hbm>> -> memref<128x64xf32, #tpu.memory_space<hbm>>
      %dma_wait3A_1126 = tpu.memref_slice %arg7[%dma_wait3A_1118] : memref<8x!tpu.dma_semaphore, #tpu.memory_space<semaphore_mem>> -> memref<1x!tpu.dma_semaphore, #tpu.memory_space<semaphore_mem>>
      %dma_wait3A_1127 = tpu.memref_squeeze %dma_wait3A_1126 : memref<1x!tpu.dma_semaphore, #tpu.memory_space<semaphore_mem>> -> memref<!tpu.dma_semaphore, #tpu.memory_space<semaphore_mem>>
      %dma_wait3A_1128 = arith.constant 0 : i32
      %dma_wait3A_1129 = arith.constant 0 : i32
      %dma_wait3A_1130 = tpu.memref_slice %arg6[%dma_wait3A_1117, %dma_wait3A_1128, %dma_wait3A_1129] : memref<8x128x64xf32, #tpu.memory_space<vmem>> -> memref<1x128x64xf32, #tpu.memory_space<vmem>>
      %dma_wait3A_1131 = tpu.memref_squeeze %dma_wait3A_1130 : memref<1x128x64xf32, #tpu.memory_space<vmem>> -> memref<128x64xf32, #tpu.memory_space<vmem>>
      %dma_wait3A_1132 = arith.constant 0 : i32
      %dma_wait3A_1133 = arith.constant 0 : i32
      %dma_wait3A_1134 = tpu.memref_slice %arg3[%dma_wait3A_1132, %dma_wait3A_1133] : memref<1000000x64xf32, #tpu.memory_space<hbm>> -> memref<128x64xf32, #tpu.memory_space<hbm>>
      tpu.wait_dma2 semaphore(%dma_wait3A_1127 : memref<!tpu.dma_semaphore, #tpu.memory_space<semaphore_mem>>) src(%dma_wait3A_1134 : memref<128x64xf32, #tpu.memory_space<hbm>>) dst(%dma_wait3A_1131 : memref<128x64xf32, #tpu.memory_space<vmem>>)
      %jit3A_1135 = arith.constant 2 : i32
      %div3A_1136 = arith.divsi %add3A_1116, %jit3A_1135 : i32
      %sign3A_1137 = arith.constant 0 : i32
      %sign3A_1138 = arith.cmpi sgt, %add3A_1116, %sign3A_1137 : i32
      %sign3A_1139 = arith.extui %sign3A_1138 : i1 to i32
      %sign3A_1140 = arith.constant 0 : i32
      %sign3A_1141 = arith.cmpi slt, %add3A_1116, %sign3A_1140 : i32
      %sign3A_1142 = arith.extui %sign3A_1141 : i1 to i32
      %sign3A_1143 = arith.subi %sign3A_1139, %sign3A_1142 : i32
      %sign3A_1144 = arith.constant 0 : i32
      %sign3A_1145 = arith.cmpi sgt, %jit3A_1135, %sign3A_1144 : i32
      %sign3A_1146 = arith.extui %sign3A_1145 : i1 to i32
      %sign3A_1147 = arith.constant 0 : i32
      %sign3A_1148 = arith.cmpi slt, %jit3A_1135, %sign3A_1147 : i32
      %sign3A_1149 = arith.extui %sign3A_1148 : i1 to i32
      %sign3A_1150 = arith.subi %sign3A_1146, %sign3A_1149 : i32
      %ne3A_1151 = arith.cmpi ne, %sign3A_1143, %sign3A_1150 : i32
      %rem3A_1152 = arith.remsi %add3A_1116, %jit3A_1135 : i32
      %ne3A_1153 = arith.constant 0 : i32
      %ne3A_1154 = arith.cmpi ne, %rem3A_1152, %ne3A_1153 : i32
      %and3A_1155 = arith.andi %ne3A_1151, %ne3A_1154 : i1
      %sub3A_1156 = arith.constant 1 : i32
      %sub3A_1157 = arith.subi %div3A_1136, %sub3A_1156 : i32
      %select_n3A_1158 = arith.select %and3A_1155, %sub3A_1157, %div3A_1136 : i32
      %add3A_1159 = arith.addi %mul3A_2, %select_n3A_1158 : i32
      %dma_start3A_1160 = arith.constant 0 : i32
      %dma_start3A_1161 = arith.constant 0 : i32
      %dma_start3A_1162 = arith.constant 0 : i32
      %dma_start3A_1163 = arith.constant 0 : i32
      %dma_start3A_1164 = tpu.memref_slice %arg6[%dma_start3A_1160, %dma_start3A_1162, %dma_start3A_1163] : memref<8x128x64xf32, #tpu.memory_space<vmem>> -> memref<1x128x64xf32, #tpu.memory_space<vmem>>
      %dma_start3A_1165 = tpu.memref_squeeze %dma_start3A_1164 : memref<1x128x64xf32, #tpu.memory_space<vmem>> -> memref<128x64xf32, #tpu.memory_space<vmem>>
      %dma_start3A_1166 = arith.constant 0 : i32
      %dma_start3A_1167 = arith.constant 0 : i32
      %dma_start3A_1168 = tpu.memref_slice %arg4[%add3A_1159, %dma_start3A_1166, %dma_start3A_1167] : memref<4096x200x128xf32, #tpu.memory_space<hbm>> -> memref<1x128x64xf32, #tpu.memory_space<hbm>>
      %dma_start3A_1169 = tpu.memref_squeeze %dma_start3A_1168 : memref<1x128x64xf32, #tpu.memory_space<hbm>> -> memref<128x64xf32, #tpu.memory_space<hbm>>
      %dma_start3A_1170 = tpu.memref_slice %arg8[%dma_start3A_1161] : memref<8x!tpu.dma_semaphore, #tpu.memory_space<semaphore_mem>> -> memref<1x!tpu.dma_semaphore, #tpu.memory_space<semaphore_mem>>
      %dma_start3A_1171 = tpu.memref_squeeze %dma_start3A_1170 : memref<1x!tpu.dma_semaphore, #tpu.memory_space<semaphore_mem>> -> memref<!tpu.dma_semaphore, #tpu.memory_space<semaphore_mem>>
      %dma_start3A_1172 = arith.constant 0 : i32
      %dma_start3A_1173 = arith.constant 0 : i32
      %dma_start3A_1174 = tpu.memref_slice %arg4[%add3A_1159, %dma_start3A_1172, %dma_start3A_1173] : memref<4096x200x128xf32, #tpu.memory_space<hbm>> -> memref<1x128x64xf32, #tpu.memory_space<hbm>>
      %dma_start3A_1175 = tpu.memref_squeeze %dma_start3A_1174 : memref<1x128x64xf32, #tpu.memory_space<hbm>> -> memref<128x64xf32, #tpu.memory_space<hbm>>
      %dma_start3A_1176 = arith.constant 0 : i32
      %dma_start3A_1177 = arith.constant 0 : i32
      %dma_start3A_1178 = tpu.memref_slice %arg6[%dma_start3A_1160, %dma_start3A_1176, %dma_start3A_1177] : memref<8x128x64xf32, #tpu.memory_space<vmem>> -> memref<1x128x64xf32, #tpu.memory_space<vmem>>
      %dma_start3A_1179 = tpu.memref_squeeze %dma_start3A_1178 : memref<1x128x64xf32, #tpu.memory_space<vmem>> -> memref<128x64xf32, #tpu.memory_space<vmem>>
      tpu.enqueue_dma source(%dma_start3A_1179 : memref<128x64xf32, #tpu.memory_space<vmem>>) target(%dma_start3A_1175 : memref<128x64xf32, #tpu.memory_space<hbm>>) target_semaphore(%dma_start3A_1171 : memref<!tpu.dma_semaphore, #tpu.memory_space<semaphore_mem>>)
      %dma_wait3A_1180 = arith.constant 4 : i32
      %dma_wait3A_1181 = arith.constant 0 : i32
      %dma_wait3A_1182 = arith.constant 4 : i32
      %dma_wait3A_1183 = arith.constant 0 : i32
      %dma_wait3A_1184 = arith.constant 0 : i32
      %dma_wait3A_1185 = tpu.memref_slice %arg6[%dma_wait3A_1180, %dma_wait3A_1183, %dma_wait3A_1184] : memref<8x128x64xf32, #tpu.memory_space<vmem>> -> memref<1x128x64xf32, #tpu.memory_space<vmem>>
      %dma_wait3A_1186 = tpu.memref_squeeze %dma_wait3A_1185 : memref<1x128x64xf32, #tpu.memory_space<vmem>> -> memref<128x64xf32, #tpu.memory_space<vmem>>
      %dma_wait3A_1187 = arith.constant 0 : i32
      %dma_wait3A_1188 = arith.constant 0 : i32
      %dma_wait3A_1189 = tpu.memref_slice %arg4[%dma_wait3A_1181, %dma_wait3A_1187, %dma_wait3A_1188] : memref<4096x200x128xf32, #tpu.memory_space<hbm>> -> memref<1x128x64xf32, #tpu.memory_space<hbm>>
      %dma_wait3A_1190 = tpu.memref_squeeze %dma_wait3A_1189 : memref<1x128x64xf32, #tpu.memory_space<hbm>> -> memref<128x64xf32, #tpu.memory_space<hbm>>
      %dma_wait3A_1191 = tpu.memref_slice %arg8[%dma_wait3A_1182] : memref<8x!tpu.dma_semaphore, #tpu.memory_space<semaphore_mem>> -> memref<1x!tpu.dma_semaphore, #tpu.memory_space<semaphore_mem>>
      %dma_wait3A_1192 = tpu.memref_squeeze %dma_wait3A_1191 : memref<1x!tpu.dma_semaphore, #tpu.memory_space<semaphore_mem>> -> memref<!tpu.dma_semaphore, #tpu.memory_space<semaphore_mem>>
      %dma_wait3A_1193 = arith.constant 0 : i32
      %dma_wait3A_1194 = arith.constant 0 : i32
      %dma_wait3A_1195 = tpu.memref_slice %arg4[%dma_wait3A_1181, %dma_wait3A_1193, %dma_wait3A_1194] : memref<4096x200x128xf32, #tpu.memory_space<hbm>> -> memref<1x128x64xf32, #tpu.memory_space<hbm>>
      %dma_wait3A_1196 = tpu.memref_squeeze %dma_wait3A_1195 : memref<1x128x64xf32, #tpu.memory_space<hbm>> -> memref<128x64xf32, #tpu.memory_space<hbm>>
      %dma_wait3A_1197 = arith.constant 0 : i32
      %dma_wait3A_1198 = arith.constant 0 : i32
      %dma_wait3A_1199 = tpu.memref_slice %arg6[%dma_wait3A_1180, %dma_wait3A_1197, %dma_wait3A_1198] : memref<8x128x64xf32, #tpu.memory_space<vmem>> -> memref<1x128x64xf32, #tpu.memory_space<vmem>>
      %dma_wait3A_1200 = tpu.memref_squeeze %dma_wait3A_1199 : memref<1x128x64xf32, #tpu.memory_space<vmem>> -> memref<128x64xf32, #tpu.memory_space<vmem>>
      tpu.wait_dma2 semaphore(%dma_wait3A_1192 : memref<!tpu.dma_semaphore, #tpu.memory_space<semaphore_mem>>) src(%dma_wait3A_1200 : memref<128x64xf32, #tpu.memory_space<vmem>>) dst(%dma_wait3A_1196 : memref<128x64xf32, #tpu.memory_space<hbm>>)
      %add3A_1201 = arith.constant 4 : i32
      %add3A_1202 = arith.addi %add3A_1116, %add3A_1201 : i32
      %jit3A_1203 = arith.constant 2 : i32
      %div3A_1204 = arith.divsi %add3A_1202, %jit3A_1203 : i32
      %sign3A_1205 = arith.constant 0 : i32
      %sign3A_1206 = arith.cmpi sgt, %add3A_1202, %sign3A_1205 : i32
      %sign3A_1207 = arith.extui %sign3A_1206 : i1 to i32
      %sign3A_1208 = arith.constant 0 : i32
      %sign3A_1209 = arith.cmpi slt, %add3A_1202, %sign3A_1208 : i32
      %sign3A_1210 = arith.extui %sign3A_1209 : i1 to i32
      %sign3A_1211 = arith.subi %sign3A_1207, %sign3A_1210 : i32
      %sign3A_1212 = arith.constant 0 : i32
      %sign3A_1213 = arith.cmpi sgt, %jit3A_1203, %sign3A_1212 : i32
      %sign3A_1214 = arith.extui %sign3A_1213 : i1 to i32
      %sign3A_1215 = arith.constant 0 : i32
      %sign3A_1216 = arith.cmpi slt, %jit3A_1203, %sign3A_1215 : i32
      %sign3A_1217 = arith.extui %sign3A_1216 : i1 to i32
      %sign3A_1218 = arith.subi %sign3A_1214, %sign3A_1217 : i32
      %ne3A_1219 = arith.cmpi ne, %sign3A_1211, %sign3A_1218 : i32
      %rem3A_1220 = arith.remsi %add3A_1202, %jit3A_1203 : i32
      %ne3A_1221 = arith.constant 0 : i32
      %ne3A_1222 = arith.cmpi ne, %rem3A_1220, %ne3A_1221 : i32
      %and3A_1223 = arith.andi %ne3A_1219, %ne3A_1222 : i1
      %sub3A_1224 = arith.constant 1 : i32
      %sub3A_1225 = arith.subi %div3A_1204, %sub3A_1224 : i32
      %select_n3A_1226 = arith.select %and3A_1223, %sub3A_1225, %div3A_1204 : i32
      %dma_start3A_1227 = arith.constant 4 : i32
      %dma_start3A_1228 = arith.constant 4 : i32
      %dma_start3A_1229 = arith.constant 0 : i32
      %dma_start3A_1230 = arith.constant 0 : i32
      %dma_start3A_1231 = tpu.memref_slice %arg6[%dma_start3A_1227, %dma_start3A_1229, %dma_start3A_1230] : memref<8x128x64xf32, #tpu.memory_space<vmem>> -> memref<1x128x64xf32, #tpu.memory_space<vmem>>
      %dma_start3A_1232 = tpu.memref_squeeze %dma_start3A_1231 : memref<1x128x64xf32, #tpu.memory_space<vmem>> -> memref<128x64xf32, #tpu.memory_space<vmem>>
      %dma_start3A_1233 = arith.constant 0 : i32
      %dma_start3A_1234 = tpu.memref_slice %arg5[%select_n3A_1226, %dma_start3A_1233] : memref<128x200xi32, #tpu.memory_space<vmem>> -> memref<1x128xi32, #tpu.memory_space<vmem>>
      %dma_start3A_1235 = tpu.memref_squeeze %dma_start3A_1234 : memref<1x128xi32, #tpu.memory_space<vmem>> -> memref<128xi32, #tpu.memory_space<vmem>>
      %dma_start3A_1236 = arith.constant 0 : i32
      %dma_start3A_1237 = arith.constant 0 : i32
      %dma_start3A_1238 = tpu.memref_slice %arg3[%dma_start3A_1236, %dma_start3A_1237] : memref<1000000x64xf32, #tpu.memory_space<hbm>> -> memref<1000000x64xf32, #tpu.memory_space<hbm>>
      %dma_start3A_1239 = tpu.memref_slice %arg7[%dma_start3A_1228] : memref<8x!tpu.dma_semaphore, #tpu.memory_space<semaphore_mem>> -> memref<1x!tpu.dma_semaphore, #tpu.memory_space<semaphore_mem>>
      %dma_start3A_1240 = tpu.memref_squeeze %dma_start3A_1239 : memref<1x!tpu.dma_semaphore, #tpu.memory_space<semaphore_mem>> -> memref<!tpu.dma_semaphore, #tpu.memory_space<semaphore_mem>>
      tpu.enqueue_indirect_dma source(%dma_start3A_1238 : memref<1000000x64xf32, #tpu.memory_space<hbm>>) target(%dma_start3A_1232 : memref<128x64xf32, #tpu.memory_space<vmem>>) offsets(%dma_start3A_1235 : memref<128xi32, #tpu.memory_space<vmem>>) semaphore(%dma_start3A_1240 : memref<!tpu.dma_semaphore, #tpu.memory_space<semaphore_mem>>)
      %add3A_1241 = arith.constant 5 : i32
      %add3A_1242 = arith.addi %add3A_618, %add3A_1241 : i32
      %dma_wait3A_1243 = arith.constant 1 : i32
      %dma_wait3A_1244 = arith.constant 1 : i32
      %dma_wait3A_1245 = arith.constant 0 : i32
      %dma_wait3A_1246 = arith.constant 0 : i32
      %dma_wait3A_1247 = tpu.memref_slice %arg6[%dma_wait3A_1243, %dma_wait3A_1245, %dma_wait3A_1246] : memref<8x128x64xf32, #tpu.memory_space<vmem>> -> memref<1x72x64xf32, #tpu.memory_space<vmem>>
      %dma_wait3A_1248 = tpu.memref_squeeze %dma_wait3A_1247 : memref<1x72x64xf32, #tpu.memory_space<vmem>> -> memref<72x64xf32, #tpu.memory_space<vmem>>
      %dma_wait3A_1249 = arith.constant 0 : i32
      %dma_wait3A_1250 = arith.constant 0 : i32
      %dma_wait3A_1251 = tpu.memref_slice %arg3[%dma_wait3A_1249, %dma_wait3A_1250] : memref<1000000x64xf32, #tpu.memory_space<hbm>> -> memref<72x64xf32, #tpu.memory_space<hbm>>
      %dma_wait3A_1252 = tpu.memref_slice %arg7[%dma_wait3A_1244] : memref<8x!tpu.dma_semaphore, #tpu.memory_space<semaphore_mem>> -> memref<1x!tpu.dma_semaphore, #tpu.memory_space<semaphore_mem>>
      %dma_wait3A_1253 = tpu.memref_squeeze %dma_wait3A_1252 : memref<1x!tpu.dma_semaphore, #tpu.memory_space<semaphore_mem>> -> memref<!tpu.dma_semaphore, #tpu.memory_space<semaphore_mem>>
      %dma_wait3A_1254 = arith.constant 0 : i32
      %dma_wait3A_1255 = arith.constant 0 : i32
      %dma_wait3A_1256 = tpu.memref_slice %arg6[%dma_wait3A_1243, %dma_wait3A_1254, %dma_wait3A_1255] : memref<8x128x64xf32, #tpu.memory_space<vmem>> -> memref<1x72x64xf32, #tpu.memory_space<vmem>>
      %dma_wait3A_1257 = tpu.memref_squeeze %dma_wait3A_1256 : memref<1x72x64xf32, #tpu.memory_space<vmem>> -> memref<72x64xf32, #tpu.memory_space<vmem>>
      %dma_wait3A_1258 = arith.constant 0 : i32
      %dma_wait3A_1259 = arith.constant 0 : i32
      %dma_wait3A_1260 = tpu.memref_slice %arg3[%dma_wait3A_1258, %dma_wait3A_1259] : memref<1000000x64xf32, #tpu.memory_space<hbm>> -> memref<72x64xf32, #tpu.memory_space<hbm>>
      tpu.wait_dma2 semaphore(%dma_wait3A_1253 : memref<!tpu.dma_semaphore, #tpu.memory_space<semaphore_mem>>) src(%dma_wait3A_1260 : memref<72x64xf32, #tpu.memory_space<hbm>>) dst(%dma_wait3A_1257 : memref<72x64xf32, #tpu.memory_space<vmem>>)
      %jit3A_1261 = arith.constant 2 : i32
      %div3A_1262 = arith.divsi %add3A_1242, %jit3A_1261 : i32
      %sign3A_1263 = arith.constant 0 : i32
      %sign3A_1264 = arith.cmpi sgt, %add3A_1242, %sign3A_1263 : i32
      %sign3A_1265 = arith.extui %sign3A_1264 : i1 to i32
      %sign3A_1266 = arith.constant 0 : i32
      %sign3A_1267 = arith.cmpi slt, %add3A_1242, %sign3A_1266 : i32
      %sign3A_1268 = arith.extui %sign3A_1267 : i1 to i32
      %sign3A_1269 = arith.subi %sign3A_1265, %sign3A_1268 : i32
      %sign3A_1270 = arith.constant 0 : i32
      %sign3A_1271 = arith.cmpi sgt, %jit3A_1261, %sign3A_1270 : i32
      %sign3A_1272 = arith.extui %sign3A_1271 : i1 to i32
      %sign3A_1273 = arith.constant 0 : i32
      %sign3A_1274 = arith.cmpi slt, %jit3A_1261, %sign3A_1273 : i32
      %sign3A_1275 = arith.extui %sign3A_1274 : i1 to i32
      %sign3A_1276 = arith.subi %sign3A_1272, %sign3A_1275 : i32
      %ne3A_1277 = arith.cmpi ne, %sign3A_1269, %sign3A_1276 : i32
      %rem3A_1278 = arith.remsi %add3A_1242, %jit3A_1261 : i32
      %ne3A_1279 = arith.constant 0 : i32
      %ne3A_1280 = arith.cmpi ne, %rem3A_1278, %ne3A_1279 : i32
      %and3A_1281 = arith.andi %ne3A_1277, %ne3A_1280 : i1
      %sub3A_1282 = arith.constant 1 : i32
      %sub3A_1283 = arith.subi %div3A_1262, %sub3A_1282 : i32
      %select_n3A_1284 = arith.select %and3A_1281, %sub3A_1283, %div3A_1262 : i32
      %add3A_1285 = arith.addi %mul3A_2, %select_n3A_1284 : i32
      %dma_start3A_1286 = arith.constant 1 : i32
      %dma_start3A_1287 = arith.constant 1 : i32
      %dma_start3A_1288 = arith.constant 0 : i32
      %dma_start3A_1289 = arith.constant 0 : i32
      %dma_start3A_1290 = tpu.memref_slice %arg6[%dma_start3A_1286, %dma_start3A_1288, %dma_start3A_1289] : memref<8x128x64xf32, #tpu.memory_space<vmem>> -> memref<1x72x64xf32, #tpu.memory_space<vmem>>
      %dma_start3A_1291 = tpu.memref_squeeze %dma_start3A_1290 : memref<1x72x64xf32, #tpu.memory_space<vmem>> -> memref<72x64xf32, #tpu.memory_space<vmem>>
      %dma_start3A_1292 = arith.constant 128 : i32
      %dma_start3A_1293 = arith.constant 0 : i32
      %dma_start3A_1294 = tpu.memref_slice %arg4[%add3A_1285, %dma_start3A_1292, %dma_start3A_1293] : memref<4096x200x128xf32, #tpu.memory_space<hbm>> -> memref<1x72x64xf32, #tpu.memory_space<hbm>>
      %dma_start3A_1295 = tpu.memref_squeeze %dma_start3A_1294 : memref<1x72x64xf32, #tpu.memory_space<hbm>> -> memref<72x64xf32, #tpu.memory_space<hbm>>
      %dma_start3A_1296 = tpu.memref_slice %arg8[%dma_start3A_1287] : memref<8x!tpu.dma_semaphore, #tpu.memory_space<semaphore_mem>> -> memref<1x!tpu.dma_semaphore, #tpu.memory_space<semaphore_mem>>
      %dma_start3A_1297 = tpu.memref_squeeze %dma_start3A_1296 : memref<1x!tpu.dma_semaphore, #tpu.memory_space<semaphore_mem>> -> memref<!tpu.dma_semaphore, #tpu.memory_space<semaphore_mem>>
      %dma_start3A_1298 = arith.constant 128 : i32
      %dma_start3A_1299 = arith.constant 0 : i32
      %dma_start3A_1300 = tpu.memref_slice %arg4[%add3A_1285, %dma_start3A_1298, %dma_start3A_1299] : memref<4096x200x128xf32, #tpu.memory_space<hbm>> -> memref<1x72x64xf32, #tpu.memory_space<hbm>>
      %dma_start3A_1301 = tpu.memref_squeeze %dma_start3A_1300 : memref<1x72x64xf32, #tpu.memory_space<hbm>> -> memref<72x64xf32, #tpu.memory_space<hbm>>
      %dma_start3A_1302 = arith.constant 0 : i32
      %dma_start3A_1303 = arith.constant 0 : i32
      %dma_start3A_1304 = tpu.memref_slice %arg6[%dma_start3A_1286, %dma_start3A_1302, %dma_start3A_1303] : memref<8x128x64xf32, #tpu.memory_space<vmem>> -> memref<1x72x64xf32, #tpu.memory_space<vmem>>
      %dma_start3A_1305 = tpu.memref_squeeze %dma_start3A_1304 : memref<1x72x64xf32, #tpu.memory_space<vmem>> -> memref<72x64xf32, #tpu.memory_space<vmem>>
      tpu.enqueue_dma source(%dma_start3A_1305 : memref<72x64xf32, #tpu.memory_space<vmem>>) target(%dma_start3A_1301 : memref<72x64xf32, #tpu.memory_space<hbm>>) target_semaphore(%dma_start3A_1297 : memref<!tpu.dma_semaphore, #tpu.memory_space<semaphore_mem>>)
      %dma_wait3A_1306 = arith.constant 5 : i32
      %dma_wait3A_1307 = arith.constant 0 : i32
      %dma_wait3A_1308 = arith.constant 5 : i32
      %dma_wait3A_1309 = arith.constant 0 : i32
      %dma_wait3A_1310 = arith.constant 0 : i32
      %dma_wait3A_1311 = tpu.memref_slice %arg6[%dma_wait3A_1306, %dma_wait3A_1309, %dma_wait3A_1310] : memref<8x128x64xf32, #tpu.memory_space<vmem>> -> memref<1x72x64xf32, #tpu.memory_space<vmem>>
      %dma_wait3A_1312 = tpu.memref_squeeze %dma_wait3A_1311 : memref<1x72x64xf32, #tpu.memory_space<vmem>> -> memref<72x64xf32, #tpu.memory_space<vmem>>
      %dma_wait3A_1313 = arith.constant 0 : i32
      %dma_wait3A_1314 = arith.constant 0 : i32
      %dma_wait3A_1315 = tpu.memref_slice %arg4[%dma_wait3A_1307, %dma_wait3A_1313, %dma_wait3A_1314] : memref<4096x200x128xf32, #tpu.memory_space<hbm>> -> memref<1x72x64xf32, #tpu.memory_space<hbm>>
      %dma_wait3A_1316 = tpu.memref_squeeze %dma_wait3A_1315 : memref<1x72x64xf32, #tpu.memory_space<hbm>> -> memref<72x64xf32, #tpu.memory_space<hbm>>
      %dma_wait3A_1317 = tpu.memref_slice %arg8[%dma_wait3A_1308] : memref<8x!tpu.dma_semaphore, #tpu.memory_space<semaphore_mem>> -> memref<1x!tpu.dma_semaphore, #tpu.memory_space<semaphore_mem>>
      %dma_wait3A_1318 = tpu.memref_squeeze %dma_wait3A_1317 : memref<1x!tpu.dma_semaphore, #tpu.memory_space<semaphore_mem>> -> memref<!tpu.dma_semaphore, #tpu.memory_space<semaphore_mem>>
      %dma_wait3A_1319 = arith.constant 0 : i32
      %dma_wait3A_1320 = arith.constant 0 : i32
      %dma_wait3A_1321 = tpu.memref_slice %arg4[%dma_wait3A_1307, %dma_wait3A_1319, %dma_wait3A_1320] : memref<4096x200x128xf32, #tpu.memory_space<hbm>> -> memref<1x72x64xf32, #tpu.memory_space<hbm>>
      %dma_wait3A_1322 = tpu.memref_squeeze %dma_wait3A_1321 : memref<1x72x64xf32, #tpu.memory_space<hbm>> -> memref<72x64xf32, #tpu.memory_space<hbm>>
      %dma_wait3A_1323 = arith.constant 0 : i32
      %dma_wait3A_1324 = arith.constant 0 : i32
      %dma_wait3A_1325 = tpu.memref_slice %arg6[%dma_wait3A_1306, %dma_wait3A_1323, %dma_wait3A_1324] : memref<8x128x64xf32, #tpu.memory_space<vmem>> -> memref<1x72x64xf32, #tpu.memory_space<vmem>>
      %dma_wait3A_1326 = tpu.memref_squeeze %dma_wait3A_1325 : memref<1x72x64xf32, #tpu.memory_space<vmem>> -> memref<72x64xf32, #tpu.memory_space<vmem>>
      tpu.wait_dma2 semaphore(%dma_wait3A_1318 : memref<!tpu.dma_semaphore, #tpu.memory_space<semaphore_mem>>) src(%dma_wait3A_1326 : memref<72x64xf32, #tpu.memory_space<vmem>>) dst(%dma_wait3A_1322 : memref<72x64xf32, #tpu.memory_space<hbm>>)
      %add3A_1327 = arith.constant 4 : i32
      %add3A_1328 = arith.addi %add3A_1242, %add3A_1327 : i32
      %jit3A_1329 = arith.constant 2 : i32
      %div3A_1330 = arith.divsi %add3A_1328, %jit3A_1329 : i32
      %sign3A_1331 = arith.constant 0 : i32
      %sign3A_1332 = arith.cmpi sgt, %add3A_1328, %sign3A_1331 : i32
      %sign3A_1333 = arith.extui %sign3A_1332 : i1 to i32
      %sign3A_1334 = arith.constant 0 : i32
      %sign3A_1335 = arith.cmpi slt, %add3A_1328, %sign3A_1334 : i32
      %sign3A_1336 = arith.extui %sign3A_1335 : i1 to i32
      %sign3A_1337 = arith.subi %sign3A_1333, %sign3A_1336 : i32
      %sign3A_1338 = arith.constant 0 : i32
      %sign3A_1339 = arith.cmpi sgt, %jit3A_1329, %sign3A_1338 : i32
      %sign3A_1340 = arith.extui %sign3A_1339 : i1 to i32
      %sign3A_1341 = arith.constant 0 : i32
      %sign3A_1342 = arith.cmpi slt, %jit3A_1329, %sign3A_1341 : i32
      %sign3A_1343 = arith.extui %sign3A_1342 : i1 to i32
      %sign3A_1344 = arith.subi %sign3A_1340, %sign3A_1343 : i32
      %ne3A_1345 = arith.cmpi ne, %sign3A_1337, %sign3A_1344 : i32
      %rem3A_1346 = arith.remsi %add3A_1328, %jit3A_1329 : i32
      %ne3A_1347 = arith.constant 0 : i32
      %ne3A_1348 = arith.cmpi ne, %rem3A_1346, %ne3A_1347 : i32
      %and3A_1349 = arith.andi %ne3A_1345, %ne3A_1348 : i1
      %sub3A_1350 = arith.constant 1 : i32
      %sub3A_1351 = arith.subi %div3A_1330, %sub3A_1350 : i32
      %select_n3A_1352 = arith.select %and3A_1349, %sub3A_1351, %div3A_1330 : i32
      %dma_start3A_1353 = arith.constant 5 : i32
      %dma_start3A_1354 = arith.constant 5 : i32
      %dma_start3A_1355 = arith.constant 0 : i32
      %dma_start3A_1356 = arith.constant 0 : i32
      %dma_start3A_1357 = tpu.memref_slice %arg6[%dma_start3A_1353, %dma_start3A_1355, %dma_start3A_1356] : memref<8x128x64xf32, #tpu.memory_space<vmem>> -> memref<1x72x64xf32, #tpu.memory_space<vmem>>
      %dma_start3A_1358 = tpu.memref_squeeze %dma_start3A_1357 : memref<1x72x64xf32, #tpu.memory_space<vmem>> -> memref<72x64xf32, #tpu.memory_space<vmem>>
      %dma_start3A_1359 = arith.constant 128 : i32
      %dma_start3A_1360 = tpu.memref_slice %arg5[%select_n3A_1352, %dma_start3A_1359] : memref<128x200xi32, #tpu.memory_space<vmem>> -> memref<1x72xi32, #tpu.memory_space<vmem>>
      %dma_start3A_1361 = tpu.memref_squeeze %dma_start3A_1360 : memref<1x72xi32, #tpu.memory_space<vmem>> -> memref<72xi32, #tpu.memory_space<vmem>>
      %dma_start3A_1362 = arith.constant 0 : i32
      %dma_start3A_1363 = arith.constant 0 : i32
      %dma_start3A_1364 = tpu.memref_slice %arg3[%dma_start3A_1362, %dma_start3A_1363] : memref<1000000x64xf32, #tpu.memory_space<hbm>> -> memref<1000000x64xf32, #tpu.memory_space<hbm>>
      %dma_start3A_1365 = tpu.memref_slice %arg7[%dma_start3A_1354] : memref<8x!tpu.dma_semaphore, #tpu.memory_space<semaphore_mem>> -> memref<1x!tpu.dma_semaphore, #tpu.memory_space<semaphore_mem>>
      %dma_start3A_1366 = tpu.memref_squeeze %dma_start3A_1365 : memref<1x!tpu.dma_semaphore, #tpu.memory_space<semaphore_mem>> -> memref<!tpu.dma_semaphore, #tpu.memory_space<semaphore_mem>>
      tpu.enqueue_indirect_dma source(%dma_start3A_1364 : memref<1000000x64xf32, #tpu.memory_space<hbm>>) target(%dma_start3A_1358 : memref<72x64xf32, #tpu.memory_space<vmem>>) offsets(%dma_start3A_1361 : memref<72xi32, #tpu.memory_space<vmem>>) semaphore(%dma_start3A_1366 : memref<!tpu.dma_semaphore, #tpu.memory_space<semaphore_mem>>)
      %add3A_1367 = arith.constant 6 : i32
      %add3A_1368 = arith.addi %add3A_618, %add3A_1367 : i32
      %dma_wait3A_1369 = arith.constant 2 : i32
      %dma_wait3A_1370 = arith.constant 2 : i32
      %dma_wait3A_1371 = arith.constant 0 : i32
      %dma_wait3A_1372 = arith.constant 0 : i32
      %dma_wait3A_1373 = tpu.memref_slice %arg6[%dma_wait3A_1369, %dma_wait3A_1371, %dma_wait3A_1372] : memref<8x128x64xf32, #tpu.memory_space<vmem>> -> memref<1x128x64xf32, #tpu.memory_space<vmem>>
      %dma_wait3A_1374 = tpu.memref_squeeze %dma_wait3A_1373 : memref<1x128x64xf32, #tpu.memory_space<vmem>> -> memref<128x64xf32, #tpu.memory_space<vmem>>
      %dma_wait3A_1375 = arith.constant 0 : i32
      %dma_wait3A_1376 = arith.constant 0 : i32
      %dma_wait3A_1377 = tpu.memref_slice %arg3[%dma_wait3A_1375, %dma_wait3A_1376] : memref<1000000x64xf32, #tpu.memory_space<hbm>> -> memref<128x64xf32, #tpu.memory_space<hbm>>
      %dma_wait3A_1378 = tpu.memref_slice %arg7[%dma_wait3A_1370] : memref<8x!tpu.dma_semaphore, #tpu.memory_space<semaphore_mem>> -> memref<1x!tpu.dma_semaphore, #tpu.memory_space<semaphore_mem>>
      %dma_wait3A_1379 = tpu.memref_squeeze %dma_wait3A_1378 : memref<1x!tpu.dma_semaphore, #tpu.memory_space<semaphore_mem>> -> memref<!tpu.dma_semaphore, #tpu.memory_space<semaphore_mem>>
      %dma_wait3A_1380 = arith.constant 0 : i32
      %dma_wait3A_1381 = arith.constant 0 : i32
      %dma_wait3A_1382 = tpu.memref_slice %arg6[%dma_wait3A_1369, %dma_wait3A_1380, %dma_wait3A_1381] : memref<8x128x64xf32, #tpu.memory_space<vmem>> -> memref<1x128x64xf32, #tpu.memory_space<vmem>>
      %dma_wait3A_1383 = tpu.memref_squeeze %dma_wait3A_1382 : memref<1x128x64xf32, #tpu.memory_space<vmem>> -> memref<128x64xf32, #tpu.memory_space<vmem>>
      %dma_wait3A_1384 = arith.constant 0 : i32
      %dma_wait3A_1385 = arith.constant 0 : i32
      %dma_wait3A_1386 = tpu.memref_slice %arg3[%dma_wait3A_1384, %dma_wait3A_1385] : memref<1000000x64xf32, #tpu.memory_space<hbm>> -> memref<128x64xf32, #tpu.memory_space<hbm>>
      tpu.wait_dma2 semaphore(%dma_wait3A_1379 : memref<!tpu.dma_semaphore, #tpu.memory_space<semaphore_mem>>) src(%dma_wait3A_1386 : memref<128x64xf32, #tpu.memory_space<hbm>>) dst(%dma_wait3A_1383 : memref<128x64xf32, #tpu.memory_space<vmem>>)
      %jit3A_1387 = arith.constant 2 : i32
      %div3A_1388 = arith.divsi %add3A_1368, %jit3A_1387 : i32
      %sign3A_1389 = arith.constant 0 : i32
      %sign3A_1390 = arith.cmpi sgt, %add3A_1368, %sign3A_1389 : i32
      %sign3A_1391 = arith.extui %sign3A_1390 : i1 to i32
      %sign3A_1392 = arith.constant 0 : i32
      %sign3A_1393 = arith.cmpi slt, %add3A_1368, %sign3A_1392 : i32
      %sign3A_1394 = arith.extui %sign3A_1393 : i1 to i32
      %sign3A_1395 = arith.subi %sign3A_1391, %sign3A_1394 : i32
      %sign3A_1396 = arith.constant 0 : i32
      %sign3A_1397 = arith.cmpi sgt, %jit3A_1387, %sign3A_1396 : i32
      %sign3A_1398 = arith.extui %sign3A_1397 : i1 to i32
      %sign3A_1399 = arith.constant 0 : i32
      %sign3A_1400 = arith.cmpi slt, %jit3A_1387, %sign3A_1399 : i32
      %sign3A_1401 = arith.extui %sign3A_1400 : i1 to i32
      %sign3A_1402 = arith.subi %sign3A_1398, %sign3A_1401 : i32
      %ne3A_1403 = arith.cmpi ne, %sign3A_1395, %sign3A_1402 : i32
      %rem3A_1404 = arith.remsi %add3A_1368, %jit3A_1387 : i32
      %ne3A_1405 = arith.constant 0 : i32
      %ne3A_1406 = arith.cmpi ne, %rem3A_1404, %ne3A_1405 : i32
      %and3A_1407 = arith.andi %ne3A_1403, %ne3A_1406 : i1
      %sub3A_1408 = arith.constant 1 : i32
      %sub3A_1409 = arith.subi %div3A_1388, %sub3A_1408 : i32
      %select_n3A_1410 = arith.select %and3A_1407, %sub3A_1409, %div3A_1388 : i32
      %add3A_1411 = arith.addi %mul3A_2, %select_n3A_1410 : i32
      %dma_start3A_1412 = arith.constant 2 : i32
      %dma_start3A_1413 = arith.constant 2 : i32
      %dma_start3A_1414 = arith.constant 0 : i32
      %dma_start3A_1415 = arith.constant 0 : i32
      %dma_start3A_1416 = tpu.memref_slice %arg6[%dma_start3A_1412, %dma_start3A_1414, %dma_start3A_1415] : memref<8x128x64xf32, #tpu.memory_space<vmem>> -> memref<1x128x64xf32, #tpu.memory_space<vmem>>
      %dma_start3A_1417 = tpu.memref_squeeze %dma_start3A_1416 : memref<1x128x64xf32, #tpu.memory_space<vmem>> -> memref<128x64xf32, #tpu.memory_space<vmem>>
      %dma_start3A_1418 = arith.constant 0 : i32
      %dma_start3A_1419 = arith.constant 0 : i32
      %dma_start3A_1420 = tpu.memref_slice %arg4[%add3A_1411, %dma_start3A_1418, %dma_start3A_1419] : memref<4096x200x128xf32, #tpu.memory_space<hbm>> -> memref<1x128x64xf32, #tpu.memory_space<hbm>>
      %dma_start3A_1421 = tpu.memref_squeeze %dma_start3A_1420 : memref<1x128x64xf32, #tpu.memory_space<hbm>> -> memref<128x64xf32, #tpu.memory_space<hbm>>
      %dma_start3A_1422 = tpu.memref_slice %arg8[%dma_start3A_1413] : memref<8x!tpu.dma_semaphore, #tpu.memory_space<semaphore_mem>> -> memref<1x!tpu.dma_semaphore, #tpu.memory_space<semaphore_mem>>
      %dma_start3A_1423 = tpu.memref_squeeze %dma_start3A_1422 : memref<1x!tpu.dma_semaphore, #tpu.memory_space<semaphore_mem>> -> memref<!tpu.dma_semaphore, #tpu.memory_space<semaphore_mem>>
      %dma_start3A_1424 = arith.constant 0 : i32
      %dma_start3A_1425 = arith.constant 0 : i32
      %dma_start3A_1426 = tpu.memref_slice %arg4[%add3A_1411, %dma_start3A_1424, %dma_start3A_1425] : memref<4096x200x128xf32, #tpu.memory_space<hbm>> -> memref<1x128x64xf32, #tpu.memory_space<hbm>>
      %dma_start3A_1427 = tpu.memref_squeeze %dma_start3A_1426 : memref<1x128x64xf32, #tpu.memory_space<hbm>> -> memref<128x64xf32, #tpu.memory_space<hbm>>
      %dma_start3A_1428 = arith.constant 0 : i32
      %dma_start3A_1429 = arith.constant 0 : i32
      %dma_start3A_1430 = tpu.memref_slice %arg6[%dma_start3A_1412, %dma_start3A_1428, %dma_start3A_1429] : memref<8x128x64xf32, #tpu.memory_space<vmem>> -> memref<1x128x64xf32, #tpu.memory_space<vmem>>
      %dma_start3A_1431 = tpu.memref_squeeze %dma_start3A_1430 : memref<1x128x64xf32, #tpu.memory_space<vmem>> -> memref<128x64xf32, #tpu.memory_space<vmem>>
      tpu.enqueue_dma source(%dma_start3A_1431 : memref<128x64xf32, #tpu.memory_space<vmem>>) target(%dma_start3A_1427 : memref<128x64xf32, #tpu.memory_space<hbm>>) target_semaphore(%dma_start3A_1423 : memref<!tpu.dma_semaphore, #tpu.memory_space<semaphore_mem>>)
      %dma_wait3A_1432 = arith.constant 6 : i32
      %dma_wait3A_1433 = arith.constant 0 : i32
      %dma_wait3A_1434 = arith.constant 6 : i32
      %dma_wait3A_1435 = arith.constant 0 : i32
      %dma_wait3A_1436 = arith.constant 0 : i32
      %dma_wait3A_1437 = tpu.memref_slice %arg6[%dma_wait3A_1432, %dma_wait3A_1435, %dma_wait3A_1436] : memref<8x128x64xf32, #tpu.memory_space<vmem>> -> memref<1x128x64xf32, #tpu.memory_space<vmem>>
      %dma_wait3A_1438 = tpu.memref_squeeze %dma_wait3A_1437 : memref<1x128x64xf32, #tpu.memory_space<vmem>> -> memref<128x64xf32, #tpu.memory_space<vmem>>
      %dma_wait3A_1439 = arith.constant 0 : i32
      %dma_wait3A_1440 = arith.constant 0 : i32
      %dma_wait3A_1441 = tpu.memref_slice %arg4[%dma_wait3A_1433, %dma_wait3A_1439, %dma_wait3A_1440] : memref<4096x200x128xf32, #tpu.memory_space<hbm>> -> memref<1x128x64xf32, #tpu.memory_space<hbm>>
      %dma_wait3A_1442 = tpu.memref_squeeze %dma_wait3A_1441 : memref<1x128x64xf32, #tpu.memory_space<hbm>> -> memref<128x64xf32, #tpu.memory_space<hbm>>
      %dma_wait3A_1443 = tpu.memref_slice %arg8[%dma_wait3A_1434] : memref<8x!tpu.dma_semaphore, #tpu.memory_space<semaphore_mem>> -> memref<1x!tpu.dma_semaphore, #tpu.memory_space<semaphore_mem>>
      %dma_wait3A_1444 = tpu.memref_squeeze %dma_wait3A_1443 : memref<1x!tpu.dma_semaphore, #tpu.memory_space<semaphore_mem>> -> memref<!tpu.dma_semaphore, #tpu.memory_space<semaphore_mem>>
      %dma_wait3A_1445 = arith.constant 0 : i32
      %dma_wait3A_1446 = arith.constant 0 : i32
      %dma_wait3A_1447 = tpu.memref_slice %arg4[%dma_wait3A_1433, %dma_wait3A_1445, %dma_wait3A_1446] : memref<4096x200x128xf32, #tpu.memory_space<hbm>> -> memref<1x128x64xf32, #tpu.memory_space<hbm>>
      %dma_wait3A_1448 = tpu.memref_squeeze %dma_wait3A_1447 : memref<1x128x64xf32, #tpu.memory_space<hbm>> -> memref<128x64xf32, #tpu.memory_space<hbm>>
      %dma_wait3A_1449 = arith.constant 0 : i32
      %dma_wait3A_1450 = arith.constant 0 : i32
      %dma_wait3A_1451 = tpu.memref_slice %arg6[%dma_wait3A_1432, %dma_wait3A_1449, %dma_wait3A_1450] : memref<8x128x64xf32, #tpu.memory_space<vmem>> -> memref<1x128x64xf32, #tpu.memory_space<vmem>>
      %dma_wait3A_1452 = tpu.memref_squeeze %dma_wait3A_1451 : memref<1x128x64xf32, #tpu.memory_space<vmem>> -> memref<128x64xf32, #tpu.memory_space<vmem>>
      tpu.wait_dma2 semaphore(%dma_wait3A_1444 : memref<!tpu.dma_semaphore, #tpu.memory_space<semaphore_mem>>) src(%dma_wait3A_1452 : memref<128x64xf32, #tpu.memory_space<vmem>>) dst(%dma_wait3A_1448 : memref<128x64xf32, #tpu.memory_space<hbm>>)
      %add3A_1453 = arith.constant 4 : i32
      %add3A_1454 = arith.addi %add3A_1368, %add3A_1453 : i32
      %jit3A_1455 = arith.constant 2 : i32
      %div3A_1456 = arith.divsi %add3A_1454, %jit3A_1455 : i32
      %sign3A_1457 = arith.constant 0 : i32
      %sign3A_1458 = arith.cmpi sgt, %add3A_1454, %sign3A_1457 : i32
      %sign3A_1459 = arith.extui %sign3A_1458 : i1 to i32
      %sign3A_1460 = arith.constant 0 : i32
      %sign3A_1461 = arith.cmpi slt, %add3A_1454, %sign3A_1460 : i32
      %sign3A_1462 = arith.extui %sign3A_1461 : i1 to i32
      %sign3A_1463 = arith.subi %sign3A_1459, %sign3A_1462 : i32
      %sign3A_1464 = arith.constant 0 : i32
      %sign3A_1465 = arith.cmpi sgt, %jit3A_1455, %sign3A_1464 : i32
      %sign3A_1466 = arith.extui %sign3A_1465 : i1 to i32
      %sign3A_1467 = arith.constant 0 : i32
      %sign3A_1468 = arith.cmpi slt, %jit3A_1455, %sign3A_1467 : i32
      %sign3A_1469 = arith.extui %sign3A_1468 : i1 to i32
      %sign3A_1470 = arith.subi %sign3A_1466, %sign3A_1469 : i32
      %ne3A_1471 = arith.cmpi ne, %sign3A_1463, %sign3A_1470 : i32
      %rem3A_1472 = arith.remsi %add3A_1454, %jit3A_1455 : i32
      %ne3A_1473 = arith.constant 0 : i32
      %ne3A_1474 = arith.cmpi ne, %rem3A_1472, %ne3A_1473 : i32
      %and3A_1475 = arith.andi %ne3A_1471, %ne3A_1474 : i1
      %sub3A_1476 = arith.constant 1 : i32
      %sub3A_1477 = arith.subi %div3A_1456, %sub3A_1476 : i32
      %select_n3A_1478 = arith.select %and3A_1475, %sub3A_1477, %div3A_1456 : i32
      %dma_start3A_1479 = arith.constant 6 : i32
      %dma_start3A_1480 = arith.constant 6 : i32
      %dma_start3A_1481 = arith.constant 0 : i32
      %dma_start3A_1482 = arith.constant 0 : i32
      %dma_start3A_1483 = tpu.memref_slice %arg6[%dma_start3A_1479, %dma_start3A_1481, %dma_start3A_1482] : memref<8x128x64xf32, #tpu.memory_space<vmem>> -> memref<1x128x64xf32, #tpu.memory_space<vmem>>
      %dma_start3A_1484 = tpu.memref_squeeze %dma_start3A_1483 : memref<1x128x64xf32, #tpu.memory_space<vmem>> -> memref<128x64xf32, #tpu.memory_space<vmem>>
      %dma_start3A_1485 = arith.constant 0 : i32
      %dma_start3A_1486 = tpu.memref_slice %arg5[%select_n3A_1478, %dma_start3A_1485] : memref<128x200xi32, #tpu.memory_space<vmem>> -> memref<1x128xi32, #tpu.memory_space<vmem>>
      %dma_start3A_1487 = tpu.memref_squeeze %dma_start3A_1486 : memref<1x128xi32, #tpu.memory_space<vmem>> -> memref<128xi32, #tpu.memory_space<vmem>>
      %dma_start3A_1488 = arith.constant 0 : i32
      %dma_start3A_1489 = arith.constant 0 : i32
      %dma_start3A_1490 = tpu.memref_slice %arg3[%dma_start3A_1488, %dma_start3A_1489] : memref<1000000x64xf32, #tpu.memory_space<hbm>> -> memref<1000000x64xf32, #tpu.memory_space<hbm>>
      %dma_start3A_1491 = tpu.memref_slice %arg7[%dma_start3A_1480] : memref<8x!tpu.dma_semaphore, #tpu.memory_space<semaphore_mem>> -> memref<1x!tpu.dma_semaphore, #tpu.memory_space<semaphore_mem>>
      %dma_start3A_1492 = tpu.memref_squeeze %dma_start3A_1491 : memref<1x!tpu.dma_semaphore, #tpu.memory_space<semaphore_mem>> -> memref<!tpu.dma_semaphore, #tpu.memory_space<semaphore_mem>>
      tpu.enqueue_indirect_dma source(%dma_start3A_1490 : memref<1000000x64xf32, #tpu.memory_space<hbm>>) target(%dma_start3A_1484 : memref<128x64xf32, #tpu.memory_space<vmem>>) offsets(%dma_start3A_1487 : memref<128xi32, #tpu.memory_space<vmem>>) semaphore(%dma_start3A_1492 : memref<!tpu.dma_semaphore, #tpu.memory_space<semaphore_mem>>)
      %add3A_1493 = arith.constant 7 : i32
      %add3A_1494 = arith.addi %add3A_618, %add3A_1493 : i32
      %dma_wait3A_1495 = arith.constant 3 : i32
      %dma_wait3A_1496 = arith.constant 3 : i32
      %dma_wait3A_1497 = arith.constant 0 : i32
      %dma_wait3A_1498 = arith.constant 0 : i32
      %dma_wait3A_1499 = tpu.memref_slice %arg6[%dma_wait3A_1495, %dma_wait3A_1497, %dma_wait3A_1498] : memref<8x128x64xf32, #tpu.memory_space<vmem>> -> memref<1x72x64xf32, #tpu.memory_space<vmem>>
      %dma_wait3A_1500 = tpu.memref_squeeze %dma_wait3A_1499 : memref<1x72x64xf32, #tpu.memory_space<vmem>> -> memref<72x64xf32, #tpu.memory_space<vmem>>
      %dma_wait3A_1501 = arith.constant 0 : i32
      %dma_wait3A_1502 = arith.constant 0 : i32
      %dma_wait3A_1503 = tpu.memref_slice %arg3[%dma_wait3A_1501, %dma_wait3A_1502] : memref<1000000x64xf32, #tpu.memory_space<hbm>> -> memref<72x64xf32, #tpu.memory_space<hbm>>
      %dma_wait3A_1504 = tpu.memref_slice %arg7[%dma_wait3A_1496] : memref<8x!tpu.dma_semaphore, #tpu.memory_space<semaphore_mem>> -> memref<1x!tpu.dma_semaphore, #tpu.memory_space<semaphore_mem>>
      %dma_wait3A_1505 = tpu.memref_squeeze %dma_wait3A_1504 : memref<1x!tpu.dma_semaphore, #tpu.memory_space<semaphore_mem>> -> memref<!tpu.dma_semaphore, #tpu.memory_space<semaphore_mem>>
      %dma_wait3A_1506 = arith.constant 0 : i32
      %dma_wait3A_1507 = arith.constant 0 : i32
      %dma_wait3A_1508 = tpu.memref_slice %arg6[%dma_wait3A_1495, %dma_wait3A_1506, %dma_wait3A_1507] : memref<8x128x64xf32, #tpu.memory_space<vmem>> -> memref<1x72x64xf32, #tpu.memory_space<vmem>>
      %dma_wait3A_1509 = tpu.memref_squeeze %dma_wait3A_1508 : memref<1x72x64xf32, #tpu.memory_space<vmem>> -> memref<72x64xf32, #tpu.memory_space<vmem>>
      %dma_wait3A_1510 = arith.constant 0 : i32
      %dma_wait3A_1511 = arith.constant 0 : i32
      %dma_wait3A_1512 = tpu.memref_slice %arg3[%dma_wait3A_1510, %dma_wait3A_1511] : memref<1000000x64xf32, #tpu.memory_space<hbm>> -> memref<72x64xf32, #tpu.memory_space<hbm>>
      tpu.wait_dma2 semaphore(%dma_wait3A_1505 : memref<!tpu.dma_semaphore, #tpu.memory_space<semaphore_mem>>) src(%dma_wait3A_1512 : memref<72x64xf32, #tpu.memory_space<hbm>>) dst(%dma_wait3A_1509 : memref<72x64xf32, #tpu.memory_space<vmem>>)
      %jit3A_1513 = arith.constant 2 : i32
      %div3A_1514 = arith.divsi %add3A_1494, %jit3A_1513 : i32
      %sign3A_1515 = arith.constant 0 : i32
      %sign3A_1516 = arith.cmpi sgt, %add3A_1494, %sign3A_1515 : i32
      %sign3A_1517 = arith.extui %sign3A_1516 : i1 to i32
      %sign3A_1518 = arith.constant 0 : i32
      %sign3A_1519 = arith.cmpi slt, %add3A_1494, %sign3A_1518 : i32
      %sign3A_1520 = arith.extui %sign3A_1519 : i1 to i32
      %sign3A_1521 = arith.subi %sign3A_1517, %sign3A_1520 : i32
      %sign3A_1522 = arith.constant 0 : i32
      %sign3A_1523 = arith.cmpi sgt, %jit3A_1513, %sign3A_1522 : i32
      %sign3A_1524 = arith.extui %sign3A_1523 : i1 to i32
      %sign3A_1525 = arith.constant 0 : i32
      %sign3A_1526 = arith.cmpi slt, %jit3A_1513, %sign3A_1525 : i32
      %sign3A_1527 = arith.extui %sign3A_1526 : i1 to i32
      %sign3A_1528 = arith.subi %sign3A_1524, %sign3A_1527 : i32
      %ne3A_1529 = arith.cmpi ne, %sign3A_1521, %sign3A_1528 : i32
      %rem3A_1530 = arith.remsi %add3A_1494, %jit3A_1513 : i32
      %ne3A_1531 = arith.constant 0 : i32
      %ne3A_1532 = arith.cmpi ne, %rem3A_1530, %ne3A_1531 : i32
      %and3A_1533 = arith.andi %ne3A_1529, %ne3A_1532 : i1
      %sub3A_1534 = arith.constant 1 : i32
      %sub3A_1535 = arith.subi %div3A_1514, %sub3A_1534 : i32
      %select_n3A_1536 = arith.select %and3A_1533, %sub3A_1535, %div3A_1514 : i32
      %add3A_1537 = arith.addi %mul3A_2, %select_n3A_1536 : i32
      %dma_start3A_1538 = arith.constant 3 : i32
      %dma_start3A_1539 = arith.constant 3 : i32
      %dma_start3A_1540 = arith.constant 0 : i32
      %dma_start3A_1541 = arith.constant 0 : i32
      %dma_start3A_1542 = tpu.memref_slice %arg6[%dma_start3A_1538, %dma_start3A_1540, %dma_start3A_1541] : memref<8x128x64xf32, #tpu.memory_space<vmem>> -> memref<1x72x64xf32, #tpu.memory_space<vmem>>
      %dma_start3A_1543 = tpu.memref_squeeze %dma_start3A_1542 : memref<1x72x64xf32, #tpu.memory_space<vmem>> -> memref<72x64xf32, #tpu.memory_space<vmem>>
      %dma_start3A_1544 = arith.constant 128 : i32
      %dma_start3A_1545 = arith.constant 0 : i32
      %dma_start3A_1546 = tpu.memref_slice %arg4[%add3A_1537, %dma_start3A_1544, %dma_start3A_1545] : memref<4096x200x128xf32, #tpu.memory_space<hbm>> -> memref<1x72x64xf32, #tpu.memory_space<hbm>>
      %dma_start3A_1547 = tpu.memref_squeeze %dma_start3A_1546 : memref<1x72x64xf32, #tpu.memory_space<hbm>> -> memref<72x64xf32, #tpu.memory_space<hbm>>
      %dma_start3A_1548 = tpu.memref_slice %arg8[%dma_start3A_1539] : memref<8x!tpu.dma_semaphore, #tpu.memory_space<semaphore_mem>> -> memref<1x!tpu.dma_semaphore, #tpu.memory_space<semaphore_mem>>
      %dma_start3A_1549 = tpu.memref_squeeze %dma_start3A_1548 : memref<1x!tpu.dma_semaphore, #tpu.memory_space<semaphore_mem>> -> memref<!tpu.dma_semaphore, #tpu.memory_space<semaphore_mem>>
      %dma_start3A_1550 = arith.constant 128 : i32
      %dma_start3A_1551 = arith.constant 0 : i32
      %dma_start3A_1552 = tpu.memref_slice %arg4[%add3A_1537, %dma_start3A_1550, %dma_start3A_1551] : memref<4096x200x128xf32, #tpu.memory_space<hbm>> -> memref<1x72x64xf32, #tpu.memory_space<hbm>>
      %dma_start3A_1553 = tpu.memref_squeeze %dma_start3A_1552 : memref<1x72x64xf32, #tpu.memory_space<hbm>> -> memref<72x64xf32, #tpu.memory_space<hbm>>
      %dma_start3A_1554 = arith.constant 0 : i32
      %dma_start3A_1555 = arith.constant 0 : i32
      %dma_start3A_1556 = tpu.memref_slice %arg6[%dma_start3A_1538, %dma_start3A_1554, %dma_start3A_1555] : memref<8x128x64xf32, #tpu.memory_space<vmem>> -> memref<1x72x64xf32, #tpu.memory_space<vmem>>
      %dma_start3A_1557 = tpu.memref_squeeze %dma_start3A_1556 : memref<1x72x64xf32, #tpu.memory_space<vmem>> -> memref<72x64xf32, #tpu.memory_space<vmem>>
      tpu.enqueue_dma source(%dma_start3A_1557 : memref<72x64xf32, #tpu.memory_space<vmem>>) target(%dma_start3A_1553 : memref<72x64xf32, #tpu.memory_space<hbm>>) target_semaphore(%dma_start3A_1549 : memref<!tpu.dma_semaphore, #tpu.memory_space<semaphore_mem>>)
      %dma_wait3A_1558 = arith.constant 7 : i32
      %dma_wait3A_1559 = arith.constant 0 : i32
      %dma_wait3A_1560 = arith.constant 7 : i32
      %dma_wait3A_1561 = arith.constant 0 : i32
      %dma_wait3A_1562 = arith.constant 0 : i32
      %dma_wait3A_1563 = tpu.memref_slice %arg6[%dma_wait3A_1558, %dma_wait3A_1561, %dma_wait3A_1562] : memref<8x128x64xf32, #tpu.memory_space<vmem>> -> memref<1x72x64xf32, #tpu.memory_space<vmem>>
      %dma_wait3A_1564 = tpu.memref_squeeze %dma_wait3A_1563 : memref<1x72x64xf32, #tpu.memory_space<vmem>> -> memref<72x64xf32, #tpu.memory_space<vmem>>
      %dma_wait3A_1565 = arith.constant 0 : i32
      %dma_wait3A_1566 = arith.constant 0 : i32
      %dma_wait3A_1567 = tpu.memref_slice %arg4[%dma_wait3A_1559, %dma_wait3A_1565, %dma_wait3A_1566] : memref<4096x200x128xf32, #tpu.memory_space<hbm>> -> memref<1x72x64xf32, #tpu.memory_space<hbm>>
      %dma_wait3A_1568 = tpu.memref_squeeze %dma_wait3A_1567 : memref<1x72x64xf32, #tpu.memory_space<hbm>> -> memref<72x64xf32, #tpu.memory_space<hbm>>
      %dma_wait3A_1569 = tpu.memref_slice %arg8[%dma_wait3A_1560] : memref<8x!tpu.dma_semaphore, #tpu.memory_space<semaphore_mem>> -> memref<1x!tpu.dma_semaphore, #tpu.memory_space<semaphore_mem>>
      %dma_wait3A_1570 = tpu.memref_squeeze %dma_wait3A_1569 : memref<1x!tpu.dma_semaphore, #tpu.memory_space<semaphore_mem>> -> memref<!tpu.dma_semaphore, #tpu.memory_space<semaphore_mem>>
      %dma_wait3A_1571 = arith.constant 0 : i32
      %dma_wait3A_1572 = arith.constant 0 : i32
      %dma_wait3A_1573 = tpu.memref_slice %arg4[%dma_wait3A_1559, %dma_wait3A_1571, %dma_wait3A_1572] : memref<4096x200x128xf32, #tpu.memory_space<hbm>> -> memref<1x72x64xf32, #tpu.memory_space<hbm>>
      %dma_wait3A_1574 = tpu.memref_squeeze %dma_wait3A_1573 : memref<1x72x64xf32, #tpu.memory_space<hbm>> -> memref<72x64xf32, #tpu.memory_space<hbm>>
      %dma_wait3A_1575 = arith.constant 0 : i32
      %dma_wait3A_1576 = arith.constant 0 : i32
      %dma_wait3A_1577 = tpu.memref_slice %arg6[%dma_wait3A_1558, %dma_wait3A_1575, %dma_wait3A_1576] : memref<8x128x64xf32, #tpu.memory_space<vmem>> -> memref<1x72x64xf32, #tpu.memory_space<vmem>>
      %dma_wait3A_1578 = tpu.memref_squeeze %dma_wait3A_1577 : memref<1x72x64xf32, #tpu.memory_space<vmem>> -> memref<72x64xf32, #tpu.memory_space<vmem>>
      tpu.wait_dma2 semaphore(%dma_wait3A_1570 : memref<!tpu.dma_semaphore, #tpu.memory_space<semaphore_mem>>) src(%dma_wait3A_1578 : memref<72x64xf32, #tpu.memory_space<vmem>>) dst(%dma_wait3A_1574 : memref<72x64xf32, #tpu.memory_space<hbm>>)
      %add3A_1579 = arith.constant 4 : i32
      %add3A_1580 = arith.addi %add3A_1494, %add3A_1579 : i32
      %jit3A_1581 = arith.constant 2 : i32
      %div3A_1582 = arith.divsi %add3A_1580, %jit3A_1581 : i32
      %sign3A_1583 = arith.constant 0 : i32
      %sign3A_1584 = arith.cmpi sgt, %add3A_1580, %sign3A_1583 : i32
      %sign3A_1585 = arith.extui %sign3A_1584 : i1 to i32
      %sign3A_1586 = arith.constant 0 : i32
      %sign3A_1587 = arith.cmpi slt, %add3A_1580, %sign3A_1586 : i32
      %sign3A_1588 = arith.extui %sign3A_1587 : i1 to i32
      %sign3A_1589 = arith.subi %sign3A_1585, %sign3A_1588 : i32
      %sign3A_1590 = arith.constant 0 : i32
      %sign3A_1591 = arith.cmpi sgt, %jit3A_1581, %sign3A_1590 : i32
      %sign3A_1592 = arith.extui %sign3A_1591 : i1 to i32
      %sign3A_1593 = arith.constant 0 : i32
      %sign3A_1594 = arith.cmpi slt, %jit3A_1581, %sign3A_1593 : i32
      %sign3A_1595 = arith.extui %sign3A_1594 : i1 to i32
      %sign3A_1596 = arith.subi %sign3A_1592, %sign3A_1595 : i32
      %ne3A_1597 = arith.cmpi ne, %sign3A_1589, %sign3A_1596 : i32
      %rem3A_1598 = arith.remsi %add3A_1580, %jit3A_1581 : i32
      %ne3A_1599 = arith.constant 0 : i32
      %ne3A_1600 = arith.cmpi ne, %rem3A_1598, %ne3A_1599 : i32
      %and3A_1601 = arith.andi %ne3A_1597, %ne3A_1600 : i1
      %sub3A_1602 = arith.constant 1 : i32
      %sub3A_1603 = arith.subi %div3A_1582, %sub3A_1602 : i32
      %select_n3A_1604 = arith.select %and3A_1601, %sub3A_1603, %div3A_1582 : i32
      %dma_start3A_1605 = arith.constant 7 : i32
      %dma_start3A_1606 = arith.constant 7 : i32
      %dma_start3A_1607 = arith.constant 0 : i32
      %dma_start3A_1608 = arith.constant 0 : i32
      %dma_start3A_1609 = tpu.memref_slice %arg6[%dma_start3A_1605, %dma_start3A_1607, %dma_start3A_1608] : memref<8x128x64xf32, #tpu.memory_space<vmem>> -> memref<1x72x64xf32, #tpu.memory_space<vmem>>
      %dma_start3A_1610 = tpu.memref_squeeze %dma_start3A_1609 : memref<1x72x64xf32, #tpu.memory_space<vmem>> -> memref<72x64xf32, #tpu.memory_space<vmem>>
      %dma_start3A_1611 = arith.constant 128 : i32
      %dma_start3A_1612 = tpu.memref_slice %arg5[%select_n3A_1604, %dma_start3A_1611] : memref<128x200xi32, #tpu.memory_space<vmem>> -> memref<1x72xi32, #tpu.memory_space<vmem>>
      %dma_start3A_1613 = tpu.memref_squeeze %dma_start3A_1612 : memref<1x72xi32, #tpu.memory_space<vmem>> -> memref<72xi32, #tpu.memory_space<vmem>>
      %dma_start3A_1614 = arith.constant 0 : i32
      %dma_start3A_1615 = arith.constant 0 : i32
      %dma_start3A_1616 = tpu.memref_slice %arg3[%dma_start3A_1614, %dma_start3A_1615] : memref<1000000x64xf32, #tpu.memory_space<hbm>> -> memref<1000000x64xf32, #tpu.memory_space<hbm>>
      %dma_start3A_1617 = tpu.memref_slice %arg7[%dma_start3A_1606] : memref<8x!tpu.dma_semaphore, #tpu.memory_space<semaphore_mem>> -> memref<1x!tpu.dma_semaphore, #tpu.memory_space<semaphore_mem>>
      %dma_start3A_1618 = tpu.memref_squeeze %dma_start3A_1617 : memref<1x!tpu.dma_semaphore, #tpu.memory_space<semaphore_mem>> -> memref<!tpu.dma_semaphore, #tpu.memory_space<semaphore_mem>>
      tpu.enqueue_indirect_dma source(%dma_start3A_1616 : memref<1000000x64xf32, #tpu.memory_space<hbm>>) target(%dma_start3A_1610 : memref<72x64xf32, #tpu.memory_space<vmem>>) offsets(%dma_start3A_1613 : memref<72xi32, #tpu.memory_space<vmem>>) semaphore(%dma_start3A_1618 : memref<!tpu.dma_semaphore, #tpu.memory_space<semaphore_mem>>)
    }
    %scan3A_285 = arith.constant 31 : i32
    %dma_wait3A_286 = arith.constant 4 : i32
    %dma_wait3A_287 = arith.constant 4 : i32
    %dma_wait3A_288 = arith.constant 0 : i32
    %dma_wait3A_289 = arith.constant 0 : i32
    %dma_wait3A_290 = tpu.memref_slice %arg6[%dma_wait3A_286, %dma_wait3A_288, %dma_wait3A_289] : memref<8x128x64xf32, #tpu.memory_space<vmem>> -> memref<1x128x64xf32, #tpu.memory_space<vmem>>
    %dma_wait3A_291 = tpu.memref_squeeze %dma_wait3A_290 : memref<1x128x64xf32, #tpu.memory_space<vmem>> -> memref<128x64xf32, #tpu.memory_space<vmem>>
    %dma_wait3A_292 = arith.constant 0 : i32
    %dma_wait3A_293 = arith.constant 0 : i32
    %dma_wait3A_294 = tpu.memref_slice %arg3[%dma_wait3A_292, %dma_wait3A_293] : memref<1000000x64xf32, #tpu.memory_space<hbm>> -> memref<128x64xf32, #tpu.memory_space<hbm>>
    %dma_wait3A_295 = tpu.memref_slice %arg7[%dma_wait3A_287] : memref<8x!tpu.dma_semaphore, #tpu.memory_space<semaphore_mem>> -> memref<1x!tpu.dma_semaphore, #tpu.memory_space<semaphore_mem>>
    %dma_wait3A_296 = tpu.memref_squeeze %dma_wait3A_295 : memref<1x!tpu.dma_semaphore, #tpu.memory_space<semaphore_mem>> -> memref<!tpu.dma_semaphore, #tpu.memory_space<semaphore_mem>>
    %dma_wait3A_297 = arith.constant 0 : i32
    %dma_wait3A_298 = arith.constant 0 : i32
    %dma_wait3A_299 = tpu.memref_slice %arg6[%dma_wait3A_286, %dma_wait3A_297, %dma_wait3A_298] : memref<8x128x64xf32, #tpu.memory_space<vmem>> -> memref<1x128x64xf32, #tpu.memory_space<vmem>>
    %dma_wait3A_300 = tpu.memref_squeeze %dma_wait3A_299 : memref<1x128x64xf32, #tpu.memory_space<vmem>> -> memref<128x64xf32, #tpu.memory_space<vmem>>
    %dma_wait3A_301 = arith.constant 0 : i32
    %dma_wait3A_302 = arith.constant 0 : i32
    %dma_wait3A_303 = tpu.memref_slice %arg3[%dma_wait3A_301, %dma_wait3A_302] : memref<1000000x64xf32, #tpu.memory_space<hbm>> -> memref<128x64xf32, #tpu.memory_space<hbm>>
    tpu.wait_dma2 semaphore(%dma_wait3A_296 : memref<!tpu.dma_semaphore, #tpu.memory_space<semaphore_mem>>) src(%dma_wait3A_303 : memref<128x64xf32, #tpu.memory_space<hbm>>) dst(%dma_wait3A_300 : memref<128x64xf32, #tpu.memory_space<vmem>>)
    %add3A_304 = arith.constant 126 : i32
    %add3A_305 = arith.addi %mul3A_2, %add3A_304 : i32
    %dma_start3A_306 = arith.constant 4 : i32
    %dma_start3A_307 = arith.constant 4 : i32
    %dma_start3A_308 = arith.constant 0 : i32
    %dma_start3A_309 = arith.constant 0 : i32
    %dma_start3A_310 = tpu.memref_slice %arg6[%dma_start3A_306, %dma_start3A_308, %dma_start3A_309] : memref<8x128x64xf32, #tpu.memory_space<vmem>> -> memref<1x128x64xf32, #tpu.memory_space<vmem>>
    %dma_start3A_311 = tpu.memref_squeeze %dma_start3A_310 : memref<1x128x64xf32, #tpu.memory_space<vmem>> -> memref<128x64xf32, #tpu.memory_space<vmem>>
    %dma_start3A_312 = arith.constant 0 : i32
    %dma_start3A_313 = arith.constant 0 : i32
    %dma_start3A_314 = tpu.memref_slice %arg4[%add3A_305, %dma_start3A_312, %dma_start3A_313] : memref<4096x200x128xf32, #tpu.memory_space<hbm>> -> memref<1x128x64xf32, #tpu.memory_space<hbm>>
    %dma_start3A_315 = tpu.memref_squeeze %dma_start3A_314 : memref<1x128x64xf32, #tpu.memory_space<hbm>> -> memref<128x64xf32, #tpu.memory_space<hbm>>
    %dma_start3A_316 = tpu.memref_slice %arg8[%dma_start3A_307] : memref<8x!tpu.dma_semaphore, #tpu.memory_space<semaphore_mem>> -> memref<1x!tpu.dma_semaphore, #tpu.memory_space<semaphore_mem>>
    %dma_start3A_317 = tpu.memref_squeeze %dma_start3A_316 : memref<1x!tpu.dma_semaphore, #tpu.memory_space<semaphore_mem>> -> memref<!tpu.dma_semaphore, #tpu.memory_space<semaphore_mem>>
    %dma_start3A_318 = arith.constant 0 : i32
    %dma_start3A_319 = arith.constant 0 : i32
    %dma_start3A_320 = tpu.memref_slice %arg4[%add3A_305, %dma_start3A_318, %dma_start3A_319] : memref<4096x200x128xf32, #tpu.memory_space<hbm>> -> memref<1x128x64xf32, #tpu.memory_space<hbm>>
    %dma_start3A_321 = tpu.memref_squeeze %dma_start3A_320 : memref<1x128x64xf32, #tpu.memory_space<hbm>> -> memref<128x64xf32, #tpu.memory_space<hbm>>
    %dma_start3A_322 = arith.constant 0 : i32
    %dma_start3A_323 = arith.constant 0 : i32
    %dma_start3A_324 = tpu.memref_slice %arg6[%dma_start3A_306, %dma_start3A_322, %dma_start3A_323] : memref<8x128x64xf32, #tpu.memory_space<vmem>> -> memref<1x128x64xf32, #tpu.memory_space<vmem>>
    %dma_start3A_325 = tpu.memref_squeeze %dma_start3A_324 : memref<1x128x64xf32, #tpu.memory_space<vmem>> -> memref<128x64xf32, #tpu.memory_space<vmem>>
    tpu.enqueue_dma source(%dma_start3A_325 : memref<128x64xf32, #tpu.memory_space<vmem>>) target(%dma_start3A_321 : memref<128x64xf32, #tpu.memory_space<hbm>>) target_semaphore(%dma_start3A_317 : memref<!tpu.dma_semaphore, #tpu.memory_space<semaphore_mem>>)
    %dma_wait3A_326 = arith.constant 5 : i32
    %dma_wait3A_327 = arith.constant 5 : i32
    %dma_wait3A_328 = arith.constant 0 : i32
    %dma_wait3A_329 = arith.constant 0 : i32
    %dma_wait3A_330 = tpu.memref_slice %arg6[%dma_wait3A_326, %dma_wait3A_328, %dma_wait3A_329] : memref<8x128x64xf32, #tpu.memory_space<vmem>> -> memref<1x72x64xf32, #tpu.memory_space<vmem>>
    %dma_wait3A_331 = tpu.memref_squeeze %dma_wait3A_330 : memref<1x72x64xf32, #tpu.memory_space<vmem>> -> memref<72x64xf32, #tpu.memory_space<vmem>>
    %dma_wait3A_332 = arith.constant 0 : i32
    %dma_wait3A_333 = arith.constant 0 : i32
    %dma_wait3A_334 = tpu.memref_slice %arg3[%dma_wait3A_332, %dma_wait3A_333] : memref<1000000x64xf32, #tpu.memory_space<hbm>> -> memref<72x64xf32, #tpu.memory_space<hbm>>
    %dma_wait3A_335 = tpu.memref_slice %arg7[%dma_wait3A_327] : memref<8x!tpu.dma_semaphore, #tpu.memory_space<semaphore_mem>> -> memref<1x!tpu.dma_semaphore, #tpu.memory_space<semaphore_mem>>
    %dma_wait3A_336 = tpu.memref_squeeze %dma_wait3A_335 : memref<1x!tpu.dma_semaphore, #tpu.memory_space<semaphore_mem>> -> memref<!tpu.dma_semaphore, #tpu.memory_space<semaphore_mem>>
    %dma_wait3A_337 = arith.constant 0 : i32
    %dma_wait3A_338 = arith.constant 0 : i32
    %dma_wait3A_339 = tpu.memref_slice %arg6[%dma_wait3A_326, %dma_wait3A_337, %dma_wait3A_338] : memref<8x128x64xf32, #tpu.memory_space<vmem>> -> memref<1x72x64xf32, #tpu.memory_space<vmem>>
    %dma_wait3A_340 = tpu.memref_squeeze %dma_wait3A_339 : memref<1x72x64xf32, #tpu.memory_space<vmem>> -> memref<72x64xf32, #tpu.memory_space<vmem>>
    %dma_wait3A_341 = arith.constant 0 : i32
    %dma_wait3A_342 = arith.constant 0 : i32
    %dma_wait3A_343 = tpu.memref_slice %arg3[%dma_wait3A_341, %dma_wait3A_342] : memref<1000000x64xf32, #tpu.memory_space<hbm>> -> memref<72x64xf32, #tpu.memory_space<hbm>>
    tpu.wait_dma2 semaphore(%dma_wait3A_336 : memref<!tpu.dma_semaphore, #tpu.memory_space<semaphore_mem>>) src(%dma_wait3A_343 : memref<72x64xf32, #tpu.memory_space<hbm>>) dst(%dma_wait3A_340 : memref<72x64xf32, #tpu.memory_space<vmem>>)
    %add3A_344 = arith.constant 126 : i32
    %add3A_345 = arith.addi %mul3A_2, %add3A_344 : i32
    %dma_start3A_346 = arith.constant 5 : i32
    %dma_start3A_347 = arith.constant 5 : i32
    %dma_start3A_348 = arith.constant 0 : i32
    %dma_start3A_349 = arith.constant 0 : i32
    %dma_start3A_350 = tpu.memref_slice %arg6[%dma_start3A_346, %dma_start3A_348, %dma_start3A_349] : memref<8x128x64xf32, #tpu.memory_space<vmem>> -> memref<1x72x64xf32, #tpu.memory_space<vmem>>
    %dma_start3A_351 = tpu.memref_squeeze %dma_start3A_350 : memref<1x72x64xf32, #tpu.memory_space<vmem>> -> memref<72x64xf32, #tpu.memory_space<vmem>>
    %dma_start3A_352 = arith.constant 128 : i32
    %dma_start3A_353 = arith.constant 0 : i32
    %dma_start3A_354 = tpu.memref_slice %arg4[%add3A_345, %dma_start3A_352, %dma_start3A_353] : memref<4096x200x128xf32, #tpu.memory_space<hbm>> -> memref<1x72x64xf32, #tpu.memory_space<hbm>>
    %dma_start3A_355 = tpu.memref_squeeze %dma_start3A_354 : memref<1x72x64xf32, #tpu.memory_space<hbm>> -> memref<72x64xf32, #tpu.memory_space<hbm>>
    %dma_start3A_356 = tpu.memref_slice %arg8[%dma_start3A_347] : memref<8x!tpu.dma_semaphore, #tpu.memory_space<semaphore_mem>> -> memref<1x!tpu.dma_semaphore, #tpu.memory_space<semaphore_mem>>
    %dma_start3A_357 = tpu.memref_squeeze %dma_start3A_356 : memref<1x!tpu.dma_semaphore, #tpu.memory_space<semaphore_mem>> -> memref<!tpu.dma_semaphore, #tpu.memory_space<semaphore_mem>>
    %dma_start3A_358 = arith.constant 128 : i32
    %dma_start3A_359 = arith.constant 0 : i32
    %dma_start3A_360 = tpu.memref_slice %arg4[%add3A_345, %dma_start3A_358, %dma_start3A_359] : memref<4096x200x128xf32, #tpu.memory_space<hbm>> -> memref<1x72x64xf32, #tpu.memory_space<hbm>>
    %dma_start3A_361 = tpu.memref_squeeze %dma_start3A_360 : memref<1x72x64xf32, #tpu.memory_space<hbm>> -> memref<72x64xf32, #tpu.memory_space<hbm>>
    %dma_start3A_362 = arith.constant 0 : i32
    %dma_start3A_363 = arith.constant 0 : i32
    %dma_start3A_364 = tpu.memref_slice %arg6[%dma_start3A_346, %dma_start3A_362, %dma_start3A_363] : memref<8x128x64xf32, #tpu.memory_space<vmem>> -> memref<1x72x64xf32, #tpu.memory_space<vmem>>
    %dma_start3A_365 = tpu.memref_squeeze %dma_start3A_364 : memref<1x72x64xf32, #tpu.memory_space<vmem>> -> memref<72x64xf32, #tpu.memory_space<vmem>>
    tpu.enqueue_dma source(%dma_start3A_365 : memref<72x64xf32, #tpu.memory_space<vmem>>) target(%dma_start3A_361 : memref<72x64xf32, #tpu.memory_space<hbm>>) target_semaphore(%dma_start3A_357 : memref<!tpu.dma_semaphore, #tpu.memory_space<semaphore_mem>>)
    %dma_wait3A_366 = arith.constant 6 : i32
    %dma_wait3A_367 = arith.constant 6 : i32
    %dma_wait3A_368 = arith.constant 0 : i32
    %dma_wait3A_369 = arith.constant 0 : i32
    %dma_wait3A_370 = tpu.memref_slice %arg6[%dma_wait3A_366, %dma_wait3A_368, %dma_wait3A_369] : memref<8x128x64xf32, #tpu.memory_space<vmem>> -> memref<1x128x64xf32, #tpu.memory_space<vmem>>
    %dma_wait3A_371 = tpu.memref_squeeze %dma_wait3A_370 : memref<1x128x64xf32, #tpu.memory_space<vmem>> -> memref<128x64xf32, #tpu.memory_space<vmem>>
    %dma_wait3A_372 = arith.constant 0 : i32
    %dma_wait3A_373 = arith.constant 0 : i32
    %dma_wait3A_374 = tpu.memref_slice %arg3[%dma_wait3A_372, %dma_wait3A_373] : memref<1000000x64xf32, #tpu.memory_space<hbm>> -> memref<128x64xf32, #tpu.memory_space<hbm>>
    %dma_wait3A_375 = tpu.memref_slice %arg7[%dma_wait3A_367] : memref<8x!tpu.dma_semaphore, #tpu.memory_space<semaphore_mem>> -> memref<1x!tpu.dma_semaphore, #tpu.memory_space<semaphore_mem>>
    %dma_wait3A_376 = tpu.memref_squeeze %dma_wait3A_375 : memref<1x!tpu.dma_semaphore, #tpu.memory_space<semaphore_mem>> -> memref<!tpu.dma_semaphore, #tpu.memory_space<semaphore_mem>>
    %dma_wait3A_377 = arith.constant 0 : i32
    %dma_wait3A_378 = arith.constant 0 : i32
    %dma_wait3A_379 = tpu.memref_slice %arg6[%dma_wait3A_366, %dma_wait3A_377, %dma_wait3A_378] : memref<8x128x64xf32, #tpu.memory_space<vmem>> -> memref<1x128x64xf32, #tpu.memory_space<vmem>>
    %dma_wait3A_380 = tpu.memref_squeeze %dma_wait3A_379 : memref<1x128x64xf32, #tpu.memory_space<vmem>> -> memref<128x64xf32, #tpu.memory_space<vmem>>
    %dma_wait3A_381 = arith.constant 0 : i32
    %dma_wait3A_382 = arith.constant 0 : i32
    %dma_wait3A_383 = tpu.memref_slice %arg3[%dma_wait3A_381, %dma_wait3A_382] : memref<1000000x64xf32, #tpu.memory_space<hbm>> -> memref<128x64xf32, #tpu.memory_space<hbm>>
    tpu.wait_dma2 semaphore(%dma_wait3A_376 : memref<!tpu.dma_semaphore, #tpu.memory_space<semaphore_mem>>) src(%dma_wait3A_383 : memref<128x64xf32, #tpu.memory_space<hbm>>) dst(%dma_wait3A_380 : memref<128x64xf32, #tpu.memory_space<vmem>>)
    %add3A_384 = arith.constant 127 : i32
    %add3A_385 = arith.addi %mul3A_2, %add3A_384 : i32
    %dma_start3A_386 = arith.constant 6 : i32
    %dma_start3A_387 = arith.constant 6 : i32
    %dma_start3A_388 = arith.constant 0 : i32
    %dma_start3A_389 = arith.constant 0 : i32
    %dma_start3A_390 = tpu.memref_slice %arg6[%dma_start3A_386, %dma_start3A_388, %dma_start3A_389] : memref<8x128x64xf32, #tpu.memory_space<vmem>> -> memref<1x128x64xf32, #tpu.memory_space<vmem>>
    %dma_start3A_391 = tpu.memref_squeeze %dma_start3A_390 : memref<1x128x64xf32, #tpu.memory_space<vmem>> -> memref<128x64xf32, #tpu.memory_space<vmem>>
    %dma_start3A_392 = arith.constant 0 : i32
    %dma_start3A_393 = arith.constant 0 : i32
    %dma_start3A_394 = tpu.memref_slice %arg4[%add3A_385, %dma_start3A_392, %dma_start3A_393] : memref<4096x200x128xf32, #tpu.memory_space<hbm>> -> memref<1x128x64xf32, #tpu.memory_space<hbm>>
    %dma_start3A_395 = tpu.memref_squeeze %dma_start3A_394 : memref<1x128x64xf32, #tpu.memory_space<hbm>> -> memref<128x64xf32, #tpu.memory_space<hbm>>
    %dma_start3A_396 = tpu.memref_slice %arg8[%dma_start3A_387] : memref<8x!tpu.dma_semaphore, #tpu.memory_space<semaphore_mem>> -> memref<1x!tpu.dma_semaphore, #tpu.memory_space<semaphore_mem>>
    %dma_start3A_397 = tpu.memref_squeeze %dma_start3A_396 : memref<1x!tpu.dma_semaphore, #tpu.memory_space<semaphore_mem>> -> memref<!tpu.dma_semaphore, #tpu.memory_space<semaphore_mem>>
    %dma_start3A_398 = arith.constant 0 : i32
    %dma_start3A_399 = arith.constant 0 : i32
    %dma_start3A_400 = tpu.memref_slice %arg4[%add3A_385, %dma_start3A_398, %dma_start3A_399] : memref<4096x200x128xf32, #tpu.memory_space<hbm>> -> memref<1x128x64xf32, #tpu.memory_space<hbm>>
    %dma_start3A_401 = tpu.memref_squeeze %dma_start3A_400 : memref<1x128x64xf32, #tpu.memory_space<hbm>> -> memref<128x64xf32, #tpu.memory_space<hbm>>
    %dma_start3A_402 = arith.constant 0 : i32
    %dma_start3A_403 = arith.constant 0 : i32
    %dma_start3A_404 = tpu.memref_slice %arg6[%dma_start3A_386, %dma_start3A_402, %dma_start3A_403] : memref<8x128x64xf32, #tpu.memory_space<vmem>> -> memref<1x128x64xf32, #tpu.memory_space<vmem>>
    %dma_start3A_405 = tpu.memref_squeeze %dma_start3A_404 : memref<1x128x64xf32, #tpu.memory_space<vmem>> -> memref<128x64xf32, #tpu.memory_space<vmem>>
    tpu.enqueue_dma source(%dma_start3A_405 : memref<128x64xf32, #tpu.memory_space<vmem>>) target(%dma_start3A_401 : memref<128x64xf32, #tpu.memory_space<hbm>>) target_semaphore(%dma_start3A_397 : memref<!tpu.dma_semaphore, #tpu.memory_space<semaphore_mem>>)
    %dma_wait3A_406 = arith.constant 7 : i32
    %dma_wait3A_407 = arith.constant 7 : i32
    %dma_wait3A_408 = arith.constant 0 : i32
    %dma_wait3A_409 = arith.constant 0 : i32
    %dma_wait3A_410 = tpu.memref_slice %arg6[%dma_wait3A_406, %dma_wait3A_408, %dma_wait3A_409] : memref<8x128x64xf32, #tpu.memory_space<vmem>> -> memref<1x72x64xf32, #tpu.memory_space<vmem>>
    %dma_wait3A_411 = tpu.memref_squeeze %dma_wait3A_410 : memref<1x72x64xf32, #tpu.memory_space<vmem>> -> memref<72x64xf32, #tpu.memory_space<vmem>>
    %dma_wait3A_412 = arith.constant 0 : i32
    %dma_wait3A_413 = arith.constant 0 : i32
    %dma_wait3A_414 = tpu.memref_slice %arg3[%dma_wait3A_412, %dma_wait3A_413] : memref<1000000x64xf32, #tpu.memory_space<hbm>> -> memref<72x64xf32, #tpu.memory_space<hbm>>
    %dma_wait3A_415 = tpu.memref_slice %arg7[%dma_wait3A_407] : memref<8x!tpu.dma_semaphore, #tpu.memory_space<semaphore_mem>> -> memref<1x!tpu.dma_semaphore, #tpu.memory_space<semaphore_mem>>
    %dma_wait3A_416 = tpu.memref_squeeze %dma_wait3A_415 : memref<1x!tpu.dma_semaphore, #tpu.memory_space<semaphore_mem>> -> memref<!tpu.dma_semaphore, #tpu.memory_space<semaphore_mem>>
    %dma_wait3A_417 = arith.constant 0 : i32
    %dma_wait3A_418 = arith.constant 0 : i32
    %dma_wait3A_419 = tpu.memref_slice %arg6[%dma_wait3A_406, %dma_wait3A_417, %dma_wait3A_418] : memref<8x128x64xf32, #tpu.memory_space<vmem>> -> memref<1x72x64xf32, #tpu.memory_space<vmem>>
    %dma_wait3A_420 = tpu.memref_squeeze %dma_wait3A_419 : memref<1x72x64xf32, #tpu.memory_space<vmem>> -> memref<72x64xf32, #tpu.memory_space<vmem>>
    %dma_wait3A_421 = arith.constant 0 : i32
    %dma_wait3A_422 = arith.constant 0 : i32
    %dma_wait3A_423 = tpu.memref_slice %arg3[%dma_wait3A_421, %dma_wait3A_422] : memref<1000000x64xf32, #tpu.memory_space<hbm>> -> memref<72x64xf32, #tpu.memory_space<hbm>>
    tpu.wait_dma2 semaphore(%dma_wait3A_416 : memref<!tpu.dma_semaphore, #tpu.memory_space<semaphore_mem>>) src(%dma_wait3A_423 : memref<72x64xf32, #tpu.memory_space<hbm>>) dst(%dma_wait3A_420 : memref<72x64xf32, #tpu.memory_space<vmem>>)
    %add3A_424 = arith.constant 127 : i32
    %add3A_425 = arith.addi %mul3A_2, %add3A_424 : i32
    %dma_start3A_426 = arith.constant 7 : i32
    %dma_start3A_427 = arith.constant 7 : i32
    %dma_start3A_428 = arith.constant 0 : i32
    %dma_start3A_429 = arith.constant 0 : i32
    %dma_start3A_430 = tpu.memref_slice %arg6[%dma_start3A_426, %dma_start3A_428, %dma_start3A_429] : memref<8x128x64xf32, #tpu.memory_space<vmem>> -> memref<1x72x64xf32, #tpu.memory_space<vmem>>
    %dma_start3A_431 = tpu.memref_squeeze %dma_start3A_430 : memref<1x72x64xf32, #tpu.memory_space<vmem>> -> memref<72x64xf32, #tpu.memory_space<vmem>>
    %dma_start3A_432 = arith.constant 128 : i32
    %dma_start3A_433 = arith.constant 0 : i32
    %dma_start3A_434 = tpu.memref_slice %arg4[%add3A_425, %dma_start3A_432, %dma_start3A_433] : memref<4096x200x128xf32, #tpu.memory_space<hbm>> -> memref<1x72x64xf32, #tpu.memory_space<hbm>>
    %dma_start3A_435 = tpu.memref_squeeze %dma_start3A_434 : memref<1x72x64xf32, #tpu.memory_space<hbm>> -> memref<72x64xf32, #tpu.memory_space<hbm>>
    %dma_start3A_436 = tpu.memref_slice %arg8[%dma_start3A_427] : memref<8x!tpu.dma_semaphore, #tpu.memory_space<semaphore_mem>> -> memref<1x!tpu.dma_semaphore, #tpu.memory_space<semaphore_mem>>
    %dma_start3A_437 = tpu.memref_squeeze %dma_start3A_436 : memref<1x!tpu.dma_semaphore, #tpu.memory_space<semaphore_mem>> -> memref<!tpu.dma_semaphore, #tpu.memory_space<semaphore_mem>>
    %dma_start3A_438 = arith.constant 128 : i32
    %dma_start3A_439 = arith.constant 0 : i32
    %dma_start3A_440 = tpu.memref_slice %arg4[%add3A_425, %dma_start3A_438, %dma_start3A_439] : memref<4096x200x128xf32, #tpu.memory_space<hbm>> -> memref<1x72x64xf32, #tpu.memory_space<hbm>>
    %dma_start3A_441 = tpu.memref_squeeze %dma_start3A_440 : memref<1x72x64xf32, #tpu.memory_space<hbm>> -> memref<72x64xf32, #tpu.memory_space<hbm>>
    %dma_start3A_442 = arith.constant 0 : i32
    %dma_start3A_443 = arith.constant 0 : i32
    %dma_start3A_444 = tpu.memref_slice %arg6[%dma_start3A_426, %dma_start3A_442, %dma_start3A_443] : memref<8x128x64xf32, #tpu.memory_space<vmem>> -> memref<1x72x64xf32, #tpu.memory_space<vmem>>
    %dma_start3A_445 = tpu.memref_squeeze %dma_start3A_444 : memref<1x72x64xf32, #tpu.memory_space<vmem>> -> memref<72x64xf32, #tpu.memory_space<vmem>>
    tpu.enqueue_dma source(%dma_start3A_445 : memref<72x64xf32, #tpu.memory_space<vmem>>) target(%dma_start3A_441 : memref<72x64xf32, #tpu.memory_space<hbm>>) target_semaphore(%dma_start3A_437 : memref<!tpu.dma_semaphore, #tpu.memory_space<semaphore_mem>>)
    %dma_wait3A_446 = arith.constant 0 : i32
    %dma_wait3A_447 = arith.constant 0 : i32
    %dma_wait3A_448 = arith.constant 0 : i32
    %dma_wait3A_449 = arith.constant 0 : i32
    %dma_wait3A_450 = arith.constant 0 : i32
    %dma_wait3A_451 = tpu.memref_slice %arg6[%dma_wait3A_446, %dma_wait3A_449, %dma_wait3A_450] : memref<8x128x64xf32, #tpu.memory_space<vmem>> -> memref<1x128x64xf32, #tpu.memory_space<vmem>>
    %dma_wait3A_452 = tpu.memref_squeeze %dma_wait3A_451 : memref<1x128x64xf32, #tpu.memory_space<vmem>> -> memref<128x64xf32, #tpu.memory_space<vmem>>
    %dma_wait3A_453 = arith.constant 0 : i32
    %dma_wait3A_454 = arith.constant 0 : i32
    %dma_wait3A_455 = tpu.memref_slice %arg4[%dma_wait3A_447, %dma_wait3A_453, %dma_wait3A_454] : memref<4096x200x128xf32, #tpu.memory_space<hbm>> -> memref<1x128x64xf32, #tpu.memory_space<hbm>>
    %dma_wait3A_456 = tpu.memref_squeeze %dma_wait3A_455 : memref<1x128x64xf32, #tpu.memory_space<hbm>> -> memref<128x64xf32, #tpu.memory_space<hbm>>
    %dma_wait3A_457 = tpu.memref_slice %arg8[%dma_wait3A_448] : memref<8x!tpu.dma_semaphore, #tpu.memory_space<semaphore_mem>> -> memref<1x!tpu.dma_semaphore, #tpu.memory_space<semaphore_mem>>
    %dma_wait3A_458 = tpu.memref_squeeze %dma_wait3A_457 : memref<1x!tpu.dma_semaphore, #tpu.memory_space<semaphore_mem>> -> memref<!tpu.dma_semaphore, #tpu.memory_space<semaphore_mem>>
    %dma_wait3A_459 = arith.constant 0 : i32
    %dma_wait3A_460 = arith.constant 0 : i32
    %dma_wait3A_461 = tpu.memref_slice %arg4[%dma_wait3A_447, %dma_wait3A_459, %dma_wait3A_460] : memref<4096x200x128xf32, #tpu.memory_space<hbm>> -> memref<1x128x64xf32, #tpu.memory_space<hbm>>
    %dma_wait3A_462 = tpu.memref_squeeze %dma_wait3A_461 : memref<1x128x64xf32, #tpu.memory_space<hbm>> -> memref<128x64xf32, #tpu.memory_space<hbm>>
    %dma_wait3A_463 = arith.constant 0 : i32
    %dma_wait3A_464 = arith.constant 0 : i32
    %dma_wait3A_465 = tpu.memref_slice %arg6[%dma_wait3A_446, %dma_wait3A_463, %dma_wait3A_464] : memref<8x128x64xf32, #tpu.memory_space<vmem>> -> memref<1x128x64xf32, #tpu.memory_space<vmem>>
    %dma_wait3A_466 = tpu.memref_squeeze %dma_wait3A_465 : memref<1x128x64xf32, #tpu.memory_space<vmem>> -> memref<128x64xf32, #tpu.memory_space<vmem>>
    tpu.wait_dma2 semaphore(%dma_wait3A_458 : memref<!tpu.dma_semaphore, #tpu.memory_space<semaphore_mem>>) src(%dma_wait3A_466 : memref<128x64xf32, #tpu.memory_space<vmem>>) dst(%dma_wait3A_462 : memref<128x64xf32, #tpu.memory_space<hbm>>)
    %dma_wait3A_467 = arith.constant 1 : i32
    %dma_wait3A_468 = arith.constant 0 : i32
    %dma_wait3A_469 = arith.constant 1 : i32
    %dma_wait3A_470 = arith.constant 0 : i32
    %dma_wait3A_471 = arith.constant 0 : i32
    %dma_wait3A_472 = tpu.memref_slice %arg6[%dma_wait3A_467, %dma_wait3A_470, %dma_wait3A_471] : memref<8x128x64xf32, #tpu.memory_space<vmem>> -> memref<1x72x64xf32, #tpu.memory_space<vmem>>
    %dma_wait3A_473 = tpu.memref_squeeze %dma_wait3A_472 : memref<1x72x64xf32, #tpu.memory_space<vmem>> -> memref<72x64xf32, #tpu.memory_space<vmem>>
    %dma_wait3A_474 = arith.constant 0 : i32
    %dma_wait3A_475 = arith.constant 0 : i32
    %dma_wait3A_476 = tpu.memref_slice %arg4[%dma_wait3A_468, %dma_wait3A_474, %dma_wait3A_475] : memref<4096x200x128xf32, #tpu.memory_space<hbm>> -> memref<1x72x64xf32, #tpu.memory_space<hbm>>
    %dma_wait3A_477 = tpu.memref_squeeze %dma_wait3A_476 : memref<1x72x64xf32, #tpu.memory_space<hbm>> -> memref<72x64xf32, #tpu.memory_space<hbm>>
    %dma_wait3A_478 = tpu.memref_slice %arg8[%dma_wait3A_469] : memref<8x!tpu.dma_semaphore, #tpu.memory_space<semaphore_mem>> -> memref<1x!tpu.dma_semaphore, #tpu.memory_space<semaphore_mem>>
    %dma_wait3A_479 = tpu.memref_squeeze %dma_wait3A_478 : memref<1x!tpu.dma_semaphore, #tpu.memory_space<semaphore_mem>> -> memref<!tpu.dma_semaphore, #tpu.memory_space<semaphore_mem>>
    %dma_wait3A_480 = arith.constant 0 : i32
    %dma_wait3A_481 = arith.constant 0 : i32
    %dma_wait3A_482 = tpu.memref_slice %arg4[%dma_wait3A_468, %dma_wait3A_480, %dma_wait3A_481] : memref<4096x200x128xf32, #tpu.memory_space<hbm>> -> memref<1x72x64xf32, #tpu.memory_space<hbm>>
    %dma_wait3A_483 = tpu.memref_squeeze %dma_wait3A_482 : memref<1x72x64xf32, #tpu.memory_space<hbm>> -> memref<72x64xf32, #tpu.memory_space<hbm>>
    %dma_wait3A_484 = arith.constant 0 : i32
    %dma_wait3A_485 = arith.constant 0 : i32
    %dma_wait3A_486 = tpu.memref_slice %arg6[%dma_wait3A_467, %dma_wait3A_484, %dma_wait3A_485] : memref<8x128x64xf32, #tpu.memory_space<vmem>> -> memref<1x72x64xf32, #tpu.memory_space<vmem>>
    %dma_wait3A_487 = tpu.memref_squeeze %dma_wait3A_486 : memref<1x72x64xf32, #tpu.memory_space<vmem>> -> memref<72x64xf32, #tpu.memory_space<vmem>>
    tpu.wait_dma2 semaphore(%dma_wait3A_479 : memref<!tpu.dma_semaphore, #tpu.memory_space<semaphore_mem>>) src(%dma_wait3A_487 : memref<72x64xf32, #tpu.memory_space<vmem>>) dst(%dma_wait3A_483 : memref<72x64xf32, #tpu.memory_space<hbm>>)
    %dma_wait3A_488 = arith.constant 2 : i32
    %dma_wait3A_489 = arith.constant 0 : i32
    %dma_wait3A_490 = arith.constant 2 : i32
    %dma_wait3A_491 = arith.constant 0 : i32
    %dma_wait3A_492 = arith.constant 0 : i32
    %dma_wait3A_493 = tpu.memref_slice %arg6[%dma_wait3A_488, %dma_wait3A_491, %dma_wait3A_492] : memref<8x128x64xf32, #tpu.memory_space<vmem>> -> memref<1x128x64xf32, #tpu.memory_space<vmem>>
    %dma_wait3A_494 = tpu.memref_squeeze %dma_wait3A_493 : memref<1x128x64xf32, #tpu.memory_space<vmem>> -> memref<128x64xf32, #tpu.memory_space<vmem>>
    %dma_wait3A_495 = arith.constant 0 : i32
    %dma_wait3A_496 = arith.constant 0 : i32
    %dma_wait3A_497 = tpu.memref_slice %arg4[%dma_wait3A_489, %dma_wait3A_495, %dma_wait3A_496] : memref<4096x200x128xf32, #tpu.memory_space<hbm>> -> memref<1x128x64xf32, #tpu.memory_space<hbm>>
    %dma_wait3A_498 = tpu.memref_squeeze %dma_wait3A_497 : memref<1x128x64xf32, #tpu.memory_space<hbm>> -> memref<128x64xf32, #tpu.memory_space<hbm>>
    %dma_wait3A_499 = tpu.memref_slice %arg8[%dma_wait3A_490] : memref<8x!tpu.dma_semaphore, #tpu.memory_space<semaphore_mem>> -> memref<1x!tpu.dma_semaphore, #tpu.memory_space<semaphore_mem>>
    %dma_wait3A_500 = tpu.memref_squeeze %dma_wait3A_499 : memref<1x!tpu.dma_semaphore, #tpu.memory_space<semaphore_mem>> -> memref<!tpu.dma_semaphore, #tpu.memory_space<semaphore_mem>>
    %dma_wait3A_501 = arith.constant 0 : i32
    %dma_wait3A_502 = arith.constant 0 : i32
    %dma_wait3A_503 = tpu.memref_slice %arg4[%dma_wait3A_489, %dma_wait3A_501, %dma_wait3A_502] : memref<4096x200x128xf32, #tpu.memory_space<hbm>> -> memref<1x128x64xf32, #tpu.memory_space<hbm>>
    %dma_wait3A_504 = tpu.memref_squeeze %dma_wait3A_503 : memref<1x128x64xf32, #tpu.memory_space<hbm>> -> memref<128x64xf32, #tpu.memory_space<hbm>>
    %dma_wait3A_505 = arith.constant 0 : i32
    %dma_wait3A_506 = arith.constant 0 : i32
    %dma_wait3A_507 = tpu.memref_slice %arg6[%dma_wait3A_488, %dma_wait3A_505, %dma_wait3A_506] : memref<8x128x64xf32, #tpu.memory_space<vmem>> -> memref<1x128x64xf32, #tpu.memory_space<vmem>>
    %dma_wait3A_508 = tpu.memref_squeeze %dma_wait3A_507 : memref<1x128x64xf32, #tpu.memory_space<vmem>> -> memref<128x64xf32, #tpu.memory_space<vmem>>
    tpu.wait_dma2 semaphore(%dma_wait3A_500 : memref<!tpu.dma_semaphore, #tpu.memory_space<semaphore_mem>>) src(%dma_wait3A_508 : memref<128x64xf32, #tpu.memory_space<vmem>>) dst(%dma_wait3A_504 : memref<128x64xf32, #tpu.memory_space<hbm>>)
    %dma_wait3A_509 = arith.constant 3 : i32
    %dma_wait3A_510 = arith.constant 0 : i32
    %dma_wait3A_511 = arith.constant 3 : i32
    %dma_wait3A_512 = arith.constant 0 : i32
    %dma_wait3A_513 = arith.constant 0 : i32
    %dma_wait3A_514 = tpu.memref_slice %arg6[%dma_wait3A_509, %dma_wait3A_512, %dma_wait3A_513] : memref<8x128x64xf32, #tpu.memory_space<vmem>> -> memref<1x72x64xf32, #tpu.memory_space<vmem>>
    %dma_wait3A_515 = tpu.memref_squeeze %dma_wait3A_514 : memref<1x72x64xf32, #tpu.memory_space<vmem>> -> memref<72x64xf32, #tpu.memory_space<vmem>>
    %dma_wait3A_516 = arith.constant 0 : i32
    %dma_wait3A_517 = arith.constant 0 : i32
    %dma_wait3A_518 = tpu.memref_slice %arg4[%dma_wait3A_510, %dma_wait3A_516, %dma_wait3A_517] : memref<4096x200x128xf32, #tpu.memory_space<hbm>> -> memref<1x72x64xf32, #tpu.memory_space<hbm>>
    %dma_wait3A_519 = tpu.memref_squeeze %dma_wait3A_518 : memref<1x72x64xf32, #tpu.memory_space<hbm>> -> memref<72x64xf32, #tpu.memory_space<hbm>>
    %dma_wait3A_520 = tpu.memref_slice %arg8[%dma_wait3A_511] : memref<8x!tpu.dma_semaphore, #tpu.memory_space<semaphore_mem>> -> memref<1x!tpu.dma_semaphore, #tpu.memory_space<semaphore_mem>>
    %dma_wait3A_521 = tpu.memref_squeeze %dma_wait3A_520 : memref<1x!tpu.dma_semaphore, #tpu.memory_space<semaphore_mem>> -> memref<!tpu.dma_semaphore, #tpu.memory_space<semaphore_mem>>
    %dma_wait3A_522 = arith.constant 0 : i32
    %dma_wait3A_523 = arith.constant 0 : i32
    %dma_wait3A_524 = tpu.memref_slice %arg4[%dma_wait3A_510, %dma_wait3A_522, %dma_wait3A_523] : memref<4096x200x128xf32, #tpu.memory_space<hbm>> -> memref<1x72x64xf32, #tpu.memory_space<hbm>>
    %dma_wait3A_525 = tpu.memref_squeeze %dma_wait3A_524 : memref<1x72x64xf32, #tpu.memory_space<hbm>> -> memref<72x64xf32, #tpu.memory_space<hbm>>
    %dma_wait3A_526 = arith.constant 0 : i32
    %dma_wait3A_527 = arith.constant 0 : i32
    %dma_wait3A_528 = tpu.memref_slice %arg6[%dma_wait3A_509, %dma_wait3A_526, %dma_wait3A_527] : memref<8x128x64xf32, #tpu.memory_space<vmem>> -> memref<1x72x64xf32, #tpu.memory_space<vmem>>
    %dma_wait3A_529 = tpu.memref_squeeze %dma_wait3A_528 : memref<1x72x64xf32, #tpu.memory_space<vmem>> -> memref<72x64xf32, #tpu.memory_space<vmem>>
    tpu.wait_dma2 semaphore(%dma_wait3A_521 : memref<!tpu.dma_semaphore, #tpu.memory_space<semaphore_mem>>) src(%dma_wait3A_529 : memref<72x64xf32, #tpu.memory_space<vmem>>) dst(%dma_wait3A_525 : memref<72x64xf32, #tpu.memory_space<hbm>>)
    %dma_wait3A_530 = arith.constant 4 : i32
    %dma_wait3A_531 = arith.constant 0 : i32
    %dma_wait3A_532 = arith.constant 4 : i32
    %dma_wait3A_533 = arith.constant 0 : i32
    %dma_wait3A_534 = arith.constant 0 : i32
    %dma_wait3A_535 = tpu.memref_slice %arg6[%dma_wait3A_530, %dma_wait3A_533, %dma_wait3A_534] : memref<8x128x64xf32, #tpu.memory_space<vmem>> -> memref<1x128x64xf32, #tpu.memory_space<vmem>>
    %dma_wait3A_536 = tpu.memref_squeeze %dma_wait3A_535 : memref<1x128x64xf32, #tpu.memory_space<vmem>> -> memref<128x64xf32, #tpu.memory_space<vmem>>
    %dma_wait3A_537 = arith.constant 0 : i32
    %dma_wait3A_538 = arith.constant 0 : i32
    %dma_wait3A_539 = tpu.memref_slice %arg4[%dma_wait3A_531, %dma_wait3A_537, %dma_wait3A_538] : memref<4096x200x128xf32, #tpu.memory_space<hbm>> -> memref<1x128x64xf32, #tpu.memory_space<hbm>>
    %dma_wait3A_540 = tpu.memref_squeeze %dma_wait3A_539 : memref<1x128x64xf32, #tpu.memory_space<hbm>> -> memref<128x64xf32, #tpu.memory_space<hbm>>
    %dma_wait3A_541 = tpu.memref_slice %arg8[%dma_wait3A_532] : memref<8x!tpu.dma_semaphore, #tpu.memory_space<semaphore_mem>> -> memref<1x!tpu.dma_semaphore, #tpu.memory_space<semaphore_mem>>
    %dma_wait3A_542 = tpu.memref_squeeze %dma_wait3A_541 : memref<1x!tpu.dma_semaphore, #tpu.memory_space<semaphore_mem>> -> memref<!tpu.dma_semaphore, #tpu.memory_space<semaphore_mem>>
    %dma_wait3A_543 = arith.constant 0 : i32
    %dma_wait3A_544 = arith.constant 0 : i32
    %dma_wait3A_545 = tpu.memref_slice %arg4[%dma_wait3A_531, %dma_wait3A_543, %dma_wait3A_544] : memref<4096x200x128xf32, #tpu.memory_space<hbm>> -> memref<1x128x64xf32, #tpu.memory_space<hbm>>
    %dma_wait3A_546 = tpu.memref_squeeze %dma_wait3A_545 : memref<1x128x64xf32, #tpu.memory_space<hbm>> -> memref<128x64xf32, #tpu.memory_space<hbm>>
    %dma_wait3A_547 = arith.constant 0 : i32
    %dma_wait3A_548 = arith.constant 0 : i32
    %dma_wait3A_549 = tpu.memref_slice %arg6[%dma_wait3A_530, %dma_wait3A_547, %dma_wait3A_548] : memref<8x128x64xf32, #tpu.memory_space<vmem>> -> memref<1x128x64xf32, #tpu.memory_space<vmem>>
    %dma_wait3A_550 = tpu.memref_squeeze %dma_wait3A_549 : memref<1x128x64xf32, #tpu.memory_space<vmem>> -> memref<128x64xf32, #tpu.memory_space<vmem>>
    tpu.wait_dma2 semaphore(%dma_wait3A_542 : memref<!tpu.dma_semaphore, #tpu.memory_space<semaphore_mem>>) src(%dma_wait3A_550 : memref<128x64xf32, #tpu.memory_space<vmem>>) dst(%dma_wait3A_546 : memref<128x64xf32, #tpu.memory_space<hbm>>)
    %dma_wait3A_551 = arith.constant 5 : i32
    %dma_wait3A_552 = arith.constant 0 : i32
    %dma_wait3A_553 = arith.constant 5 : i32
    %dma_wait3A_554 = arith.constant 0 : i32
    %dma_wait3A_555 = arith.constant 0 : i32
    %dma_wait3A_556 = tpu.memref_slice %arg6[%dma_wait3A_551, %dma_wait3A_554, %dma_wait3A_555] : memref<8x128x64xf32, #tpu.memory_space<vmem>> -> memref<1x72x64xf32, #tpu.memory_space<vmem>>
    %dma_wait3A_557 = tpu.memref_squeeze %dma_wait3A_556 : memref<1x72x64xf32, #tpu.memory_space<vmem>> -> memref<72x64xf32, #tpu.memory_space<vmem>>
    %dma_wait3A_558 = arith.constant 0 : i32
    %dma_wait3A_559 = arith.constant 0 : i32
    %dma_wait3A_560 = tpu.memref_slice %arg4[%dma_wait3A_552, %dma_wait3A_558, %dma_wait3A_559] : memref<4096x200x128xf32, #tpu.memory_space<hbm>> -> memref<1x72x64xf32, #tpu.memory_space<hbm>>
    %dma_wait3A_561 = tpu.memref_squeeze %dma_wait3A_560 : memref<1x72x64xf32, #tpu.memory_space<hbm>> -> memref<72x64xf32, #tpu.memory_space<hbm>>
    %dma_wait3A_562 = tpu.memref_slice %arg8[%dma_wait3A_553] : memref<8x!tpu.dma_semaphore, #tpu.memory_space<semaphore_mem>> -> memref<1x!tpu.dma_semaphore, #tpu.memory_space<semaphore_mem>>
    %dma_wait3A_563 = tpu.memref_squeeze %dma_wait3A_562 : memref<1x!tpu.dma_semaphore, #tpu.memory_space<semaphore_mem>> -> memref<!tpu.dma_semaphore, #tpu.memory_space<semaphore_mem>>
    %dma_wait3A_564 = arith.constant 0 : i32
    %dma_wait3A_565 = arith.constant 0 : i32
    %dma_wait3A_566 = tpu.memref_slice %arg4[%dma_wait3A_552, %dma_wait3A_564, %dma_wait3A_565] : memref<4096x200x128xf32, #tpu.memory_space<hbm>> -> memref<1x72x64xf32, #tpu.memory_space<hbm>>
    %dma_wait3A_567 = tpu.memref_squeeze %dma_wait3A_566 : memref<1x72x64xf32, #tpu.memory_space<hbm>> -> memref<72x64xf32, #tpu.memory_space<hbm>>
    %dma_wait3A_568 = arith.constant 0 : i32
    %dma_wait3A_569 = arith.constant 0 : i32
    %dma_wait3A_570 = tpu.memref_slice %arg6[%dma_wait3A_551, %dma_wait3A_568, %dma_wait3A_569] : memref<8x128x64xf32, #tpu.memory_space<vmem>> -> memref<1x72x64xf32, #tpu.memory_space<vmem>>
    %dma_wait3A_571 = tpu.memref_squeeze %dma_wait3A_570 : memref<1x72x64xf32, #tpu.memory_space<vmem>> -> memref<72x64xf32, #tpu.memory_space<vmem>>
    tpu.wait_dma2 semaphore(%dma_wait3A_563 : memref<!tpu.dma_semaphore, #tpu.memory_space<semaphore_mem>>) src(%dma_wait3A_571 : memref<72x64xf32, #tpu.memory_space<vmem>>) dst(%dma_wait3A_567 : memref<72x64xf32, #tpu.memory_space<hbm>>)
    %dma_wait3A_572 = arith.constant 6 : i32
    %dma_wait3A_573 = arith.constant 0 : i32
    %dma_wait3A_574 = arith.constant 6 : i32
    %dma_wait3A_575 = arith.constant 0 : i32
    %dma_wait3A_576 = arith.constant 0 : i32
    %dma_wait3A_577 = tpu.memref_slice %arg6[%dma_wait3A_572, %dma_wait3A_575, %dma_wait3A_576] : memref<8x128x64xf32, #tpu.memory_space<vmem>> -> memref<1x128x64xf32, #tpu.memory_space<vmem>>
    %dma_wait3A_578 = tpu.memref_squeeze %dma_wait3A_577 : memref<1x128x64xf32, #tpu.memory_space<vmem>> -> memref<128x64xf32, #tpu.memory_space<vmem>>
    %dma_wait3A_579 = arith.constant 0 : i32
    %dma_wait3A_580 = arith.constant 0 : i32
    %dma_wait3A_581 = tpu.memref_slice %arg4[%dma_wait3A_573, %dma_wait3A_579, %dma_wait3A_580] : memref<4096x200x128xf32, #tpu.memory_space<hbm>> -> memref<1x128x64xf32, #tpu.memory_space<hbm>>
    %dma_wait3A_582 = tpu.memref_squeeze %dma_wait3A_581 : memref<1x128x64xf32, #tpu.memory_space<hbm>> -> memref<128x64xf32, #tpu.memory_space<hbm>>
    %dma_wait3A_583 = tpu.memref_slice %arg8[%dma_wait3A_574] : memref<8x!tpu.dma_semaphore, #tpu.memory_space<semaphore_mem>> -> memref<1x!tpu.dma_semaphore, #tpu.memory_space<semaphore_mem>>
    %dma_wait3A_584 = tpu.memref_squeeze %dma_wait3A_583 : memref<1x!tpu.dma_semaphore, #tpu.memory_space<semaphore_mem>> -> memref<!tpu.dma_semaphore, #tpu.memory_space<semaphore_mem>>
    %dma_wait3A_585 = arith.constant 0 : i32
    %dma_wait3A_586 = arith.constant 0 : i32
    %dma_wait3A_587 = tpu.memref_slice %arg4[%dma_wait3A_573, %dma_wait3A_585, %dma_wait3A_586] : memref<4096x200x128xf32, #tpu.memory_space<hbm>> -> memref<1x128x64xf32, #tpu.memory_space<hbm>>
    %dma_wait3A_588 = tpu.memref_squeeze %dma_wait3A_587 : memref<1x128x64xf32, #tpu.memory_space<hbm>> -> memref<128x64xf32, #tpu.memory_space<hbm>>
    %dma_wait3A_589 = arith.constant 0 : i32
    %dma_wait3A_590 = arith.constant 0 : i32
    %dma_wait3A_591 = tpu.memref_slice %arg6[%dma_wait3A_572, %dma_wait3A_589, %dma_wait3A_590] : memref<8x128x64xf32, #tpu.memory_space<vmem>> -> memref<1x128x64xf32, #tpu.memory_space<vmem>>
    %dma_wait3A_592 = tpu.memref_squeeze %dma_wait3A_591 : memref<1x128x64xf32, #tpu.memory_space<vmem>> -> memref<128x64xf32, #tpu.memory_space<vmem>>
    tpu.wait_dma2 semaphore(%dma_wait3A_584 : memref<!tpu.dma_semaphore, #tpu.memory_space<semaphore_mem>>) src(%dma_wait3A_592 : memref<128x64xf32, #tpu.memory_space<vmem>>) dst(%dma_wait3A_588 : memref<128x64xf32, #tpu.memory_space<hbm>>)
    %dma_wait3A_593 = arith.constant 7 : i32
    %dma_wait3A_594 = arith.constant 0 : i32
    %dma_wait3A_595 = arith.constant 7 : i32
    %dma_wait3A_596 = arith.constant 0 : i32
    %dma_wait3A_597 = arith.constant 0 : i32
    %dma_wait3A_598 = tpu.memref_slice %arg6[%dma_wait3A_593, %dma_wait3A_596, %dma_wait3A_597] : memref<8x128x64xf32, #tpu.memory_space<vmem>> -> memref<1x72x64xf32, #tpu.memory_space<vmem>>
    %dma_wait3A_599 = tpu.memref_squeeze %dma_wait3A_598 : memref<1x72x64xf32, #tpu.memory_space<vmem>> -> memref<72x64xf32, #tpu.memory_space<vmem>>
    %dma_wait3A_600 = arith.constant 0 : i32
    %dma_wait3A_601 = arith.constant 0 : i32
    %dma_wait3A_602 = tpu.memref_slice %arg4[%dma_wait3A_594, %dma_wait3A_600, %dma_wait3A_601] : memref<4096x200x128xf32, #tpu.memory_space<hbm>> -> memref<1x72x64xf32, #tpu.memory_space<hbm>>
    %dma_wait3A_603 = tpu.memref_squeeze %dma_wait3A_602 : memref<1x72x64xf32, #tpu.memory_space<hbm>> -> memref<72x64xf32, #tpu.memory_space<hbm>>
    %dma_wait3A_604 = tpu.memref_slice %arg8[%dma_wait3A_595] : memref<8x!tpu.dma_semaphore, #tpu.memory_space<semaphore_mem>> -> memref<1x!tpu.dma_semaphore, #tpu.memory_space<semaphore_mem>>
    %dma_wait3A_605 = tpu.memref_squeeze %dma_wait3A_604 : memref<1x!tpu.dma_semaphore, #tpu.memory_space<semaphore_mem>> -> memref<!tpu.dma_semaphore, #tpu.memory_space<semaphore_mem>>
    %dma_wait3A_606 = arith.constant 0 : i32
    %dma_wait3A_607 = arith.constant 0 : i32
    %dma_wait3A_608 = tpu.memref_slice %arg4[%dma_wait3A_594, %dma_wait3A_606, %dma_wait3A_607] : memref<4096x200x128xf32, #tpu.memory_space<hbm>> -> memref<1x72x64xf32, #tpu.memory_space<hbm>>
    %dma_wait3A_609 = tpu.memref_squeeze %dma_wait3A_608 : memref<1x72x64xf32, #tpu.memory_space<hbm>> -> memref<72x64xf32, #tpu.memory_space<hbm>>
    %dma_wait3A_610 = arith.constant 0 : i32
    %dma_wait3A_611 = arith.constant 0 : i32
    %dma_wait3A_612 = tpu.memref_slice %arg6[%dma_wait3A_593, %dma_wait3A_610, %dma_wait3A_611] : memref<8x128x64xf32, #tpu.memory_space<vmem>> -> memref<1x72x64xf32, #tpu.memory_space<vmem>>
    %dma_wait3A_613 = tpu.memref_squeeze %dma_wait3A_612 : memref<1x72x64xf32, #tpu.memory_space<vmem>> -> memref<72x64xf32, #tpu.memory_space<vmem>>
    tpu.wait_dma2 semaphore(%dma_wait3A_605 : memref<!tpu.dma_semaphore, #tpu.memory_space<semaphore_mem>>) src(%dma_wait3A_613 : memref<72x64xf32, #tpu.memory_space<vmem>>) dst(%dma_wait3A_609 : memref<72x64xf32, #tpu.memory_space<hbm>>)
    return
  }
}

</mosaic_0001>

<sc_bundles>
// kernel: kernel.3.cloned.1.call-start
scs
__scs_entry_jumppad:
0x0: {  	(pc) =	sbr.rel $0x88, $3  }
0x1: {  	(tag) =	ssettag $0x0;
	lr =	simm.s32 $0x1  }
0x2: {  	[smem:$0x3F9F] =	sst lr;
	_ =	strace $0xD0000000  }
0x3: {  	_ = 	snop  }
0x4: {  	_ = 	snop  }
0x5: {  	_ = 	snop  }
0x6: {  	_ = 	snop  }
0x7: {  	_ = 	snop  }
__scs_overlays_trampoline_lowered:
0x8: {  	[smem:$0x3FAE] =	sst s0  }
0x9: {  	[smem:$0x3FAF] =	sst s1  }
0xa: {  	[smem:$0x3FB0] =	sst s2  }
0xb: {  	[smem:$0x3FB1] =	sst s3  }
0xc: {  	[smem:$0x3FB2] =	sst s4  }
0xd: {  	[smem:$0x3FB3] =	sst s5  }
0xe: {  	[smem:$0x3FB4] =	sst s6  }
0xf: {  	[smem:$0x3FB5] =	sst s7  }
0x10: {  	[smem:$0x3FB6] =	sst s8  }
0x11: {  	[smem:$0x3FB7] =	sst s9;
	s0 =	simm.s32 @!p0 $0x0  }
0x12: {  	s1 =	sld [smem:$0x3F9D];
	s0 =	simm.s32 @p0 $0x1  }
0x13: {  	[smem:$0x3FB8] =	sst s0;
	s0 =	simm.s32 @!p1 $0x0  }
0x14: {  	s2 =	sld [smem:$0x3F9C];
	s0 =	simm.s32 @p1 $0x1  }
0x15: {  	[smem:$0x3FB9] =	sst s0;
	s0 =	simm.s32 @!p2 $0x0  }
0x16: {  	s3 =	sld [smem:$0x3FDB];
	s0 =	simm.s32 @p2 $0x1  }
0x17: {  	s4 =	simm.s32 $0x1BF5;
	[smem:$0x3FBB] =	sst s0  }
0x18: {  	s0 =	sld [smem:$0x3F9E];
	_ =	swait.ge [sflag:s4], $0x0  }
0x19: {  	s7 =	sld [smem:$0x3F9F]  }
0x1a: {  	s8 =	sadd.s32 $0xFFFFE003, lr  }
0x1b: {  	s9 =	sadd.s32 $0xFFFFFEF7, lr;
	s5 =	simm.s32 $0xFFFFFFFF;
	p2 =	slt.u32 s8, $0xFFFFF086  }
0x1c: {  	p1 =	slt.u32 s9, $0xF7A;
	s5 =	simm.s32 @!p2 $0x0  }
0x1d: {  	s5 =	simm.s32 @p1 $0x1;
	p0 =	seq.s32 s7, s2  }
0x1e: {  	s7 =	smul.u32 @!p0 $0xF7A, s2;
	p2 =	seq.s32 @!p0 s5, $0x0  }
0x1f: {  	s9 =	smul.u32 $0xF7A, s1;
	s8 =	simm.s32 @!p0 $0x1BF5;
	p2 =	por !p2, p0  }
0x20: {  	[sflag:s8] =	ssyncset.s32 @!p0 $0xFFFFF086;
	s6 =	sadd.s32 @!p0 s3, s7;
	s7 =	simm.s32 @!p0 $0x108  }
0x21: {  	s3 =	sadd.s32 s3, s9;
	s6 =	sadd.s32 @!p0 $0x88, s6;
	s7 =	simm.s32 @p2 $0x1082  }
0x22: {  	[simem:s7], [sflag:s8] =	dma.local @!p0 [hbm:s6], $0xF7A  }
0x23: {  	s9 =	sor.u32 $0xD0000000, s2;
	s6 =	simm.s32 $0x108;
	_ =	swait.ge @!p0 [sflag:s8], $0x0  }
0x24: {  	s3 =	sadd.s32 $0x88, s3;
	s6 =	simm.s32 @!p1 $0x1082;
	[sflag:s4] =	ssyncset.s32 $0xFFFFF086  }
0x25: {  	[simem:s6], [sflag:s4] =	dma.local [hbm:s3], $0xF7A  }
0x26: {  	[smem:$0x3F9F] =	sst s1;
	(tag) =	ssettag s2;
	_ =	strace s9  }
0x27: {  	s1 =	sld [smem:$0x3FAF]  }
0x28: {  	s2 =	sld [smem:$0x3FB0]  }
0x29: {  	s4 =	sld [smem:$0x3FB2]  }
0x2a: {  	p0 =	seq.s32 s5, $0x0;
	s5 =	sld [smem:$0x3FB3]  }
0x2b: {  	s6 =	sld [smem:$0x3FB4]  }
0x2c: {  	s7 =	sld [smem:$0x3FB5]  }
0x2d: {  	s3 =	simm.s32 $0x108;
	s8 =	sld [smem:$0x3FB6]  }
0x2e: {  	s3 =	simm.s32 @!p0 $0x1082;
	s9 =	sld [smem:$0x3FB7]  }
0x2f: {  	lr =	sadd.s32 s0, s3;
	s0 =	sld [smem:$0x3FAE]  }
0x30: {  	s3 =	sld [smem:$0x3FB1]  }
0x31: {  	[smem:$0x3FBA] =	sst s10  }
0x32: {  	s10 =	sld [smem:$0x3FB8];
	_ =	sdelay $0x3  }
0x33: {  	p0 =	seq.s32 s10, $0x1;
	s10 =	sld [smem:$0x3FBA];
	_ =	sdelay $0x3  }
0x34: {  	[smem:$0x3FBA] =	sst s10  }
0x35: {  	s10 =	sld [smem:$0x3FB9];
	_ =	sdelay $0x3  }
0x36: {  	p1 =	seq.s32 s10, $0x1;
	s10 =	sld [smem:$0x3FBA];
	_ =	sdelay $0x3  }
0x37: {  	[smem:$0x3FBA] =	sst s10  }
0x38: {  	s10 =	sld [smem:$0x3FBB]  }
0x39: {  	_ = 	snop;
	(pc) =	sbr.ind lr, $3  }
0x3a: {  	_ = 	snop  }
0x3b: {  	_ = 	snop  }
0x3c: {  	p2 =	seq.s32 s10, $0x1;
	s10 =	sld [smem:$0x3FBA]  }
0x3d: {  	_ =	shalt  }
0x3e: {  	_ =	shalt  }
0x3f: {  	_ =	shalt  }
0x40: {  	_ =	shalt  }
0x41: {  	_ =	shalt  }
0x42: {  	_ =	shalt  }
0x43: {  	_ =	shalt  }
0x44: {  	_ =	shalt  }
0x45: {  	_ =	shalt  }
0x46: {  	_ =	shalt  }
0x47: {  	_ =	shalt  }
0x48: {  	_ =	shalt  }
0x49: {  	_ =	shalt  }
0x4a: {  	_ =	shalt  }
0x4b: {  	_ =	shalt  }
0x4c: {  	_ =	shalt  }
0x4d: {  	_ =	shalt  }
0x4e: {  	_ =	shalt  }
0x4f: {  	_ =	shalt  }
0x50: {  	_ =	shalt  }
0x51: {  	_ =	shalt  }
0x52: {  	_ =	shalt  }
0x53: {  	_ =	shalt  }
0x54: {  	_ =	shalt  }
0x55: {  	_ =	shalt  }
0x56: {  	_ =	shalt  }
0x57: {  	_ =	shalt  }
0x58: {  	_ =	shalt  }
0x59: {  	_ =	shalt  }
0x5a: {  	_ =	shalt  }
0x5b: {  	_ =	shalt  }
0x5c: {  	_ =	shalt  }
0x5d: {  	_ =	shalt  }
0x5e: {  	_ =	shalt  }
0x5f: {  	_ =	shalt  }
0x60: {  	_ =	shalt  }
0x61: {  	_ =	shalt  }
0x62: {  	_ =	shalt  }
0x63: {  	_ =	shalt  }
0x64: {  	_ =	shalt  }
0x65: {  	_ =	shalt  }
0x66: {  	_ =	shalt  }
0x67: {  	_ =	shalt  }
0x68: {  	_ =	shalt  }
0x69: {  	_ =	shalt  }
0x6a: {  	_ =	shalt  }
0x6b: {  	_ =	shalt  }
0x6c: {  	_ =	shalt  }
0x6d: {  	_ =	shalt  }
0x6e: {  	_ =	shalt  }
0x6f: {  	_ =	shalt  }
0x70: {  	_ =	shalt  }
0x71: {  	_ =	shalt  }
0x72: {  	_ =	shalt  }
0x73: {  	_ =	shalt  }
0x74: {  	_ =	shalt  }
0x75: {  	_ =	shalt  }
0x76: {  	_ =	shalt  }
0x77: {  	_ =	shalt  }
0x78: {  	_ =	shalt  }
0x79: {  	_ =	shalt  }
0x7a: {  	_ =	shalt  }
0x7b: {  	_ =	shalt  }
0x7c: {  	_ =	shalt  }
0x7d: {  	_ =	shalt  }
0x7e: {  	_ =	shalt  }
0x7f: {  	_ =	shalt  }
0x80: {  	_ =	shalt  }
0x81: {  	_ =	shalt  }
0x82: {  	_ =	shalt  }
0x83: {  	_ =	shalt  }
0x84: {  	_ =	shalt  }
0x85: {  	_ =	shalt  }
0x86: {  	_ =	shalt  }
0x87: {  	_ =	shalt  }
.Lfunc_end0:
.L_simem_size_0:
called_computation.1_lowered:
.L_overlay_start_0:
0x88: {  	s2 =	sld [smem:$0x3FD9]  }
0x89: {  	s3 =	sld [smem:$0x3FFE];
	_ =	sdelay $0x1  }
0x8a: {  	s1 =	srdreg.scid  }
0x8b: {  	s0 =	sand.u32 $0x1, s1  }
0x8c: {  	s17 =	sshll.u32 s0, $0xA;
	s2 =	sadd.s32 s3, s2  }
0x8d: {  	s2 =	sadd.s32 s2, s17  }
0x8e: {  	[smem:$0x3FC6] =	sst s2  }
0x8f: {  	_ = 	snop  }
0x90: {  	s2 =	sld [smem:$0x3FD0];
	(tm) =	ssettm $0x1  }
0x91: {  	s18 =	sld [smem:$0x3FFB];
	_ =	sdelay $0x3  }
0x92: {  	_ =	strace s18  }
0x93: {  	s3 =	sld [smem:$0x3FFC];
	_ =	sdelay $0x3  }
0x94: {  	_ =	strace s3  }
0x95: {  	s3 =	sld [smem:$0x3FFD];
	_ =	sdelay $0x3  }
0x96: {  	_ =	strace s3  }
0x97: {  	_ =	strace $0x8FFFFFFF  }
0x98: {  	s19 =	sld [smem:$0x3FDB];
	_ =	sdelay $0x1  }
0x99: {  	s4 =	simm.s32 $_scs_section_size  }
0x9a: {  	s5 =	simm.s32 $_size__tile_overlayer_lowered;
	s6 =	simm.s32 $_tile_overlayer_lowered  }
0x9b: {  	s22 =	simm.s32 $0x1BFF;
	s21 =	sshll.u32 s6, $0x1;
	s3 =	sadd.s32 s4, s19  }
0x9c: {  	s7 =	simm.s32 $0x0;
	s20 =	sshll.u32 s5, $0x1;
	s5 =	sadd.s32 s21, s3  }
0x9d: {  	[timem:s7], [sflag:s22] =	dma.local [hbm:s5], s20  }
0x9e: {  	_ =	swait.ge [sflag:s22], s20  }
0x9f: {  	s4 =	ssub.s32 $0x0, s20;
	[sflag:s22] =	ssyncset.done $0x0  }
0xa0: {  	[sflag:s22] =	ssyncadd.s32 s4;
	_ =	sdelay $0x1  }
0xa1: {  	s23 =	simm.s32 $0x1B8B  }
0xa2: {  	_ =	swait.ge [sflag:s23], $0x1  }
0xa3: {  	[sflag:s23] =	ssyncset.done $0x0  }
0xa4: {  	s25 =	simm.s32 $0x1B8E;
	s24 =	sld [smem:$0x3FFE];
	[sflag:s23] =	ssyncadd.s32 $0xFFFFFFFF  }
0xa5: {  	s26 =	simm.s32 $execute0_lowered;
	[smem:$0x3FD2] =	sst s25  }
0xa6: {  	s5 =	sshll.u32 s26, $0x1;
	_ =	strace $0x80000046;
	[dreg:$0x1] =	wrdreg $0xFFFFFFFF  }
0xa7: {  	s28 =	simm.s32 $_size_execute0_lowered;
	s3 =	sadd.s32 s3, s5;
	[dreg:$0x0] =	wrdreg $0x0  }
0xa8: {  	s5 =	sshll.u32 s28, $0x1;
	[dreg:$0x2] =	wrdreg s3  }
0xa9: {  	[dreg:$0x3] =	wrdreg s5  }
0xaa: {  	[dreg:$0x4] =	wrdreg $0xC0  }
0xab: {  	_ =	task [dreg:s7], $0x5FFFF  }
0xac: {  	[dreg:$0x1] =	wrdreg $0xFFFFFFFF  }
0xad: {  	[dreg:$0x0] =	wrdreg $0x60  }
0xae: {  	[dreg:$0x2] =	wrdreg s2  }
0xaf: {  	[dreg:$0x3] =	wrdreg s24  }
0xb0: {  	[dreg:$0x4] =	wrdreg $0x9  }
0xb1: {  	_ =	task.clear_ibuf [dreg:s7], $0x5FFFF;
	_ =	strace $0x90000046  }
0xb2: {  	s29 =	simm.s32 $0x9;
	_ =	strace $0x80000048  }
0xb3: {  	_ =	swait.ge [sflag:s29], $0x1  }
0xb4: {  	[sflag:s29] =	ssyncadd.s32 $0xFFFFFFFF  }
0xb5: {  	_ =	strace $0x90000048  }
0xb6: {  	_ =	sfence  }
0xb7: {  	s30 =	sld [smem:$0x0];
	_ =	sdelay $0x2  }
0xb8: {  	s31 =	sshll.u32 s1, $0xD;
	s1 =	sshrl.u32 s1, $0x2  }
0xb9: {  	s3 =	sand.u32 $0x4000, s31;
	s1 =	sadd.s32 s1, s30  }
0xba: {  	s0 =	sor.u32 s3, s0;
	s1 =	sshll.u32 s1, $0x11  }
0xbb: {  	s0 =	sor.u32 s1, s0  }
0xbc: {  	s0 =	sadd.s32 $0x8F2B, s0  }
0xbd: {  	[sflag:s0] =	ssyncadd.remote.s32 $0x1  }
0xbe: {  	_ =	sfence.sel $0xFFFF  }
0xbf: {  	[dreg:$0x0] =	wrdreg $0xFFFFFFFF;
	(pc) =	sbr.abs _section_cstart, $3  }
0xc0: {  	[dreg:$0x1] =	wrdreg $0xFFFFFFFF  }
0xc1: {  	_ =	task.clear_ibuf [dreg:s7], $0x2FFFF;
	_ =	strace $0x9FFFFFFF  }
0xc2: {  	(tm) =	ssettm $0x7FFFFFFF  }
0xc3: {  	_ =	shalt  }
tec
execute0_lowered:
.L_overlay_start_1:
0x0: {  	(tag) =	ssettag $0x1  }
0x1: {  	s0 =	rddreg [dreg:$0x0]  }
0x2: {  	s1 =	rddreg [dreg:$0x1];
	s2 =	srdreg.scid  }
0x3: {  	s3 =	simm.s32 $0x0;
	s9 =	stileid.u32;
	s10 =	simm.s32 $0xE  }
0x4: {  	s11 =	simm.s32 $0xF;
	s30 =	simm.s32 $0xC400;
	s31 =	simm.s32 $0x2  }
0x5: {  	s2 =	sand.u32 $0x1, s2;
	[smem:$0x7FF] =	sst s3;
	s8 =	smul.u32 $0x640000, s9  }
0x6: {  	s12 =	sshll.u32 s9, $0x8;
	s3 =	sadd.s32 $0xF42E00, s1;
	s22 =	smul.u32 $0xC8000, s9  }
0x7: {  	s1 =	sadd.s32 $0xA00, s1;
	s4 =	sshll.u32 s2, $0x7;
	s14 =	smul.u32 $0x320000, s2  }
0x8: {  	s6 =	ssub.s32 $0x2, s2;
	s2 =	smul.u32 $0x64000, s2;
	s4 =	sor.u32 s4, s12  }
0x9: {  	s9 =	simm.s32 $0xD;
	_ =	strace $0x80000047;
	s5 =	smul.u32 $0x6400, s4  }
0xa: {  	s7 =	sshrl.u32 s6, $0x1;
	s12 =	simm.s32 $0x10;
	s4 =	smul.u32 $0x19, s4  }
0xb: {  	s6 =	ssub.s32 s6, s7;
	s19 =	sadd.s32 s14, s8;
	s14 =	simm.s32 $0x6400  }
0xc: {  	s8 =	simm.s32 $0xC;
	s21 =	sor.u32 $0x1D000, s19;
	s24 =	sadd.s32 $0x23400, s19  }
0xd: {  	s26 =	sor.u32 $0x16C00, s19;
	s29 =	smax.u32 s6, $0x1;
	s6 =	simm.s32 $0xB  }
0xe: {  	s5 =	sshrl.u32 s5, $0x3;
	s0 =	sadd.s32 s0, s4;
	[dreg:$0x11] =	wrdreg s29  }
0xf: {  	s4 =	sshrl.u32 s21, $0x3;
	s13 =	sadd.s32 s1, s5;
	[dreg:$0x9] =	wrdreg s0  }
0x10: {  	s25 =	sshrl.u32 s24, $0x3;
	s4 =	sadd.s32 s4, s1;
	[dreg:$0x8] =	wrdreg s13  }
0x11: {  	s24 =	simm.s32 $0x40;
	s15 =	sadd.s32 $0x800, s13;
	[dreg:$0x3] =	wrdreg s4  }
0x12: {  	s21 =	simm.s32 $0x6;
	s16 =	sadd.s32 $0xC80, s13;
	[dreg:$0xa] =	wrdreg s15  }
0x13: {  	s5 =	sadd.s32 s22, s1;
	s17 =	sadd.s32 $0x1480, s13;
	[dreg:$0xb] =	wrdreg s16  }
0x14: {  	s0 =	sor.u32 $0x10800, s19;
	s18 =	sadd.s32 $0x62700, s13;
	[dreg:$0xc] =	wrdreg s17  }
0x15: {  	s19 =	simm.s32 $0x3;
	s20 =	sadd.s32 $0x62F00, s13;
	[dreg:$0xd] =	wrdreg s18  }
0x16: {  	s23 =	sadd.s32 $0x63380, s13;
	s7 =	sadd.s32 $0x63B80, s13;
	[dreg:$0xe] =	wrdreg s20  }
0x17: {  	s2 =	sadd.s32 s2, s5;
	s4 =	sshrl.u32 s26, $0x3;
	[dreg:$0xf] =	wrdreg s23  }
0x18: {  	s0 =	sshrl.u32 s0, $0x3;
	s26 =	simm.s32 $0x4;
	[dreg:$0x10] =	wrdreg s7  }
0x19: {  	s5 =	simm.s32 $0x7;
	[dreg:$0x4] =	wrdreg s2;
	s2 =	sadd.s32 s25, s1  }
0x1a: {  	s28 =	sadd.s32 s4, s1;
	s0 =	sadd.s32 s0, s1;
	s15 =	simm.s32 $0x80  }
0x1b: {  	s17 =	simm.s32 $0x48;
	s16 =	simm.s32 $0x8400;
	s18 =	simm.s32 $0xA400  }
0x1c: {  	s20 =	simm.s32 $0xC400;
	s23 =	simm.s32 $0x1;
	[dreg:$0x5] =	wrdreg s2  }
0x1d: {  	s25 =	simm.s32 $0x2;
	s7 =	simm.s32 $0x8;
	[dreg:$0x6] =	wrdreg s28  }
0x1e: {  	[dreg:$0x7] =	wrdreg s0;
	s2 =	simm.s32 $0xA;
	s0 =	simm.s32 $0x0  }
.LBB2_1:
0x1f: {  	[dreg:$0x12] =	wrdreg s0  }
0x20: {  	s4 =	simm.s32 $0x0;
	s13 =	rddreg [dreg:$0x9];
	s22 =	simm.s32 $0x11  }
0x21: {  	[tilespmem:s4], [sflag:$0x11] =	stream.linear.gather [hbm4b:s13+s4], $0x6400, $0x38;
	[tilespmem:$0x16400] =	vst v63  }
0x22: {  	_ =	swait.ge [sflag:s22], $0x6400  }
0x23: {  	[sflag:s22] =	ssyncset.done $0x0  }
0x24: {  	[sflag:s22] =	ssyncadd.s32 $0xFFFF9C00  }
0x25: {  	[tilespmem:s14], [sflag:$0x1] =	stream.indirect.gather [hbm4b:s3+s15], $0x40, s4, s15, $0xb8;
	[tilespmem:$0x16400] =	vst v63  }
0x26: {  	_ = 	snop  }
0x27: {  	[tilespmem:s16], [sflag:$0x2] =	stream.indirect.gather [hbm4b:s3+s17], $0x40, s15, s17, $0xb8;
	[tilespmem:$0x16400] =	vst v63  }
0x28: {  	s0 =	simm.s32 $0xC8  }
0x29: {  	[tilespmem:s18], [sflag:$0x3] =	stream.indirect.gather [hbm4b:s3+s15], $0x40, s0, s15, $0xb8;
	[tilespmem:$0x16400] =	vst v63  }
0x2a: {  	s1 =	simm.s32 $0x148  }
0x2b: {  	[tilespmem:s20], [sflag:$0x4] =	stream.indirect.gather [hbm4b:s3+s17], $0x40, s1, s17, $0xb8;
	[tilespmem:$0x16400] =	vst v63  }
0x2c: {  	_ =	swait.ge [sflag:s23], $0x2000  }
0x2d: {  	[sflag:s23] =	ssyncset.done $0x0  }
0x2e: {  	s13 =	rddreg [dreg:$0x8];
	[sflag:s23] =	ssyncadd.s32 $0xFFFFE000  }
0x2f: {  	[hbm4b:s13+s24] =	stream.strided.scatter [tilespmem:s14], [sflag:$0x9], $0x2000, s15, s24, $0x38;
	[tilespmem:$0x16400] =	vst v63  }
0x30: {  	s22 =	simm.s32 $0x190;
	s1 =	simm.s32 $0xE400  }
0x31: {  	[tilespmem:s1], [sflag:$0x5] =	stream.indirect.gather [hbm4b:s3+s15], $0x40, s22, s15, $0xb8;
	[tilespmem:$0x16400] =	vst v63  }
0x32: {  	_ =	swait.ge [sflag:s25], $0x1200  }
0x33: {  	[sflag:s25] =	ssyncset.done $0x0  }
0x34: {  	s0 =	rddreg [dreg:$0xa];
	[sflag:s25] =	ssyncadd.s32 $0xFFFFEE00  }
0x35: {  	[hbm4b:s0+s24] =	stream.strided.scatter [tilespmem:s16], [sflag:$0xA], $0x1200, s15, s24, $0x38;
	[tilespmem:$0x16400] =	vst v63  }
0x36: {  	s13 =	simm.s32 $0x210;
	s22 =	simm.s32 $0x10400  }
0x37: {  	[tilespmem:s22], [sflag:$0x6] =	stream.indirect.gather [hbm4b:s3+s17], $0x40, s13, s17, $0xb8;
	[tilespmem:$0x16400] =	vst v63  }
0x38: {  	_ =	swait.ge [sflag:s19], $0x2000  }
0x39: {  	[sflag:s19] =	ssyncset.done $0x0  }
0x3a: {  	s0 =	rddreg [dreg:$0xb];
	[sflag:s19] =	ssyncadd.s32 $0xFFFFE000  }
0x3b: {  	[hbm4b:s0+s24] =	stream.strided.scatter [tilespmem:s18], [sflag:$0xB], $0x2000, s15, s24, $0x38;
	[tilespmem:$0x16400] =	vst v63  }
0x3c: {  	s13 =	simm.s32 $0x258;
	s0 =	simm.s32 $0x12400  }
0x3d: {  	[tilespmem:s0], [sflag:$0x7] =	stream.indirect.gather [hbm4b:s3+s15], $0x40, s13, s15, $0xb8;
	[tilespmem:$0x16400] =	vst v63  }
0x3e: {  	_ =	swait.ge [sflag:s26], $0x1200  }
0x3f: {  	[sflag:s26] =	ssyncset.done $0x0  }
0x40: {  	s13 =	rddreg [dreg:$0xc];
	[sflag:s26] =	ssyncadd.s32 $0xFFFFEE00  }
0x41: {  	[hbm4b:s13+s24] =	stream.strided.scatter [tilespmem:s20], [sflag:$0xC], $0x1200, s15, s24, $0x38;
	[tilespmem:$0x16400] =	vst v63  }
0x42: {  	s28 =	simm.s32 $0x14400;
	s13 =	simm.s32 $0x2D8  }
0x43: {  	[tilespmem:s28], [sflag:$0x8] =	stream.indirect.gather [hbm4b:s3+s17], $0x40, s13, s17, $0xb8;
	[tilespmem:$0x16400] =	vst v63  }
0x44: {  	s13 =	simm.s32 $0x5  }
0x45: {  	_ =	swait.ge [sflag:s13], $0x2000  }
0x46: {  	s4 =	rddreg [dreg:$0x4]  }
0x47: {  	[sflag:s13] =	ssyncset.done $0x0;
	s4 =	sadd.s32 $0x0, s4  }
0x48: {  	s29 =	simm.s32 $0x9;
	[sflag:s13] =	ssyncadd.s32 $0xFFFFE000;
	s13 =	sadd.s32 $0x1900, s4  }
0x49: {  	[hbm4b:s13+s24] =	stream.strided.scatter [tilespmem:s1], [sflag:$0xD], $0x2000, s15, s24, $0x38;
	[tilespmem:$0x16400] =	vst v63  }
0x4a: {  	_ =	swait.ge [sflag:s29], $0x2000  }
0x4b: {  	[sflag:s29] =	ssyncset.done $0x0  }
0x4c: {  	s13 =	simm.s32 $0x320;
	[sflag:s29] =	ssyncadd.s32 $0xFFFFE000  }
0x4d: {  	[tilespmem:s14], [sflag:$0x1] =	stream.indirect.gather [hbm4b:s3+s15], $0x40, s13, s15, $0xb8;
	[tilespmem:$0x16400] =	vst v63  }
0x4e: {  	_ =	swait.ge [sflag:s21], $0x1200  }
0x4f: {  	s13 =	rddreg [dreg:$0x7];
	[sflag:s21] =	ssyncset.done $0x0  }
0x50: {  	[sflag:s21] =	ssyncadd.s32 $0xFFFFEE00;
	s13 =	sadd.s32 $0x0, s13  }
0x51: {  	[hbm4b:s13+s24] =	stream.strided.scatter [tilespmem:s22], [sflag:$0xE], $0x1200, s15, s24, $0x38;
	[tilespmem:$0x16400] =	vst v63  }
0x52: {  	_ =	swait.ge [sflag:s2], $0x1200  }
0x53: {  	[sflag:s2] =	ssyncset.done $0x0  }
0x54: {  	s13 =	simm.s32 $0x3A0;
	[sflag:s2] =	ssyncadd.s32 $0xFFFFEE00  }
0x55: {  	[tilespmem:s16], [sflag:$0x2] =	stream.indirect.gather [hbm4b:s3+s17], $0x40, s13, s17, $0xb8;
	[tilespmem:$0x16400] =	vst v63  }
0x56: {  	_ =	swait.ge [sflag:s5], $0x2000  }
0x57: {  	[sflag:s5] =	ssyncset.done $0x0  }
0x58: {  	s13 =	sadd.s32 $0x2580, s4;
	[sflag:s5] =	ssyncadd.s32 $0xFFFFE000  }
0x59: {  	[hbm4b:s13+s24] =	stream.strided.scatter [tilespmem:s0], [sflag:$0xF], $0x2000, s15, s24, $0x38;
	[tilespmem:$0x16400] =	vst v63  }
0x5a: {  	_ =	swait.ge [sflag:s6], $0x2000  }
0x5b: {  	[sflag:s6] =	ssyncset.done $0x0  }
0x5c: {  	s13 =	simm.s32 $0x3E8;
	[sflag:s6] =	ssyncadd.s32 $0xFFFFE000  }
0x5d: {  	[tilespmem:s18], [sflag:$0x3] =	stream.indirect.gather [hbm4b:s3+s15], $0x40, s13, s15, $0xb8;
	[tilespmem:$0x16400] =	vst v63  }
0x5e: {  	_ =	swait.ge [sflag:s7], $0x1200  }
0x5f: {  	s13 =	rddreg [dreg:$0x6];
	[sflag:s7] =	ssyncset.done $0x0  }
0x60: {  	[sflag:s7] =	ssyncadd.s32 $0xFFFFEE00;
	s13 =	sadd.s32 $0x0, s13  }
0x61: {  	[hbm4b:s13+s24] =	stream.strided.scatter [tilespmem:s28], [sflag:$0x10], $0x1200, s15, s24, $0x38;
	[tilespmem:$0x16400] =	vst v63  }
0x62: {  	_ =	swait.ge [sflag:s8], $0x1200  }
0x63: {  	[sflag:s8] =	ssyncset.done $0x0  }
0x64: {  	s13 =	simm.s32 $0x468;
	[sflag:s8] =	ssyncadd.s32 $0xFFFFEE00  }
0x65: {  	[tilespmem:s20], [sflag:$0x4] =	stream.indirect.gather [hbm4b:s3+s17], $0x40, s13, s17, $0xb8;
	[tilespmem:$0x16400] =	vst v63  }
0x66: {  	_ =	swait.ge [sflag:s23], $0x2000  }
0x67: {  	[sflag:s23] =	ssyncset.done $0x0  }
0x68: {  	[sflag:s23] =	ssyncadd.s32 $0xFFFFE000;
	s23 =	sadd.s32 $0x3200, s4  }
0x69: {  	[hbm4b:s23+s24] =	stream.strided.scatter [tilespmem:s14], [sflag:$0x9], $0x2000, s15, s24, $0x38;
	[tilespmem:$0x16400] =	vst v63  }
0x6a: {  	_ =	swait.ge [sflag:s9], $0x2000  }
0x6b: {  	[sflag:s9] =	ssyncset.done $0x0  }
0x6c: {  	s23 =	simm.s32 $0x4B0;
	[sflag:s9] =	ssyncadd.s32 $0xFFFFE000  }
0x6d: {  	[tilespmem:s1], [sflag:$0x5] =	stream.indirect.gather [hbm4b:s3+s15], $0x40, s23, s15, $0xb8;
	[tilespmem:$0x16400] =	vst v63  }
0x6e: {  	_ =	swait.ge [sflag:s25], $0x1200  }
0x6f: {  	s14 =	rddreg [dreg:$0x3];
	[sflag:s25] =	ssyncset.done $0x0  }
0x70: {  	[sflag:s25] =	ssyncadd.s32 $0xFFFFEE00;
	s13 =	sadd.s32 $0x0, s14  }
0x71: {  	[hbm4b:s13+s24] =	stream.strided.scatter [tilespmem:s16], [sflag:$0xA], $0x1200, s15, s24, $0x38;
	[tilespmem:$0x16400] =	vst v63  }
0x72: {  	_ =	swait.ge [sflag:s10], $0x1200  }
0x73: {  	[sflag:s10] =	ssyncset.done $0x0  }
0x74: {  	s16 =	simm.s32 $0x530;
	[sflag:s10] =	ssyncadd.s32 $0xFFFFEE00  }
0x75: {  	[tilespmem:s22], [sflag:$0x6] =	stream.indirect.gather [hbm4b:s3+s17], $0x40, s16, s17, $0xb8;
	[tilespmem:$0x16400] =	vst v63  }
0x76: {  	_ =	swait.ge [sflag:s19], $0x2000  }
0x77: {  	[sflag:s19] =	ssyncset.done $0x0  }
0x78: {  	s4 =	sadd.s32 $0x3E80, s4;
	[sflag:s19] =	ssyncadd.s32 $0xFFFFE000  }
0x79: {  	[hbm4b:s4+s24] =	stream.strided.scatter [tilespmem:s18], [sflag:$0xB], $0x2000, s15, s24, $0x38;
	[tilespmem:$0x16400] =	vst v63  }
0x7a: {  	_ =	swait.ge [sflag:s11], $0x2000  }
0x7b: {  	[sflag:s11] =	ssyncset.done $0x0  }
0x7c: {  	s23 =	simm.s32 $0x578;
	[sflag:s11] =	ssyncadd.s32 $0xFFFFE000  }
0x7d: {  	[tilespmem:s0], [sflag:$0x7] =	stream.indirect.gather [hbm4b:s3+s15], $0x40, s23, s15, $0xb8;
	[tilespmem:$0x16400] =	vst v63  }
0x7e: {  	s29 =	simm.s32 $0x4;
	_ =	swait.ge [sflag:s26], $0x1200  }
0x7f: {  	s28 =	simm.s32 $0x1;
	s25 =	rddreg [dreg:$0x5];
	[sflag:s26] =	ssyncset.done $0x0  }
0x80: {  	s14 =	simm.s32 $0x640;
	[sflag:s26] =	ssyncadd.s32 $0xFFFFEE00;
	s4 =	sadd.s32 $0x0, s25  }
0x81: {  	[hbm4b:s4+s24] =	stream.strided.scatter [tilespmem:s20], [sflag:$0xC], $0x1200, s15, s24, $0x38;
	[tilespmem:$0x16400] =	vst v63  }
0x82: {  	s13 =	simm.s32 $0x5F8;
	s22 =	simm.s32 $0x8400;
	_ =	swait.ge [sflag:s12], $0x1200  }
0x83: {  	s19 =	simm.s32 $0x3;
	s26 =	simm.s32 $0xA400;
	[sflag:s12] =	ssyncset.done $0x0  }
0x84: {  	s4 =	simm.s32 $0x3200;
	s20 =	simm.s32 $0x6400;
	[sflag:s12] =	ssyncadd.s32 $0xFFFFEE00  }
.LBB2_2:
0x85: {  	s25 =	simm.s32 $0x14400;
	s0 =	simm.s32 $0x5  }
0x86: {  	[tilespmem:s25], [sflag:$0x8] =	stream.indirect.gather [hbm4b:s3+s17], $0x40, s13, s17, $0xb8;
	[tilespmem:$0x16400] =	vst v63  }
0x87: {  	_ =	swait.ge [sflag:s0], $0x2000  }
0x88: {  	s13 =	smov.u32 s4;
	s16 =	rddreg [dreg:$0x4]  }
0x89: {  	[sflag:s0] =	ssyncset.done $0x0;
	s16 =	sadd.s32 s13, s16  }
0x8a: {  	s1 =	simm.s32 $0xE400;
	[sflag:s0] =	ssyncadd.s32 $0xFFFFE000;
	s18 =	sadd.s32 $0x1900, s16  }
0x8b: {  	[hbm4b:s18+s24] =	stream.strided.scatter [tilespmem:s1], [sflag:$0xD], $0x2000, s15, s24, $0x38;
	[tilespmem:$0x16400] =	vst v63  }
0x8c: {  	s18 =	simm.s32 $0x9  }
0x8d: {  	_ =	swait.ge [sflag:s18], $0x2000  }
0x8e: {  	[sflag:s18] =	ssyncset.done $0x0  }
0x8f: {  	[sflag:s18] =	ssyncadd.s32 $0xFFFFE000  }
0x90: {  	[tilespmem:s20], [sflag:$0x1] =	stream.indirect.gather [hbm4b:s3+s15], $0x40, s14, s15, $0xb8;
	[tilespmem:$0x16400] =	vst v63  }
0x91: {  	_ =	swait.ge [sflag:s21], $0x1200  }
0x92: {  	s23 =	rddreg [dreg:$0x7];
	[sflag:s21] =	ssyncset.done $0x0  }
0x93: {  	[sflag:s21] =	ssyncadd.s32 $0xFFFFEE00;
	s18 =	sadd.s32 s13, s23;
	s23 =	simm.s32 $0x10400  }
0x94: {  	[hbm4b:s18+s24] =	stream.strided.scatter [tilespmem:s23], [sflag:$0xE], $0x1200, s15, s24, $0x38;
	[tilespmem:$0x16400] =	vst v63  }
0x95: {  	_ =	swait.ge [sflag:s2], $0x1200  }
0x96: {  	[sflag:s2] =	ssyncset.done $0x0  }
0x97: {  	s0 =	sadd.s32 $0x80, s14;
	[sflag:s2] =	ssyncadd.s32 $0xFFFFEE00  }
0x98: {  	[tilespmem:s22], [sflag:$0x2] =	stream.indirect.gather [hbm4b:s3+s17], $0x40, s0, s17, $0xb8;
	[tilespmem:$0x16400] =	vst v63  }
0x99: {  	_ =	swait.ge [sflag:s5], $0x2000  }
0x9a: {  	[sflag:s5] =	ssyncset.done $0x0  }
0x9b: {  	s18 =	sadd.s32 $0x2580, s16;
	s0 =	simm.s32 $0x12400;
	[sflag:s5] =	ssyncadd.s32 $0xFFFFE000  }
0x9c: {  	[hbm4b:s18+s24] =	stream.strided.scatter [tilespmem:s0], [sflag:$0xF], $0x2000, s15, s24, $0x38;
	[tilespmem:$0x16400] =	vst v63  }
0x9d: {  	_ =	swait.ge [sflag:s6], $0x2000  }
0x9e: {  	[sflag:s6] =	ssyncset.done $0x0  }
0x9f: {  	s18 =	sadd.s32 $0xC8, s14;
	[sflag:s6] =	ssyncadd.s32 $0xFFFFE000  }
0xa0: {  	[tilespmem:s26], [sflag:$0x3] =	stream.indirect.gather [hbm4b:s3+s15], $0x40, s18, s15, $0xb8;
	[tilespmem:$0x16400] =	vst v63  }
0xa1: {  	_ =	swait.ge [sflag:s7], $0x1200  }
0xa2: {  	s18 =	rddreg [dreg:$0x6];
	[sflag:s7] =	ssyncset.done $0x0  }
0xa3: {  	[sflag:s7] =	ssyncadd.s32 $0xFFFFEE00;
	s18 =	sadd.s32 s13, s18  }
0xa4: {  	[hbm4b:s18+s24] =	stream.strided.scatter [tilespmem:s25], [sflag:$0x10], $0x1200, s15, s24, $0x38;
	[tilespmem:$0x16400] =	vst v63  }
0xa5: {  	_ =	swait.ge [sflag:s8], $0x1200  }
0xa6: {  	[sflag:s8] =	ssyncset.done $0x0  }
0xa7: {  	s25 =	sadd.s32 $0x148, s14;
	[sflag:s8] =	ssyncadd.s32 $0xFFFFEE00  }
0xa8: {  	[tilespmem:s30], [sflag:$0x4] =	stream.indirect.gather [hbm4b:s3+s17], $0x40, s25, s17, $0xb8;
	[tilespmem:$0x16400] =	vst v63  }
0xa9: {  	_ =	swait.ge [sflag:s28], $0x2000  }
0xaa: {  	[sflag:s28] =	ssyncset.done $0x0  }
0xab: {  	s25 =	sadd.s32 $0x3200, s16;
	[sflag:s28] =	ssyncadd.s32 $0xFFFFE000  }
0xac: {  	[hbm4b:s25+s24] =	stream.strided.scatter [tilespmem:s20], [sflag:$0x9], $0x2000, s15, s24, $0x38;
	[tilespmem:$0x16400] =	vst v63  }
0xad: {  	_ =	swait.ge [sflag:s9], $0x2000  }
0xae: {  	[sflag:s9] =	ssyncset.done $0x0  }
0xaf: {  	s18 =	sadd.s32 $0x190, s14;
	[sflag:s9] =	ssyncadd.s32 $0xFFFFE000  }
0xb0: {  	[tilespmem:s1], [sflag:$0x5] =	stream.indirect.gather [hbm4b:s3+s15], $0x40, s18, s15, $0xb8;
	[tilespmem:$0x16400] =	vst v63  }
0xb1: {  	_ =	swait.ge [sflag:s31], $0x1200  }
0xb2: {  	s1 =	rddreg [dreg:$0x3];
	[sflag:s31] =	ssyncset.done $0x0  }
0xb3: {  	[sflag:s31] =	ssyncadd.s32 $0xFFFFEE00;
	s18 =	sadd.s32 s13, s1  }
0xb4: {  	[hbm4b:s18+s24] =	stream.strided.scatter [tilespmem:s22], [sflag:$0xA], $0x1200, s15, s24, $0x38;
	[tilespmem:$0x16400] =	vst v63  }
0xb5: {  	_ =	swait.ge [sflag:s10], $0x1200  }
0xb6: {  	[sflag:s10] =	ssyncset.done $0x0  }
0xb7: {  	s18 =	sadd.s32 $0x210, s14;
	[sflag:s10] =	ssyncadd.s32 $0xFFFFEE00  }
0xb8: {  	[tilespmem:s23], [sflag:$0x6] =	stream.indirect.gather [hbm4b:s3+s17], $0x40, s18, s17, $0xb8;
	[tilespmem:$0x16400] =	vst v63  }
0xb9: {  	_ =	swait.ge [sflag:s19], $0x2000  }
0xba: {  	[sflag:s19] =	ssyncset.done $0x0  }
0xbb: {  	s16 =	sadd.s32 $0x3E80, s16;
	[sflag:s19] =	ssyncadd.s32 $0xFFFFE000  }
0xbc: {  	[hbm4b:s16+s24] =	stream.strided.scatter [tilespmem:s26], [sflag:$0xB], $0x2000, s15, s24, $0x38;
	[tilespmem:$0x16400] =	vst v63  }
0xbd: {  	_ =	swait.ge [sflag:s11], $0x2000  }
0xbe: {  	[sflag:s11] =	ssyncset.done $0x0  }
0xbf: {  	s23 =	sadd.s32 $0x258, s14;
	[sflag:s11] =	ssyncadd.s32 $0xFFFFE000  }
0xc0: {  	[tilespmem:s0], [sflag:$0x7] =	stream.indirect.gather [hbm4b:s3+s15], $0x40, s23, s15, $0xb8;
	[tilespmem:$0x16400] =	vst v63  }
0xc1: {  	_ =	swait.ge [sflag:s29], $0x1200  }
0xc2: {  	p0 =	sne.s32 s4, $0x5DC00;
	s23 =	rddreg [dreg:$0x5];
	[sflag:s29] =	ssyncset.done $0x0  }
.Ltmp0:
0xc3: {  	[sflag:s29] =	ssyncadd.s32 $0xFFFFEE00;
	s13 =	sadd.s32 s13, s23;
	(pc) =	sbr.rel @p0 .LBB2_2-.Ltmp0, $4  }
0xc4: {  	[hbm4b:s13+s24] =	stream.strided.scatter [tilespmem:s30], [sflag:$0xC], $0x1200, s15, s24, $0x38;
	[tilespmem:$0x16400] =	vst v63  }
0xc5: {  	s4 =	sadd.s32 $0x3200, s4;
	s25 =	simm.s32 $0xE400;
	_ =	swait.ge [sflag:s12], $0x1200  }
0xc6: {  	s1 =	simm.s32 $0x10400;
	s18 =	simm.s32 $0x12400;
	[sflag:s12] =	ssyncset.done $0x0  }
0xc7: {  	s13 =	sadd.s32 $0x2D8, s14;
	s14 =	sadd.s32 $0x320, s14;
	[sflag:s12] =	ssyncadd.s32 $0xFFFFEE00  }
0xc8: {  	s14 =	simm.s32 $0x14400;
	s0 =	simm.s32 $0x5  }
0xc9: {  	[tilespmem:s14], [sflag:$0x8] =	stream.indirect.gather [hbm4b:s3+s17], $0x40, s13, s17, $0xb8;
	[tilespmem:$0x16400] =	vst v63  }
0xca: {  	_ =	swait.ge [sflag:s0], $0x2000  }
0xcb: {  	[sflag:s0] =	ssyncset.done $0x0  }
0xcc: {  	s4 =	rddreg [dreg:$0xd];
	[sflag:s0] =	ssyncadd.s32 $0xFFFFE000  }
0xcd: {  	[hbm4b:s4+s24] =	stream.strided.scatter [tilespmem:s25], [sflag:$0xD], $0x2000, s15, s24, $0x38;
	[tilespmem:$0x16400] =	vst v63  }
0xce: {  	_ =	swait.ge [sflag:s21], $0x1200  }
0xcf: {  	[sflag:s21] =	ssyncset.done $0x0  }
0xd0: {  	s22 =	rddreg [dreg:$0xe];
	[sflag:s21] =	ssyncadd.s32 $0xFFFFEE00  }
0xd1: {  	[hbm4b:s22+s24] =	stream.strided.scatter [tilespmem:s1], [sflag:$0xE], $0x1200, s15, s24, $0x38;
	[tilespmem:$0x16400] =	vst v63  }
0xd2: {  	_ =	swait.ge [sflag:s5], $0x2000  }
0xd3: {  	[sflag:s5] =	ssyncset.done $0x0  }
0xd4: {  	s23 =	rddreg [dreg:$0xf];
	[sflag:s5] =	ssyncadd.s32 $0xFFFFE000  }
0xd5: {  	[hbm4b:s23+s24] =	stream.strided.scatter [tilespmem:s18], [sflag:$0xF], $0x2000, s15, s24, $0x38;
	[tilespmem:$0x16400] =	vst v63  }
0xd6: {  	_ =	swait.ge [sflag:s7], $0x1200  }
0xd7: {  	[sflag:s7] =	ssyncset.done $0x0  }
0xd8: {  	s26 =	simm.s32 $0x9;
	s25 =	rddreg [dreg:$0x10];
	[sflag:s7] =	ssyncadd.s32 $0xFFFFEE00  }
0xd9: {  	[hbm4b:s25+s24] =	stream.strided.scatter [tilespmem:s14], [sflag:$0x10], $0x1200, s15, s24, $0x38;
	[tilespmem:$0x16400] =	vst v63  }
0xda: {  	_ =	swait.ge [sflag:s26], $0x2000  }
0xdb: {  	[sflag:s26] =	ssyncset.done $0x0  }
0xdc: {  	[sflag:s26] =	ssyncadd.s32 $0xFFFFE000  }
0xdd: {  	_ =	swait.ge [sflag:s2], $0x1200  }
0xde: {  	[sflag:s2] =	ssyncset.done $0x0  }
0xdf: {  	[sflag:s2] =	ssyncadd.s32 $0xFFFFEE00  }
0xe0: {  	_ =	swait.ge [sflag:s6], $0x2000  }
0xe1: {  	[sflag:s6] =	ssyncset.done $0x0  }
0xe2: {  	[sflag:s6] =	ssyncadd.s32 $0xFFFFE000  }
0xe3: {  	_ =	swait.ge [sflag:s8], $0x1200  }
0xe4: {  	[sflag:s8] =	ssyncset.done $0x0  }
0xe5: {  	[sflag:s8] =	ssyncadd.s32 $0xFFFFEE00  }
0xe6: {  	_ =	swait.ge [sflag:s9], $0x2000  }
0xe7: {  	[sflag:s9] =	ssyncset.done $0x0  }
0xe8: {  	[sflag:s9] =	ssyncadd.s32 $0xFFFFE000  }
0xe9: {  	_ =	swait.ge [sflag:s10], $0x1200  }
0xea: {  	[sflag:s10] =	ssyncset.done $0x0  }
0xeb: {  	[sflag:s10] =	ssyncadd.s32 $0xFFFFEE00  }
0xec: {  	_ =	swait.ge [sflag:s11], $0x2000  }
0xed: {  	[sflag:s11] =	ssyncset.done $0x0  }
0xee: {  	[sflag:s11] =	ssyncadd.s32 $0xFFFFE000  }
0xef: {  	_ =	swait.ge [sflag:s12], $0x1200  }
0xf0: {  	s28 =	rddreg [dreg:$0x12]  }
0xf1: {  	s29 =	rddreg [dreg:$0x11];
	s0 =	sadd.s32 $0x1, s28  }
0xf2: {  	p0 =	sne.s32 s0, s29  }
.Ltmp1:
0xf3: {  	_ = 	snop;
	(pc) =	sbr.rel @p0 .LBB2_1-.Ltmp1, $4  }
0xf4: {  	s16 =	simm.s32 $0x8400  }
0xf5: {  	s20 =	simm.s32 $0xC400;
	s19 =	simm.s32 $0x3;
	s18 =	simm.s32 $0xA400  }
0xf6: {  	s23 =	simm.s32 $0x1;
	s14 =	simm.s32 $0x6400;
	[sflag:s12] =	ssyncset.done $0x0  }
0xf7: {  	s25 =	simm.s32 $0x2;
	s26 =	simm.s32 $0x4;
	[sflag:s12] =	ssyncadd.s32 $0xFFFFEE00  }
0xf8: {  	_ =	sfence.sel $0x180000  }
0xf9: {  	[bflag:$0x0] =	sbarrier.arrive $0xFFFF  }
0xfa: {  	_ =	strace $0x90000047  }
0xfb: {  	s0 =	stileid.u32;
	[bflag:$0x2] =	sbarrier.arrive $0xFFFF  }
0xfc: {  	p0 =	sne.s32 s0, $0x0;
	s0 =	rddreg [dreg:$0x2]  }
0xfd: {  	s0 =	sadd.s32 @!p0 $0x100000, s0  }
0xfe: {  	[sflag:s0] =	ssyncadd.tile.s32 @!p0 $0x1;
	_ =	shalt  }
.Lfunc_end2:
_tile_overlayer_lowered:
.L_overlay_start_2:
0xff: {  	(tag) =	ssettag $0x2  }
0x100: {  	s0 =	rddreg [dreg:$0x0];
	s2 =	stileid.u32  }
0x101: {  	s1 =	rddreg [dreg:$0x1];
	p0 =	sne.s32 s2, $0x0  }
0x102: {  	s3 =	rddreg [dreg:$0x2];
	[bflag:$0x3] =	sbarrier.arrive $0xFFFF;
	s2 =	simm.s32 @!p0 $0x1C11  }
0x103: {  	[timem:s3], [sflag:s2] =	dma.local @!p0 [hbm:s0], s1  }
0x104: {  	s0 =	simm.s32 @!p0 $0x11  }
0x105: {  	_ =	swait.ge @!p0 [sflag:s0], s1  }
0x106: {  	s1 =	ssub.s32 @!p0 $0x0, s1;
	[sflag:s0] =	ssyncset.done @!p0 $0x0  }
0x107: {  	[sflag:s0] =	ssyncadd.s32 @!p0 s1  }
0x108: {  	[bflag:$0x3] =	sbarrier.arrive $0xFFFF  }
0x109: {  	_ =	shalt  }

// kernel: sparse-core-data-format-call.cloned.1.call-start
scs
called_computation_lowered:
.L_overlay_start_0:
0x0: {  	s2 =	sld [smem:$0x3FD9]  }
0x1: {  	s3 =	sld [smem:$0x3FFE];
	_ =	sdelay $0x1  }
0x2: {  	s1 =	srdreg.scid  }
0x3: {  	s0 =	sand.u32 $0x1, s1  }
0x4: {  	s18 =	sshll.u32 s0, $0xA;
	s2 =	sadd.s32 s3, s2  }
0x5: {  	s2 =	sadd.s32 s2, s18  }
0x6: {  	[smem:$0x3FC6] =	sst s2  }
0x7: {  	_ = 	snop  }
0x8: {  	s2 =	sld [smem:$0x3FD0];
	(tm) =	ssettm $0x1  }
0x9: {  	s19 =	sld [smem:$0x3FFB];
	_ =	sdelay $0x3  }
0xa: {  	_ =	strace s19  }
0xb: {  	s3 =	sld [smem:$0x3FFC];
	_ =	sdelay $0x3  }
0xc: {  	_ =	strace s3  }
0xd: {  	s3 =	sld [smem:$0x3FFD];
	_ =	sdelay $0x3  }
0xe: {  	_ =	strace s3  }
0xf: {  	_ =	strace $0x8FFFFFFF  }
0x10: {  	s20 =	sld [smem:$0x3FDB];
	_ =	sdelay $0x1  }
0x11: {  	s4 =	simm.s32 $_scs_section_size  }
0x12: {  	s5 =	simm.s32 $_size__tile_overlayer_lowered;
	s6 =	simm.s32 $_tile_overlayer_lowered  }
0x13: {  	s23 =	simm.s32 $0x1BFF;
	s22 =	sshll.u32 s6, $0x1;
	s3 =	sadd.s32 s4, s20  }
0x14: {  	s7 =	simm.s32 $0x0;
	s21 =	sshll.u32 s5, $0x1;
	s5 =	sadd.s32 s22, s3  }
0x15: {  	[timem:s7], [sflag:s23] =	dma.local [hbm:s5], s21  }
0x16: {  	_ =	swait.ge [sflag:s23], s21  }
0x17: {  	s4 =	ssub.s32 $0x0, s21;
	[sflag:s23] =	ssyncset.done $0x0  }
0x18: {  	[sflag:s23] =	ssyncadd.s32 s4;
	_ =	sdelay $0x1  }
0x19: {  	s24 =	simm.s32 $0x1B8B  }
0x1a: {  	_ =	swait.ge [sflag:s24], $0x1  }
0x1b: {  	[sflag:s24] =	ssyncset.done $0x0  }
0x1c: {  	s26 =	simm.s32 $0x1B8E;
	s25 =	sld [smem:$0x3FFE];
	[sflag:s24] =	ssyncadd.s32 $0xFFFFFFFF  }
0x1d: {  	s27 =	simm.s32 $execute0_lowered;
	[smem:$0x3FD2] =	sst s26  }
0x1e: {  	s5 =	sshll.u32 s27, $0x1;
	_ =	strace $0x80000049;
	[dreg:$0x1] =	wrdreg $0xFFFFFFFF  }
0x1f: {  	s28 =	simm.s32 $_size_execute0_lowered;
	s3 =	sadd.s32 s3, s5;
	[dreg:$0x0] =	wrdreg $0x0  }
0x20: {  	s5 =	sshll.u32 s28, $0x1;
	[dreg:$0x2] =	wrdreg s3  }
0x21: {  	[dreg:$0x3] =	wrdreg s5  }
0x22: {  	[dreg:$0x4] =	wrdreg $0xC0  }
0x23: {  	_ =	task [dreg:s7], $0x5FFFF  }
0x24: {  	[dreg:$0x1] =	wrdreg $0xFFFFFFFF  }
0x25: {  	[dreg:$0x0] =	wrdreg $0x60  }
0x26: {  	[dreg:$0x2] =	wrdreg s25  }
0x27: {  	[dreg:$0x3] =	wrdreg s2  }
0x28: {  	[dreg:$0x4] =	wrdreg $0x9  }
0x29: {  	_ =	task.clear_ibuf [dreg:s7], $0x5FFFF;
	_ =	strace $0x90000049  }
0x2a: {  	s29 =	simm.s32 $0x9;
	_ =	strace $0x8000004B  }
0x2b: {  	_ =	swait.ge [sflag:s29], $0x1  }
0x2c: {  	[sflag:s29] =	ssyncadd.s32 $0xFFFFFFFF  }
0x2d: {  	_ =	strace $0x9000004B  }
0x2e: {  	_ =	sfence  }
0x2f: {  	s30 =	sld [smem:$0x0];
	_ =	sdelay $0x2  }
0x30: {  	s31 =	sshll.u32 s1, $0xD;
	s1 =	sshrl.u32 s1, $0x2  }
0x31: {  	s3 =	sand.u32 $0x4000, s31;
	s1 =	sadd.s32 s1, s30  }
0x32: {  	s0 =	sor.u32 s3, s0;
	s1 =	sshll.u32 s1, $0x11  }
0x33: {  	s0 =	sor.u32 s1, s0  }
0x34: {  	s0 =	sadd.s32 $0x8F2B, s0  }
0x35: {  	[sflag:s0] =	ssyncadd.remote.s32 $0x1  }
0x36: {  	_ =	sfence.sel $0xFFFF  }
0x37: {  	[dreg:$0x0] =	wrdreg $0xFFFFFFFF;
	(pc) =	sbr.abs _section_cstart, $3  }
0x38: {  	[dreg:$0x1] =	wrdreg $0xFFFFFFFF  }
0x39: {  	_ =	task.clear_ibuf [dreg:s7], $0x2FFFF;
	_ =	strace $0x9FFFFFFF  }
0x3a: {  	(tm) =	ssettm $0x7FFFFFFF  }
0x3b: {  	_ =	shalt  }
tec
execute0_lowered:
.L_overlay_start_1:
0x0: {  	(tag) =	ssettag $0x1  }
0x1: {  	s0 =	srdreg.scid  }
0x2: {  	s1 =	sshll.u32 s0, $0x4  }
0x3: {  	s0 =	stileid.u32;
	s1 =	sand.u32 $0x10, s1  }
0x4: {  	s1 =	sor.u32 s0, s1  }
0x5: {  	s6 =	rddreg [dreg:$0x0];
	s4 =	simm.s32 $0x1;
	s2 =	sshll.u32 s1, $0x7  }
0x6: {  	s7 =	simm.s32 $0x2;
	s12 =	simm.s32 $0x0;
	s1 =	ssub.s32 $0x1000, s2  }
0x7: {  	s8 =	simm.s32 $0x8000;
	s13 =	simm.s32 $0x0;
	s3 =	sand.u32 $0xF80, s1  }
0x8: {  	s9 =	simm.s32 $0x0;
	s5 =	sshrl.u32 s1, $0xC;
	p0 =	sne.s32 s3, $0x0  }
.Ltmp0:
0x9: {  	s1 =	rddreg [dreg:$0x2];
	s4 =	simm.s32 @!p0 $0x0;
	(pc) =	sbr.rel .LBB1_1-.Ltmp0, $4  }
0xa: {  	s11 =	simm.s32 $0x0;
	s3 =	rddreg [dreg:$0x1];
	s5 =	sadd.s32 s4, s5  }
0xb: {  	_ =	strace $0x8000004A;
	s4 =	simm.s32 $0x1;
	s5 =	smul.u32 $0xC8, s5  }
0xc: {  	s6 =	sadd.s32 $0xA00, s6;
	s10 =	smov.u32 s2;
	[sflag:s4] =	ssyncpa.u1 $0x0  }
0xd: {  	p0 =	por $0x0, $0x0;
	[sflag:s7] =	ssyncpa.u1 $0x0;
	s7 =	sor.u32 $0x1, s5  }
.LBB1_4:
0xe: {  	s16 =	sshll.u32 s13, $0x3;
	s17 =	sand.u32 $0x78, s13  }
0xf: {  	s30 =	sand.u32 $0x7E00, s13;
	s12 =	sshll.u32 s12, $0xF;
	s16 =	sand.u32 $0xC00, s16  }
0x10: {  	[tilespmem:s15+$0x810 ss:$0x81] =	vst.msk $0xffff, v2;
	s31 =	sand.u32 $0x7, s13;
	s16 =	sor.u32 s17, s16;
	s17 =	sadd.s32 s3, s30  }
0x11: {  	[tilespmem:s15+$0x1020 ss:$0x81] =	vst.msk $0xffff, v0;
	s13 =	sshll.u32 s31, $0x12;
	s12 =	sadd.s32 s12, s17;
	s16 =	sshrl.u32 s16, $0x3  }
0x12: {  	[tilespmem:s15+$0x0 ss:$0x81] =	vst.msk $0xffff, v1;
	s13 =	sor.u32 $0x400, s13;
	s12 =	sadd.s32 s16, s12  }
0x13: {  	[hbm4b:s12+s13] =	stream.strided.scatter [tilespmem:s14], [sflag:$0x2], $0x2000, s8, s13, $0x20;
	[tilespmem:$0x8080] =	vst v63  }
.LBB1_5:
0x14: {  	s14 =	sadd.s32 $0x1, s9  }
0x15: {  	s12 =	sadd.s32 $0x1000, s10;
	s16 =	smov.u32 s10;
	p2 =	sgt.s32 s14, $0xC7  }
0x16: {  	s16 =	smov.u32 @p2 s12  }
0x17: {  	s14 =	simm.s32 @p2 $0x0;
	p2 =	sgt.s32 s16, $0xFFF  }
0x18: {  	s16 =	smov.u32 @p2 s2;
	p2 =	sne.s32 s11, s7  }
.Ltmp1:
0x19: {  	p1 =	slt.u32 s11, $0x2;
	(pc) =	sbr.rel @!p2 .LBB1_6-.Ltmp1, $4  }
0x1a: {  	s15 =	simm.s32 @!p1 $0x2  }
0x1b: {  	s13 =	smov.u32 s10;
	p0 =	por !p0, !p0;
	_ =	swait.ge @!p1 [sflag:s15], $0x2000  }
0x1c: {  	s12 =	smov.u32 s9;
	[sflag:s15] =	ssyncset.done @!p1 $0x0;
	s9 =	smov.u32 s14  }
0x1d: {  	s11 =	sadd.s32 $0x1, s11;
	[sflag:s15] =	ssyncadd.s32 @!p1 $0xFFFFE000;
	s10 =	smov.u32 s16  }
.LBB1_1:
0x1e: {  	p1 =	sge.u32 s11, s5  }
0x1f: {  	s14 =	sand.u32 @!p1 $0x1FFFFFF, s9  }
0x20: {  	s15 =	smulhi.u32 @!p1 $0x147AE15, s14;
	_ =	sdelay $0x1  }
0x21: {  	s15 =	smul.u32 @!p1 $0xC8, s15  }
0x22: {  	s16 =	sxor.u32 @!p1 $0xFFFFFFFF, s11;
	s17 =	smul.u32 @!p1 $0xC80, s10  }
0x23: {  	s31 =	sadd.s32 $0xFFFFFFFF, s11;
	s16 =	sshll.u32 @!p1 s16, $0xD;
	s14 =	ssub.s32 @!p1 s14, s15  }
0x24: {  	s15 =	sand.u32 @!p1 $0x2000, s16;
	s16 =	sadd.s32 @!p1 s6, s17;
	s14 =	sshll.u32 @!p1 s14, $0x4  }
0x25: {  	s17 =	simm.s32 @!p1 $0x6400;
	s14 =	sadd.s32 @!p1 s14, s16;
	s16 =	simm.s32 @!p1 $0x40  }
0x26: {  	[tilespmem:s15], [sflag:$0x1] =	stream.strided.gather @!p1 [hbm4b:s14+s16], $0x2000, s17, s16, $0x38;
	[tilespmem:$0x8080] =	vst v63  }
0x27: {  	p1 =	sge.u32 s31, s5  }
.Ltmp2:
0x28: {  	_ = 	snop;
	(pc) =	sbr.rel @p1 .LBB1_5-.Ltmp2, $1  }
0x29: {  	_ =	sdelay $0x3  }
0x2a: {  	s14 =	simm.s32 $0x1  }
0x2b: {  	_ =	swait.ge [sflag:s4], $0x2000;
	s14 =	simm.s32 @!p0 $0x0  }
0x2c: {  	[sflag:s4] =	ssyncset.done $0x0;
	s15 =	sshll.u32 s14, $0xD  }
0x2d: {  	[sflag:s4] =	ssyncadd.s32 $0xFFFFE000;
	s18 =	sor.u32 $0x20, s15  }
0x2e: {  	s14 =	smul.u32 $0x8100, s14;
	v3 =	vld [tilespmem:s18+$0x10]  }
0x2f: {  	s30 =	sand.u32 $0x1, s11;
	v2 =	vld [tilespmem:s18+$0xFFFFFFF0]  }
0x30: {  	s15 =	smul.u32 $0x8100, s30;
	s14 =	sshrl.u32 s14, $0x2;
	v0 =	vld [tilespmem:s18+$0x0]  }
0x31: {  	v1 =	vld [tilespmem:s18+$0xFFFFFFE0];
	s16 =	sor.u32 $0x4000, s14  }
0x32: {  	s31 =	sshrl.u32 s15, $0x2;
	s15 =	sadd.s32 $0x0, s16  }
0x33: {  	s17 =	simm.s32 $0x4;
	s18 =	sadd.s32 $0x40, s18;
	s14 =	sor.u32 $0x4000, s31;
	[tilespmem:s15+$0x1830 ss:$0x81] =	vst.msk $0xffff, v3  }
.LBB1_3:
0x34: {  	v3 =	vld [tilespmem:s18+$0x10];
	p1 =	sne.s32 s17, $0x1FC;
	[tilespmem:s15+$0x810 ss:$0x81] =	vst.msk $0xffff, v2;
	s19 =	smov.u32 s17;
	s17 =	sadd.s32 $0x4, s17  }
.Ltmp3:
0x35: {  	v2 =	vld [tilespmem:s18+$0xFFFFFFF0];
	[tilespmem:s15+$0x1020 ss:$0x81] =	vst.msk $0xffff, v0;
	(pc) =	sbr.rel @p1 .LBB1_3-.Ltmp3, $4  }
0x36: {  	v0 =	vld [tilespmem:s18+$0x0];
	[tilespmem:s15+$0x0 ss:$0x81] =	vst.msk $0xffff, v1  }
0x37: {  	s15 =	sshra.s32 s19, $0x2;
	v1 =	vld [tilespmem:s18+$0xFFFFFFE0]  }
0x38: {  	s15 =	sadd.s32 s15, s16  }
0x39: {  	s18 =	sadd.s32 $0x40, s18;
	[tilespmem:s15+$0x1830 ss:$0x81] =	vst.msk $0xffff, v3  }
.Ltmp4:
0x3a: {  	_ = 	snop;
	(pc) =	sbr.rel .LBB1_4-.Ltmp4, $1  }
0x3b: {  	_ =	sdelay $0x3  }
.LBB1_6:
0x3c: {  	_ =	sfence.sel $0x180000  }
0x3d: {  	s2 =	simm.s32 $0x1;
	[bflag:$0x0] =	sbarrier.arrive $0xFFFF  }
0x3e: {  	s31 =	simm.s32 $0x2;
	[sflag:s2] =	ssyncpa.u1 $0x1  }
0x3f: {  	[sflag:s31] =	ssyncpa.u1 $0x1  }
0x40: {  	p0 =	sne.s32 s0, $0x0;
	_ =	strace $0x9000004A  }
0x41: {  	s0 =	sadd.s32 @!p0 $0x100000, s1;
	[bflag:$0x2] =	sbarrier.arrive $0xFFFF  }
0x42: {  	[sflag:s0] =	ssyncadd.tile.s32 @!p0 $0x1;
	_ =	shalt  }
.Lfunc_end1:
_tile_overlayer_lowered:
.L_overlay_start_2:
0x43: {  	(tag) =	ssettag $0x2  }
0x44: {  	s0 =	rddreg [dreg:$0x0];
	s2 =	stileid.u32  }
0x45: {  	s1 =	rddreg [dreg:$0x1];
	p0 =	sne.s32 s2, $0x0  }
0x46: {  	s3 =	rddreg [dreg:$0x2];
	[bflag:$0x3] =	sbarrier.arrive $0xFFFF;
	s2 =	simm.s32 @!p0 $0x1C01  }
0x47: {  	[timem:s3], [sflag:s2] =	dma.local @!p0 [hbm:s0], s1  }
0x48: {  	s0 =	simm.s32 @!p0 $0x1  }
0x49: {  	_ =	swait.ge @!p0 [sflag:s0], s1  }
0x4a: {  	s1 =	ssub.s32 @!p0 $0x0, s1;
	[sflag:s0] =	ssyncset.done @!p0 $0x0  }
0x4b: {  	[sflag:s0] =	ssyncadd.s32 @!p0 s1  }
0x4c: {  	[bflag:$0x3] =	sbarrier.arrive $0xFFFF  }
0x4d: {  	_ =	shalt  }

</sc_bundles>
